<compile_context>
chip_gen: v7x
topology: tpu7x:2x2x1
jax: 0.10.2.dev20260603
libtpu: 0.0.44.dev20260713+nightly
codegen_flags: <defaults>
</compile_context>

<pallas_src>
import dataclasses
import functools

import jax
import jax.numpy as jnp
from jax import lax
from jax.experimental import pallas as pl
from jax.experimental.pallas import tpu as pltpu
from jax.experimental.pallas import tpu_sc as plsc

N = 10000
NP = 10240
E = 160000
H = 256
HH = 128
OUT = 64
ROWS = 1000
C = 128
NT = 16
KE = E // C
KN = NP // C

_PREC = jax.lax.Precision.HIGHEST



def _tc_first_body(x_ref, w_ref, asv_ref, adv_ref, h_ref, as_ref, ad_ref):
    h = jnp.dot(x_ref[...], w_ref[...], precision=_PREC)
    h_ref[0] = h[:, :HH]
    h_ref[1] = h[:, HH:]
    as_ref[...] = jnp.sum(h * asv_ref[...], axis=1, keepdims=True)
    ad_ref[...] = jnp.sum(h * adv_ref[...], axis=1, keepdims=True)


def _tc_first(x, W, asv, adv):
    grid = (N // ROWS,)
    return pl.pallas_call(
        _tc_first_body,
        grid=grid,
        in_specs=[
            pl.BlockSpec((ROWS, H), lambda i: (i, 0)),
            pl.BlockSpec((H, H), lambda i: (0, 0)),
            pl.BlockSpec((1, H), lambda i: (0, 0)),
            pl.BlockSpec((1, H), lambda i: (0, 0)),
        ],
        out_specs=[
            pl.BlockSpec((2, ROWS, HH), lambda i: (0, i, 0)),
            pl.BlockSpec((ROWS, 1), lambda i: (i, 0)),
            pl.BlockSpec((ROWS, 1), lambda i: (i, 0)),
        ],
        out_shape=[
            jax.ShapeDtypeStruct((2, N, HH), jnp.float32),
            jax.ShapeDtypeStruct((N, 1), jnp.float32),
            jax.ShapeDtypeStruct((N, 1), jnp.float32),
        ],
    )(x, W, asv, adv)


def _node_update(agg_ref, s_ref, b_ref):
    d = s_ref[...] + 1e-16
    x0 = jnp.maximum(agg_ref[0] / d + b_ref[:, :HH], 0.0)
    x1 = jnp.maximum(agg_ref[1] / d + b_ref[:, HH:], 0.0)
    return jnp.concatenate([x0, x1], axis=1)


def _tc_mid_body(agg_ref, s_ref, b_ref, w_ref, asv_ref, adv_ref,
                 x_ref, h_ref, as_ref, ad_ref):
    x = _node_update(agg_ref, s_ref, b_ref)
    x_ref[...] = x
    h = jnp.dot(x, w_ref[...], precision=_PREC)
    h_ref[0] = h[:, :HH]
    h_ref[1] = h[:, HH:]
    as_ref[...] = jnp.sum(h * asv_ref[...], axis=1, keepdims=True)
    ad_ref[...] = jnp.sum(h * adv_ref[...], axis=1, keepdims=True)


def _tc_mid(agg, s, b, W, asv, adv):
    grid = (N // ROWS,)
    return pl.pallas_call(
        _tc_mid_body,
        grid=grid,
        in_specs=[
            pl.BlockSpec((2, ROWS, HH), lambda i: (0, i, 0)),
            pl.BlockSpec((ROWS, 1), lambda i: (i, 0)),
            pl.BlockSpec((1, H), lambda i: (0, 0)),
            pl.BlockSpec((H, H), lambda i: (0, 0)),
            pl.BlockSpec((1, H), lambda i: (0, 0)),
            pl.BlockSpec((1, H), lambda i: (0, 0)),
        ],
        out_specs=[
            pl.BlockSpec((ROWS, H), lambda i: (i, 0)),
            pl.BlockSpec((2, ROWS, HH), lambda i: (0, i, 0)),
            pl.BlockSpec((ROWS, 1), lambda i: (i, 0)),
            pl.BlockSpec((ROWS, 1), lambda i: (i, 0)),
        ],
        out_shape=[
            jax.ShapeDtypeStruct((N, H), jnp.float32),
            jax.ShapeDtypeStruct((2, N, HH), jnp.float32),
            jax.ShapeDtypeStruct((N, 1), jnp.float32),
            jax.ShapeDtypeStruct((N, 1), jnp.float32),
        ],
    )(agg, s, b, W, asv, adv)


def _tc_final_body(x1_ref, x2_ref, agg_ref, s_ref, b_ref,
                   w1_ref, w2_ref, w3_ref, bo_ref, o_ref):
    x3 = _node_update(agg_ref, s_ref, b_ref)
    o = jnp.dot(x1_ref[...], w1_ref[...], precision=_PREC)
    o += jnp.dot(x2_ref[...], w2_ref[...], precision=_PREC)
    o += jnp.dot(x3, w3_ref[...], precision=_PREC)
    o_ref[...] = o + bo_ref[...]


def _tc_final(x1, x2, agg, s, b, W1, W2, W3, bo):
    grid = (N // ROWS,)
    return pl.pallas_call(
        _tc_final_body,
        grid=grid,
        in_specs=[
            pl.BlockSpec((ROWS, H), lambda i: (i, 0)),
            pl.BlockSpec((ROWS, H), lambda i: (i, 0)),
            pl.BlockSpec((2, ROWS, HH), lambda i: (0, i, 0)),
            pl.BlockSpec((ROWS, 1), lambda i: (i, 0)),
            pl.BlockSpec((1, H), lambda i: (0, 0)),
            pl.BlockSpec((H, OUT), lambda i: (0, 0)),
            pl.BlockSpec((H, OUT), lambda i: (0, 0)),
            pl.BlockSpec((H, OUT), lambda i: (0, 0)),
            pl.BlockSpec((1, OUT), lambda i: (0, 0)),
        ],
        out_specs=pl.BlockSpec((ROWS, OUT), lambda i: (i, 0)),
        out_shape=jax.ShapeDtypeStruct((N, OUT), jnp.float32),
    )(x1, x2, agg, s, b, W1, W2, W3, bo)



def _sc_layer_body(h_hbm, src_hbm, dst_hbm, asrc_hbm, adst_hbm,
                   agg_hbm, s_hbm,
                   asrc_v, adst_v, srcb, dstb, exb, rows,
                   acc_sh, s_sh):
    c = lax.axis_index("c")
    t = lax.axis_index("s")

    zv = jnp.zeros((16,), jnp.float32)

    @pl.loop(0, C)
    def _(i):
        for j in range(HH // 16):
            rows[i, pl.ds(j * 16, 16)] = zv

    @pl.loop(0, C // 16)
    def _(i):
        exb[pl.ds(i * 16, 16)] = zv

    @pl.loop(0, KN // NT)
    def _(i):
        off = (t * (KN // NT) + i) * C
        pltpu.sync_copy(rows, acc_sh.at[pl.ds(off, C)])
        pltpu.sync_copy(exb, s_sh.at[pl.ds(off, C)])

    pltpu.sync_copy(asrc_hbm, asrc_v)
    pltpu.sync_copy(adst_hbm, adst_v)
    plsc.subcore_barrier()

    @pl.loop(0, pl.cdiv(KE, NT))
    def _(j):
        k = j * NT + t

        @pl.when(k < KE)
        def _():
            off = k * C
            pltpu.sync_copy(src_hbm.at[pl.ds(off, C)], srcb)
            pltpu.sync_copy(dst_hbm.at[pl.ds(off, C)], dstb)
            for jj in range(C // 16):
                sl = pl.ds(jj * 16, 16)
                si = srcb[sl]
                di = dstb[sl]
                e = (plsc.load_gather(asrc_v, [si])
                     + plsc.load_gather(adst_v, [di]))
                e = jnp.maximum(e, 0.2 * e)
                exb[sl] = jnp.exp(e)
            pltpu.sync_copy(h_hbm.at[c].at[srcb], rows)

            @pl.loop(0, C)
            def _(i):
                wv = plsc.load_gather(exb, [jnp.full((16,), i, jnp.int32)])
                for jj in range(HH // 16):
                    sl = pl.ds(jj * 16, 16)
                    rows[i, sl] = rows[i, sl] * wv

            pltpu.sync_copy(rows, acc_sh.at[dstb], add=True)
            pltpu.sync_copy(exb, s_sh.at[dstb], add=True)

    plsc.subcore_barrier()

    @pl.loop(0, KN // NT)
    def _(i):
        off = (t * (KN // NT) + i) * C
        pltpu.sync_copy(acc_sh.at[pl.ds(off, C)],
                        agg_hbm.at[c].at[pl.ds(off, C)])
        pltpu.sync_copy(s_sh.at[pl.ds(off, C)],
                        s_hbm.at[c].at[pl.ds(off, C)])


_SC_MESH = plsc.VectorSubcoreMesh(core_axis_name="c", subcore_axis_name="s")

_SC_PARAMS = pltpu.CompilerParams()
if "needs_layout_passes" in pltpu.CompilerParams.__dataclass_fields__:
    _SC_PARAMS = dataclasses.replace(_SC_PARAMS, needs_layout_passes=False)


@functools.partial(
    pl.kernel,
    compiler_params=_SC_PARAMS,
    out_type=[
        jax.ShapeDtypeStruct((2, NP, HH), jnp.float32),
        jax.ShapeDtypeStruct((2, NP), jnp.float32),
    ],
    mesh=_SC_MESH,
    scratch_types=[
        pltpu.VMEM((N,), jnp.float32),
        pltpu.VMEM((N,), jnp.float32),
        pltpu.VMEM((C,), jnp.int32),
        pltpu.VMEM((C,), jnp.int32),
        pltpu.VMEM((C,), jnp.float32),
        pltpu.VMEM((C, HH), jnp.float32),
        pltpu.VMEM_SHARED((NP, HH), jnp.float32),
        pltpu.VMEM_SHARED((NP,), jnp.float32),
    ],
)
def _sc_layer(h_hbm, src_hbm, dst_hbm, asrc_hbm, adst_hbm, agg_hbm, s_hbm,
              asrc_v, adst_v, srcb, dstb, exb, rows, acc_sh, s_sh):
    _sc_layer_body(h_hbm, src_hbm, dst_hbm, asrc_hbm, adst_hbm,
                   agg_hbm, s_hbm,
                   asrc_v, adst_v, srcb, dstb, exb, rows, acc_sh, s_sh)



def kernel(x, edge_index, W0, as0, ad0, b0, W1, as1, ad1, b1,
           W2, as2, ad2, b2, Wout, bout):
    src = edge_index[0]
    dst = edge_index[1]

    h0, a0s, a0d = _tc_first(x, W0, as0.reshape(1, H), ad0.reshape(1, H))
    agg0, s0 = _sc_layer(h0, src, dst, a0s.reshape(N), a0d.reshape(N))

    x1, h1, a1s, a1d = _tc_mid(agg0, s0[0].reshape(NP, 1), b0.reshape(1, H),
                               W1, as1.reshape(1, H), ad1.reshape(1, H))
    agg1, s1 = _sc_layer(h1, src, dst, a1s.reshape(N), a1d.reshape(N))

    x2, h2, a2s, a2d = _tc_mid(agg1, s1[0].reshape(NP, 1), b1.reshape(1, H),
                               W2, as2.reshape(1, H), ad2.reshape(1, H))
    agg2, s2 = _sc_layer(h2, src, dst, a2s.reshape(N), a2d.reshape(N))

    return _tc_final(x1, x2, agg2, s2[0].reshape(NP, 1), b2.reshape(1, H),
                     Wout[:H], Wout[H:2 * H], Wout[2 * H:], bout.reshape(1, OUT))

# --- scband reference (transcript-rebuilt; emitter-appended) ---
"""Pipeline reference for scband-gat-jk-model-18167711662674 (READ-ONLY COPY).

The authoritative reference and input builder live on the scoring server;
editing this copy changes nothing except your own understanding.
"""

import jax, jax.numpy as jnp
import numpy as np

N = 10000
E = 160000
D = 256
H = 256
L = 3
OUT = 64


def setup_inputs(seed: int = 0):
    key = jax.random.key(seed)
    ks = jax.random.split(key, 2 + 4 * L + 2)
    inp = {}
    inp["x"] = jax.random.normal(ks[0], (N, D), dtype=jnp.float32)
    inp["edge_index"] = jax.random.randint(ks[1], (2, E), 0, N, dtype=jnp.int32)
    dims = [D] + [H] * (L - 1)
    for l in range(L):
        kW, ka, kb = ks[2 + 4 * l], ks[3 + 4 * l], ks[4 + 4 * l]
        inp[f"W{l}"] = jax.random.normal(kW, (dims[l], H), dtype=jnp.float32) * (1.0 / np.sqrt(dims[l]))
        inp[f"as{l}"] = jax.random.normal(ka, (H,), dtype=jnp.float32) * 0.1
        inp[f"ad{l}"] = jax.random.normal(kb, (H,), dtype=jnp.float32) * 0.1
        inp[f"b{l}"] = jnp.zeros((H,), dtype=jnp.float32)
    inp["Wout"] = jax.random.normal(ks[-2], (H * L, OUT), dtype=jnp.float32) * (1.0 / np.sqrt(H * L))
    inp["bout"] = jnp.zeros((OUT,), dtype=jnp.float32)
    return inp


def _gat_layer(x, src, dst, W, a_src, a_dst, b):
    # PyG GATConv, heads=1: h = x W; e_ij = LeakyReLU(a_src.h_j + a_dst.h_i)
    # alpha = softmax over incoming edges of each dst node; out_i = sum_j alpha_ij h_j + b
    h = x @ W
    alpha_src = (h * a_src).sum(axis=-1)
    alpha_dst = (h * a_dst).sum(axis=-1)
    e = alpha_src[src] + alpha_dst[dst]
    e = jnp.where(e > 0, e, 0.2 * e)  # LeakyReLU, negative_slope=0.2
    m = jax.ops.segment_max(e, dst, num_segments=N)
    m = jnp.where(jnp.isfinite(m), m, 0.0)
    ex = jnp.exp(e - jax.lax.stop_gradient(m)[dst])
    s = jax.ops.segment_sum(ex, dst, num_segments=N)
    w = ex / (s[dst] + 1e-16)
    out = jax.ops.segment_sum(w[:, None] * h[src], dst, num_segments=N)
    return out + b


def reference(x, edge_index, W0, as0, ad0, b0, W1, as1, ad1, b1, W2, as2, ad2, b2, Wout, bout):
    src = edge_index[0]
    dst = edge_index[1]
    params = [(W0, as0, ad0, b0), (W1, as1, ad1, b1), (W2, as2, ad2, b2)]
    outs = []
    h = x
    for (W, a_s, a_d, b) in params:
        h = _gat_layer(h, src, dst, W, a_s, a_d, b)
        h = jax.nn.relu(h)  # Dropout p=0.0 -> identity
        outs.append(h)
    x_jk = jnp.concatenate(outs, axis=-1)  # JumpingKnowledge 'cat'
    return x_jk @ Wout + bout

if __name__ == "__main__":
    import jax
    _d = setup_inputs()
    print(jax.jit(kernel)(*tuple(_d.values())))

</pallas_src>

<mosaic_0001>
#map = affine_map<(d0, d1) -> (0, 0, 0)>
#map1 = affine_map<(d0, d1) -> (0)>
#map2 = affine_map<(d0, d1) -> (0, 0)>
module attributes {stable_mosaic.version = 14 : i64} {
  func.func @_sc_layer(%arg0: i32, %arg1: i32, %arg2: memref<2x10000x128xf32, #tpu.memory_space<hbm>>, %arg3: memref<160000xi32, #tpu.memory_space<hbm>>, %arg4: memref<160000xi32, #tpu.memory_space<hbm>>, %arg5: memref<10000xf32, #tpu.memory_space<hbm>>, %arg6: memref<10000xf32, #tpu.memory_space<hbm>>, %arg7: memref<2x10240x128xf32, #tpu.memory_space<hbm>>, %arg8: memref<2x10240xf32, #tpu.memory_space<hbm>>, %arg9: memref<10000xf32, #tpu.memory_space<vmem>>, %arg10: memref<10000xf32, #tpu.memory_space<vmem>>, %arg11: memref<128xi32, #tpu.memory_space<vmem>>, %arg12: memref<128xi32, #tpu.memory_space<vmem>>, %arg13: memref<128xf32, #tpu.memory_space<vmem>>, %arg14: memref<128x128xf32, #tpu.memory_space<vmem>>, %arg15: memref<10240x128xf32, #tpu.memory_space<vmem_shared>>, %arg16: memref<10240xf32, #tpu.memory_space<vmem_shared>>) attributes {dimension_semantics = [#tpu.dimension_semantics<core_parallel>, #tpu.dimension_semantics<subcore_parallel>], iteration_bounds = array<i64: 2, 16>, scalar_prefetch = 0 : i64, scratch_operands = 8 : i64, tpu.core_type = #tpu.core_type<sc_vector_subcore>, window_params = [{transform_indices = #map}, {transform_indices = #map1}, {transform_indices = #map1}, {transform_indices = #map1}, {transform_indices = #map1}, {transform_indices = #map}, {transform_indices = #map2}]} {
    %broadcast_in_dim3A = arith.constant 0.000000e+00 : f32
    %broadcast_in_dim3A_0 = vector.broadcast %broadcast_in_dim3A : f32 to vector<16xf32>
    %scan3A = arith.constant 0 : i32
    %scan3A_1 = arith.constant 128 : i32
    %scan3A_2 = arith.addi %scan3A, %scan3A_1 : i32
    %scan3A_3 = arith.constant 1 : i32
    scf.for %scan3A_26 = %scan3A to %scan3A_2 step %scan3A_3  : i32 {
      %mul3A = arith.constant 1 : i32
      %mul3A_27 = arith.muli %scan3A_26, %mul3A : i32
      %add3A = arith.constant 0 : i32
      %add3A_28 = arith.addi %add3A, %mul3A_27 : i32
      %swap3A = arith.index_cast %add3A_28 : i32 to index
      %swap3A_29 = arith.constant 0 : index
      %swap3A_30 = tpu.vector_load %arg14[%swap3A, %swap3A_29] {strides = array<i32>} : memref<128x128xf32, #tpu.memory_space<vmem>>, vector<16xf32>,
      tpu.vector_store %arg14[%swap3A, %swap3A_29], %broadcast_in_dim3A_0 {strides = array<i32>} : memref<128x128xf32, #tpu.memory_space<vmem>>, vector<16xf32>,
      %swap3A_31 = arith.index_cast %add3A_28 : i32 to index
      %swap3A_32 = arith.constant 16 : index
      %swap3A_33 = tpu.vector_load %arg14[%swap3A_31, %swap3A_32] {strides = array<i32>} : memref<128x128xf32, #tpu.memory_space<vmem>>, vector<16xf32>,
      tpu.vector_store %arg14[%swap3A_31, %swap3A_32], %broadcast_in_dim3A_0 {strides = array<i32>} : memref<128x128xf32, #tpu.memory_space<vmem>>, vector<16xf32>,
      %swap3A_34 = arith.index_cast %add3A_28 : i32 to index
      %swap3A_35 = arith.constant 32 : index
      %swap3A_36 = tpu.vector_load %arg14[%swap3A_34, %swap3A_35] {strides = array<i32>} : memref<128x128xf32, #tpu.memory_space<vmem>>, vector<16xf32>,
      tpu.vector_store %arg14[%swap3A_34, %swap3A_35], %broadcast_in_dim3A_0 {strides = array<i32>} : memref<128x128xf32, #tpu.memory_space<vmem>>, vector<16xf32>,
      %swap3A_37 = arith.index_cast %add3A_28 : i32 to index
      %swap3A_38 = arith.constant 48 : index
      %swap3A_39 = tpu.vector_load %arg14[%swap3A_37, %swap3A_38] {strides = array<i32>} : memref<128x128xf32, #tpu.memory_space<vmem>>, vector<16xf32>,
      tpu.vector_store %arg14[%swap3A_37, %swap3A_38], %broadcast_in_dim3A_0 {strides = array<i32>} : memref<128x128xf32, #tpu.memory_space<vmem>>, vector<16xf32>,
      %swap3A_40 = arith.index_cast %add3A_28 : i32 to index
      %swap3A_41 = arith.constant 64 : index
      %swap3A_42 = tpu.vector_load %arg14[%swap3A_40, %swap3A_41] {strides = array<i32>} : memref<128x128xf32, #tpu.memory_space<vmem>>, vector<16xf32>,
      tpu.vector_store %arg14[%swap3A_40, %swap3A_41], %broadcast_in_dim3A_0 {strides = array<i32>} : memref<128x128xf32, #tpu.memory_space<vmem>>, vector<16xf32>,
      %swap3A_43 = arith.index_cast %add3A_28 : i32 to index
      %swap3A_44 = arith.constant 80 : index
      %swap3A_45 = tpu.vector_load %arg14[%swap3A_43, %swap3A_44] {strides = array<i32>} : memref<128x128xf32, #tpu.memory_space<vmem>>, vector<16xf32>,
      tpu.vector_store %arg14[%swap3A_43, %swap3A_44], %broadcast_in_dim3A_0 {strides = array<i32>} : memref<128x128xf32, #tpu.memory_space<vmem>>, vector<16xf32>,
      %swap3A_46 = arith.index_cast %add3A_28 : i32 to index
      %swap3A_47 = arith.constant 96 : index
      %swap3A_48 = tpu.vector_load %arg14[%swap3A_46, %swap3A_47] {strides = array<i32>} : memref<128x128xf32, #tpu.memory_space<vmem>>, vector<16xf32>,
      tpu.vector_store %arg14[%swap3A_46, %swap3A_47], %broadcast_in_dim3A_0 {strides = array<i32>} : memref<128x128xf32, #tpu.memory_space<vmem>>, vector<16xf32>,
      %swap3A_49 = arith.index_cast %add3A_28 : i32 to index
      %swap3A_50 = arith.constant 112 : index
      %swap3A_51 = tpu.vector_load %arg14[%swap3A_49, %swap3A_50] {strides = array<i32>} : memref<128x128xf32, #tpu.memory_space<vmem>>, vector<16xf32>,
      tpu.vector_store %arg14[%swap3A_49, %swap3A_50], %broadcast_in_dim3A_0 {strides = array<i32>} : memref<128x128xf32, #tpu.memory_space<vmem>>, vector<16xf32>,
    }
    %scan3A_4 = arith.constant 128 : i32
    %scan3A_5 = arith.constant 0 : i32
    %scan3A_6 = arith.constant 8 : i32
    %scan3A_7 = arith.addi %scan3A_5, %scan3A_6 : i32
    %scan3A_8 = arith.constant 1 : i32
    scf.for %scan3A_26 = %scan3A_5 to %scan3A_7 step %scan3A_8  : i32 {
      %mul3A = arith.constant 1 : i32
      %mul3A_27 = arith.muli %scan3A_26, %mul3A : i32
      %add3A = arith.constant 0 : i32
      %add3A_28 = arith.addi %add3A, %mul3A_27 : i32
      %mul3A_29 = arith.constant 16 : i32
      %mul3A_30 = arith.muli %add3A_28, %mul3A_29 : i32
      %swap3A = arith.index_cast %mul3A_30 : i32 to index
      %swap3A_31 = tpu.vector_load %arg13[%swap3A] {strides = array<i32>} : memref<128xf32, #tpu.memory_space<vmem>>, vector<16xf32>,
      tpu.vector_store %arg13[%swap3A], %broadcast_in_dim3A_0 {strides = array<i32>} : memref<128xf32, #tpu.memory_space<vmem>>, vector<16xf32>,
    }
    %scan3A_9 = arith.constant 8 : i32
    %scan3A_10 = arith.constant 0 : i32
    %scan3A_11 = arith.constant 5 : i32
    %scan3A_12 = arith.addi %scan3A_10, %scan3A_11 : i32
    %scan3A_13 = arith.constant 1 : i32
    scf.for %scan3A_26 = %scan3A_10 to %scan3A_12 step %scan3A_13  : i32 {
      %mul3A = arith.constant 1 : i32
      %mul3A_27 = arith.muli %scan3A_26, %mul3A : i32
      %add3A = arith.constant 0 : i32
      %add3A_28 = arith.addi %add3A, %mul3A_27 : i32
      %mul3A_29 = arith.constant 5 : i32
      %mul3A_30 = arith.muli %arg1, %mul3A_29 : i32
      %add3A_31 = arith.addi %mul3A_30, %add3A_28 : i32
      %mul3A_32 = arith.constant 128 : i32
      %mul3A_33 = arith.muli %add3A_31, %mul3A_32 : i32
      "tpu.region"() ({
        %run_scoped3A = tpu.sem_alloc : memref<!tpu.dma_semaphore, #tpu.memory_space<semaphore_mem>>
        %dma_start3A = arith.constant 0 : i32
        %dma_start3A_34 = tpu.memref_slice %arg15[%mul3A_33, %dma_start3A] : memref<10240x128xf32, #tpu.memory_space<vmem_shared>> -> memref<128x128xf32, #tpu.memory_space<vmem_shared>>
        %dma_start3A_35 = arith.constant 0 : i32
        %dma_start3A_36 = tpu.memref_slice %arg15[%mul3A_33, %dma_start3A_35] : memref<10240x128xf32, #tpu.memory_space<vmem_shared>> -> memref<128x128xf32, #tpu.memory_space<vmem_shared>>
        tpu.enqueue_dma source(%arg14 : memref<128x128xf32, #tpu.memory_space<vmem>>) target(%dma_start3A_36 : memref<128x128xf32, #tpu.memory_space<vmem_shared>>) target_semaphore(%run_scoped3A : memref<!tpu.dma_semaphore, #tpu.memory_space<semaphore_mem>>)
        %dma_wait3A = arith.constant 0 : i32
        %dma_wait3A_37 = tpu.memref_slice %arg15[%mul3A_33, %dma_wait3A] : memref<10240x128xf32, #tpu.memory_space<vmem_shared>> -> memref<128x128xf32, #tpu.memory_space<vmem_shared>>
        %dma_wait3A_38 = arith.constant 0 : i32
        %dma_wait3A_39 = tpu.memref_slice %arg15[%mul3A_33, %dma_wait3A_38] : memref<10240x128xf32, #tpu.memory_space<vmem_shared>> -> memref<128x128xf32, #tpu.memory_space<vmem_shared>>
        tpu.wait_dma2 semaphore(%run_scoped3A : memref<!tpu.dma_semaphore, #tpu.memory_space<semaphore_mem>>) src(%arg14 : memref<128x128xf32, #tpu.memory_space<vmem>>) dst(%dma_wait3A_39 : memref<128x128xf32, #tpu.memory_space<vmem_shared>>)
        tpu.yield
      }) : () -> ()
      "tpu.region"() ({
        %run_scoped3A = tpu.sem_alloc : memref<!tpu.dma_semaphore, #tpu.memory_space<semaphore_mem>>
        %dma_start3A = tpu.memref_slice %arg16[%mul3A_33] : memref<10240xf32, #tpu.memory_space<vmem_shared>> -> memref<128xf32, #tpu.memory_space<vmem_shared>>
        %dma_start3A_34 = tpu.memref_slice %arg16[%mul3A_33] : memref<10240xf32, #tpu.memory_space<vmem_shared>> -> memref<128xf32, #tpu.memory_space<vmem_shared>>
        tpu.enqueue_dma source(%arg13 : memref<128xf32, #tpu.memory_space<vmem>>) target(%dma_start3A_34 : memref<128xf32, #tpu.memory_space<vmem_shared>>) target_semaphore(%run_scoped3A : memref<!tpu.dma_semaphore, #tpu.memory_space<semaphore_mem>>)
        %dma_wait3A = tpu.memref_slice %arg16[%mul3A_33] : memref<10240xf32, #tpu.memory_space<vmem_shared>> -> memref<128xf32, #tpu.memory_space<vmem_shared>>
        %dma_wait3A_35 = tpu.memref_slice %arg16[%mul3A_33] : memref<10240xf32, #tpu.memory_space<vmem_shared>> -> memref<128xf32, #tpu.memory_space<vmem_shared>>
        tpu.wait_dma2 semaphore(%run_scoped3A : memref<!tpu.dma_semaphore, #tpu.memory_space<semaphore_mem>>) src(%arg13 : memref<128xf32, #tpu.memory_space<vmem>>) dst(%dma_wait3A_35 : memref<128xf32, #tpu.memory_space<vmem_shared>>)
        tpu.yield
      }) : () -> ()
    }
    %scan3A_14 = arith.constant 5 : i32
    "tpu.region"() ({
      %run_scoped3A = tpu.sem_alloc : memref<!tpu.dma_semaphore, #tpu.memory_space<semaphore_mem>>
      tpu.enqueue_dma source(%arg5 : memref<10000xf32, #tpu.memory_space<hbm>>) target(%arg9 : memref<10000xf32, #tpu.memory_space<vmem>>) target_semaphore(%run_scoped3A : memref<!tpu.dma_semaphore, #tpu.memory_space<semaphore_mem>>)
      tpu.wait_dma2 semaphore(%run_scoped3A : memref<!tpu.dma_semaphore, #tpu.memory_space<semaphore_mem>>) src(%arg5 : memref<10000xf32, #tpu.memory_space<hbm>>) dst(%arg9 : memref<10000xf32, #tpu.memory_space<vmem>>)
      tpu.yield
    }) : () -> ()
    "tpu.region"() ({
      %run_scoped3A = tpu.sem_alloc : memref<!tpu.dma_semaphore, #tpu.memory_space<semaphore_mem>>
      tpu.enqueue_dma source(%arg6 : memref<10000xf32, #tpu.memory_space<hbm>>) target(%arg10 : memref<10000xf32, #tpu.memory_space<vmem>>) target_semaphore(%run_scoped3A : memref<!tpu.dma_semaphore, #tpu.memory_space<semaphore_mem>>)
      tpu.wait_dma2 semaphore(%run_scoped3A : memref<!tpu.dma_semaphore, #tpu.memory_space<semaphore_mem>>) src(%arg6 : memref<10000xf32, #tpu.memory_space<hbm>>) dst(%arg10 : memref<10000xf32, #tpu.memory_space<vmem>>)
      tpu.yield
    }) : () -> ()
    %barrier3A = arith.constant 0 : index
    tpu.barrier barrier_id(%barrier3A)
    %scan3A_15 = arith.constant 0 : i32
    %scan3A_16 = arith.constant 79 : i32
    %scan3A_17 = arith.addi %scan3A_15, %scan3A_16 : i32
    %scan3A_18 = arith.constant 1 : i32
    scf.for %scan3A_26 = %scan3A_15 to %scan3A_17 step %scan3A_18  : i32 {
      %mul3A = arith.constant 1 : i32
      %mul3A_27 = arith.muli %scan3A_26, %mul3A : i32
      %add3A = arith.constant 0 : i32
      %add3A_28 = arith.addi %add3A, %mul3A_27 : i32
      %mul3A_29 = arith.constant 16 : i32
      %mul3A_30 = arith.muli %add3A_28, %mul3A_29 : i32
      %add3A_31 = arith.addi %mul3A_30, %arg1 : i32
      %lt3A = arith.constant 1250 : i32
      %lt3A_32 = arith.cmpi slt, %add3A_31, %lt3A : i32
      %convert_element_type3A = arith.extui %lt3A_32 : i1 to i32
      %cond3A = arith.constant 0 : i32
      %cond3A_33 = arith.cmpi ne, %convert_element_type3A, %cond3A : i32
      scf.if %cond3A_33 {
        %mul3A_34 = arith.constant 128 : i32
        %mul3A_35 = arith.muli %add3A_31, %mul3A_34 : i32
        "tpu.region"() ({
          %run_scoped3A = tpu.sem_alloc : memref<!tpu.dma_semaphore, #tpu.memory_space<semaphore_mem>>
          %dma_start3A = tpu.memref_slice %arg3[%mul3A_35] : memref<160000xi32, #tpu.memory_space<hbm>> -> memref<128xi32, #tpu.memory_space<hbm>>
          %dma_start3A_148 = tpu.memref_slice %arg3[%mul3A_35] : memref<160000xi32, #tpu.memory_space<hbm>> -> memref<128xi32, #tpu.memory_space<hbm>>
          tpu.enqueue_dma source(%dma_start3A_148 : memref<128xi32, #tpu.memory_space<hbm>>) target(%arg11 : memref<128xi32, #tpu.memory_space<vmem>>) target_semaphore(%run_scoped3A : memref<!tpu.dma_semaphore, #tpu.memory_space<semaphore_mem>>)
          %dma_wait3A = tpu.memref_slice %arg3[%mul3A_35] : memref<160000xi32, #tpu.memory_space<hbm>> -> memref<128xi32, #tpu.memory_space<hbm>>
          %dma_wait3A_149 = tpu.memref_slice %arg3[%mul3A_35] : memref<160000xi32, #tpu.memory_space<hbm>> -> memref<128xi32, #tpu.memory_space<hbm>>
          tpu.wait_dma2 semaphore(%run_scoped3A : memref<!tpu.dma_semaphore, #tpu.memory_space<semaphore_mem>>) src(%dma_wait3A_149 : memref<128xi32, #tpu.memory_space<hbm>>) dst(%arg11 : memref<128xi32, #tpu.memory_space<vmem>>)
          tpu.yield
        }) : () -> ()
        "tpu.region"() ({
          %run_scoped3A = tpu.sem_alloc : memref<!tpu.dma_semaphore, #tpu.memory_space<semaphore_mem>>
          %dma_start3A = tpu.memref_slice %arg4[%mul3A_35] : memref<160000xi32, #tpu.memory_space<hbm>> -> memref<128xi32, #tpu.memory_space<hbm>>
          %dma_start3A_148 = tpu.memref_slice %arg4[%mul3A_35] : memref<160000xi32, #tpu.memory_space<hbm>> -> memref<128xi32, #tpu.memory_space<hbm>>
          tpu.enqueue_dma source(%dma_start3A_148 : memref<128xi32, #tpu.memory_space<hbm>>) target(%arg12 : memref<128xi32, #tpu.memory_space<vmem>>) target_semaphore(%run_scoped3A : memref<!tpu.dma_semaphore, #tpu.memory_space<semaphore_mem>>)
          %dma_wait3A = tpu.memref_slice %arg4[%mul3A_35] : memref<160000xi32, #tpu.memory_space<hbm>> -> memref<128xi32, #tpu.memory_space<hbm>>
          %dma_wait3A_149 = tpu.memref_slice %arg4[%mul3A_35] : memref<160000xi32, #tpu.memory_space<hbm>> -> memref<128xi32, #tpu.memory_space<hbm>>
          tpu.wait_dma2 semaphore(%run_scoped3A : memref<!tpu.dma_semaphore, #tpu.memory_space<semaphore_mem>>) src(%dma_wait3A_149 : memref<128xi32, #tpu.memory_space<hbm>>) dst(%arg12 : memref<128xi32, #tpu.memory_space<vmem>>)
          tpu.yield
        }) : () -> ()
        %get3A = arith.constant 0 : index
        %get3A_36 = tpu.vector_load %arg11[%get3A] {strides = array<i32>} : memref<128xi32, #tpu.memory_space<vmem>>, vector<16xi32>,
        %get3A_37 = arith.constant 0 : index
        %get3A_38 = tpu.vector_load %arg12[%get3A_37] {strides = array<i32>} : memref<128xi32, #tpu.memory_space<vmem>>, vector<16xi32>,
        %gather3A = tpu.vector_load_idx %arg9[%get3A_36] : memref<10000xf32, #tpu.memory_space<vmem>>[vector<16xi32>], vector<16xf32>,
        %gather3A_39 = tpu.vector_load_idx %arg10[%get3A_38] : memref<10000xf32, #tpu.memory_space<vmem>>[vector<16xi32>], vector<16xf32>,
        %add3A_40 = arith.addf %gather3A, %gather3A_39 : vector<16xf32>
        %mul3A_41 = arith.constant 2.000000e-01 : f32
        %mul3A_42 = vector.broadcast %mul3A_41 : f32 to vector<16xf32>
        %mul3A_43 = arith.mulf %mul3A_42, %add3A_40 : vector<16xf32>
        %max3A = arith.maximumf %add3A_40, %mul3A_43 : vector<16xf32>
        %exp3A = math.exp %max3A : vector<16xf32>
        %swap3A = arith.constant 0 : index
        %swap3A_44 = tpu.vector_load %arg13[%swap3A] {strides = array<i32>} : memref<128xf32, #tpu.memory_space<vmem>>, vector<16xf32>,
        tpu.vector_store %arg13[%swap3A], %exp3A {strides = array<i32>} : memref<128xf32, #tpu.memory_space<vmem>>, vector<16xf32>,
        %get3A_45 = arith.constant 16 : index
        %get3A_46 = tpu.vector_load %arg11[%get3A_45] {strides = array<i32>} : memref<128xi32, #tpu.memory_space<vmem>>, vector<16xi32>,
        %get3A_47 = arith.constant 16 : index
        %get3A_48 = tpu.vector_load %arg12[%get3A_47] {strides = array<i32>} : memref<128xi32, #tpu.memory_space<vmem>>, vector<16xi32>,
        %gather3A_49 = tpu.vector_load_idx %arg9[%get3A_46] : memref<10000xf32, #tpu.memory_space<vmem>>[vector<16xi32>], vector<16xf32>,
        %gather3A_50 = tpu.vector_load_idx %arg10[%get3A_48] : memref<10000xf32, #tpu.memory_space<vmem>>[vector<16xi32>], vector<16xf32>,
        %add3A_51 = arith.addf %gather3A_49, %gather3A_50 : vector<16xf32>
        %mul3A_52 = arith.constant 2.000000e-01 : f32
        %mul3A_53 = vector.broadcast %mul3A_52 : f32 to vector<16xf32>
        %mul3A_54 = arith.mulf %mul3A_53, %add3A_51 : vector<16xf32>
        %max3A_55 = arith.maximumf %add3A_51, %mul3A_54 : vector<16xf32>
        %exp3A_56 = math.exp %max3A_55 : vector<16xf32>
        %swap3A_57 = arith.constant 16 : index
        %swap3A_58 = tpu.vector_load %arg13[%swap3A_57] {strides = array<i32>} : memref<128xf32, #tpu.memory_space<vmem>>, vector<16xf32>,
        tpu.vector_store %arg13[%swap3A_57], %exp3A_56 {strides = array<i32>} : memref<128xf32, #tpu.memory_space<vmem>>, vector<16xf32>,
        %get3A_59 = arith.constant 32 : index
        %get3A_60 = tpu.vector_load %arg11[%get3A_59] {strides = array<i32>} : memref<128xi32, #tpu.memory_space<vmem>>, vector<16xi32>,
        %get3A_61 = arith.constant 32 : index
        %get3A_62 = tpu.vector_load %arg12[%get3A_61] {strides = array<i32>} : memref<128xi32, #tpu.memory_space<vmem>>, vector<16xi32>,
        %gather3A_63 = tpu.vector_load_idx %arg9[%get3A_60] : memref<10000xf32, #tpu.memory_space<vmem>>[vector<16xi32>], vector<16xf32>,
        %gather3A_64 = tpu.vector_load_idx %arg10[%get3A_62] : memref<10000xf32, #tpu.memory_space<vmem>>[vector<16xi32>], vector<16xf32>,
        %add3A_65 = arith.addf %gather3A_63, %gather3A_64 : vector<16xf32>
        %mul3A_66 = arith.constant 2.000000e-01 : f32
        %mul3A_67 = vector.broadcast %mul3A_66 : f32 to vector<16xf32>
        %mul3A_68 = arith.mulf %mul3A_67, %add3A_65 : vector<16xf32>
        %max3A_69 = arith.maximumf %add3A_65, %mul3A_68 : vector<16xf32>
        %exp3A_70 = math.exp %max3A_69 : vector<16xf32>
        %swap3A_71 = arith.constant 32 : index
        %swap3A_72 = tpu.vector_load %arg13[%swap3A_71] {strides = array<i32>} : memref<128xf32, #tpu.memory_space<vmem>>, vector<16xf32>,
        tpu.vector_store %arg13[%swap3A_71], %exp3A_70 {strides = array<i32>} : memref<128xf32, #tpu.memory_space<vmem>>, vector<16xf32>,
        %get3A_73 = arith.constant 48 : index
        %get3A_74 = tpu.vector_load %arg11[%get3A_73] {strides = array<i32>} : memref<128xi32, #tpu.memory_space<vmem>>, vector<16xi32>,
        %get3A_75 = arith.constant 48 : index
        %get3A_76 = tpu.vector_load %arg12[%get3A_75] {strides = array<i32>} : memref<128xi32, #tpu.memory_space<vmem>>, vector<16xi32>,
        %gather3A_77 = tpu.vector_load_idx %arg9[%get3A_74] : memref<10000xf32, #tpu.memory_space<vmem>>[vector<16xi32>], vector<16xf32>,
        %gather3A_78 = tpu.vector_load_idx %arg10[%get3A_76] : memref<10000xf32, #tpu.memory_space<vmem>>[vector<16xi32>], vector<16xf32>,
        %add3A_79 = arith.addf %gather3A_77, %gather3A_78 : vector<16xf32>
        %mul3A_80 = arith.constant 2.000000e-01 : f32
        %mul3A_81 = vector.broadcast %mul3A_80 : f32 to vector<16xf32>
        %mul3A_82 = arith.mulf %mul3A_81, %add3A_79 : vector<16xf32>
        %max3A_83 = arith.maximumf %add3A_79, %mul3A_82 : vector<16xf32>
        %exp3A_84 = math.exp %max3A_83 : vector<16xf32>
        %swap3A_85 = arith.constant 48 : index
        %swap3A_86 = tpu.vector_load %arg13[%swap3A_85] {strides = array<i32>} : memref<128xf32, #tpu.memory_space<vmem>>, vector<16xf32>,
        tpu.vector_store %arg13[%swap3A_85], %exp3A_84 {strides = array<i32>} : memref<128xf32, #tpu.memory_space<vmem>>, vector<16xf32>,
        %get3A_87 = arith.constant 64 : index
        %get3A_88 = tpu.vector_load %arg11[%get3A_87] {strides = array<i32>} : memref<128xi32, #tpu.memory_space<vmem>>, vector<16xi32>,
        %get3A_89 = arith.constant 64 : index
        %get3A_90 = tpu.vector_load %arg12[%get3A_89] {strides = array<i32>} : memref<128xi32, #tpu.memory_space<vmem>>, vector<16xi32>,
        %gather3A_91 = tpu.vector_load_idx %arg9[%get3A_88] : memref<10000xf32, #tpu.memory_space<vmem>>[vector<16xi32>], vector<16xf32>,
        %gather3A_92 = tpu.vector_load_idx %arg10[%get3A_90] : memref<10000xf32, #tpu.memory_space<vmem>>[vector<16xi32>], vector<16xf32>,
        %add3A_93 = arith.addf %gather3A_91, %gather3A_92 : vector<16xf32>
        %mul3A_94 = arith.constant 2.000000e-01 : f32
        %mul3A_95 = vector.broadcast %mul3A_94 : f32 to vector<16xf32>
        %mul3A_96 = arith.mulf %mul3A_95, %add3A_93 : vector<16xf32>
        %max3A_97 = arith.maximumf %add3A_93, %mul3A_96 : vector<16xf32>
        %exp3A_98 = math.exp %max3A_97 : vector<16xf32>
        %swap3A_99 = arith.constant 64 : index
        %swap3A_100 = tpu.vector_load %arg13[%swap3A_99] {strides = array<i32>} : memref<128xf32, #tpu.memory_space<vmem>>, vector<16xf32>,
        tpu.vector_store %arg13[%swap3A_99], %exp3A_98 {strides = array<i32>} : memref<128xf32, #tpu.memory_space<vmem>>, vector<16xf32>,
        %get3A_101 = arith.constant 80 : index
        %get3A_102 = tpu.vector_load %arg11[%get3A_101] {strides = array<i32>} : memref<128xi32, #tpu.memory_space<vmem>>, vector<16xi32>,
        %get3A_103 = arith.constant 80 : index
        %get3A_104 = tpu.vector_load %arg12[%get3A_103] {strides = array<i32>} : memref<128xi32, #tpu.memory_space<vmem>>, vector<16xi32>,
        %gather3A_105 = tpu.vector_load_idx %arg9[%get3A_102] : memref<10000xf32, #tpu.memory_space<vmem>>[vector<16xi32>], vector<16xf32>,
        %gather3A_106 = tpu.vector_load_idx %arg10[%get3A_104] : memref<10000xf32, #tpu.memory_space<vmem>>[vector<16xi32>], vector<16xf32>,
        %add3A_107 = arith.addf %gather3A_105, %gather3A_106 : vector<16xf32>
        %mul3A_108 = arith.constant 2.000000e-01 : f32
        %mul3A_109 = vector.broadcast %mul3A_108 : f32 to vector<16xf32>
        %mul3A_110 = arith.mulf %mul3A_109, %add3A_107 : vector<16xf32>
        %max3A_111 = arith.maximumf %add3A_107, %mul3A_110 : vector<16xf32>
        %exp3A_112 = math.exp %max3A_111 : vector<16xf32>
        %swap3A_113 = arith.constant 80 : index
        %swap3A_114 = tpu.vector_load %arg13[%swap3A_113] {strides = array<i32>} : memref<128xf32, #tpu.memory_space<vmem>>, vector<16xf32>,
        tpu.vector_store %arg13[%swap3A_113], %exp3A_112 {strides = array<i32>} : memref<128xf32, #tpu.memory_space<vmem>>, vector<16xf32>,
        %get3A_115 = arith.constant 96 : index
        %get3A_116 = tpu.vector_load %arg11[%get3A_115] {strides = array<i32>} : memref<128xi32, #tpu.memory_space<vmem>>, vector<16xi32>,
        %get3A_117 = arith.constant 96 : index
        %get3A_118 = tpu.vector_load %arg12[%get3A_117] {strides = array<i32>} : memref<128xi32, #tpu.memory_space<vmem>>, vector<16xi32>,
        %gather3A_119 = tpu.vector_load_idx %arg9[%get3A_116] : memref<10000xf32, #tpu.memory_space<vmem>>[vector<16xi32>], vector<16xf32>,
        %gather3A_120 = tpu.vector_load_idx %arg10[%get3A_118] : memref<10000xf32, #tpu.memory_space<vmem>>[vector<16xi32>], vector<16xf32>,
        %add3A_121 = arith.addf %gather3A_119, %gather3A_120 : vector<16xf32>
        %mul3A_122 = arith.constant 2.000000e-01 : f32
        %mul3A_123 = vector.broadcast %mul3A_122 : f32 to vector<16xf32>
        %mul3A_124 = arith.mulf %mul3A_123, %add3A_121 : vector<16xf32>
        %max3A_125 = arith.maximumf %add3A_121, %mul3A_124 : vector<16xf32>
        %exp3A_126 = math.exp %max3A_125 : vector<16xf32>
        %swap3A_127 = arith.constant 96 : index
        %swap3A_128 = tpu.vector_load %arg13[%swap3A_127] {strides = array<i32>} : memref<128xf32, #tpu.memory_space<vmem>>, vector<16xf32>,
        tpu.vector_store %arg13[%swap3A_127], %exp3A_126 {strides = array<i32>} : memref<128xf32, #tpu.memory_space<vmem>>, vector<16xf32>,
        %get3A_129 = arith.constant 112 : index
        %get3A_130 = tpu.vector_load %arg11[%get3A_129] {strides = array<i32>} : memref<128xi32, #tpu.memory_space<vmem>>, vector<16xi32>,
        %get3A_131 = arith.constant 112 : index
        %get3A_132 = tpu.vector_load %arg12[%get3A_131] {strides = array<i32>} : memref<128xi32, #tpu.memory_space<vmem>>, vector<16xi32>,
        %gather3A_133 = tpu.vector_load_idx %arg9[%get3A_130] : memref<10000xf32, #tpu.memory_space<vmem>>[vector<16xi32>], vector<16xf32>,
        %gather3A_134 = tpu.vector_load_idx %arg10[%get3A_132] : memref<10000xf32, #tpu.memory_space<vmem>>[vector<16xi32>], vector<16xf32>,
        %add3A_135 = arith.addf %gather3A_133, %gather3A_134 : vector<16xf32>
        %mul3A_136 = arith.constant 2.000000e-01 : f32
        %mul3A_137 = vector.broadcast %mul3A_136 : f32 to vector<16xf32>
        %mul3A_138 = arith.mulf %mul3A_137, %add3A_135 : vector<16xf32>
        %max3A_139 = arith.maximumf %add3A_135, %mul3A_138 : vector<16xf32>
        %exp3A_140 = math.exp %max3A_139 : vector<16xf32>
        %swap3A_141 = arith.constant 112 : index
        %swap3A_142 = tpu.vector_load %arg13[%swap3A_141] {strides = array<i32>} : memref<128xf32, #tpu.memory_space<vmem>>, vector<16xf32>,
        tpu.vector_store %arg13[%swap3A_141], %exp3A_140 {strides = array<i32>} : memref<128xf32, #tpu.memory_space<vmem>>, vector<16xf32>,
        "tpu.region"() ({
          %run_scoped3A = tpu.sem_alloc : memref<!tpu.dma_semaphore, #tpu.memory_space<semaphore_mem>>
          %dma_start3A = arith.constant 0 : i32
          %dma_start3A_148 = arith.constant 0 : i32
          %dma_start3A_149 = tpu.memref_slice %arg2[%arg0, %dma_start3A, %dma_start3A_148] : memref<2x10000x128xf32, #tpu.memory_space<hbm>> -> memref<1x10000x128xf32, #tpu.memory_space<hbm>>
          %dma_start3A_150 = tpu.memref_squeeze %dma_start3A_149 : memref<1x10000x128xf32, #tpu.memory_space<hbm>> -> memref<10000x128xf32, #tpu.memory_space<hbm>>
          %dma_start3A_151 = arith.constant 0 : i32
          %dma_start3A_152 = arith.constant 0 : i32
          %dma_start3A_153 = tpu.memref_slice %dma_start3A_150[%dma_start3A_151, %dma_start3A_152] : memref<10000x128xf32, #tpu.memory_space<hbm>> -> memref<10000x128xf32, #tpu.memory_space<hbm>>
          tpu.enqueue_indirect_dma source(%dma_start3A_153 : memref<10000x128xf32, #tpu.memory_space<hbm>>) target(%arg14 : memref<128x128xf32, #tpu.memory_space<vmem>>) offsets(%arg11 : memref<128xi32, #tpu.memory_space<vmem>>) semaphore(%run_scoped3A : memref<!tpu.dma_semaphore, #tpu.memory_space<semaphore_mem>>)
          %dma_wait3A = arith.constant 0 : i32
          %dma_wait3A_154 = arith.constant 0 : i32
          %dma_wait3A_155 = tpu.memref_slice %arg2[%arg0, %dma_wait3A, %dma_wait3A_154] : memref<2x10000x128xf32, #tpu.memory_space<hbm>> -> memref<1x10000x128xf32, #tpu.memory_space<hbm>>
          %dma_wait3A_156 = tpu.memref_squeeze %dma_wait3A_155 : memref<1x10000x128xf32, #tpu.memory_space<hbm>> -> memref<10000x128xf32, #tpu.memory_space<hbm>>
          %dma_wait3A_157 = arith.constant 0 : i32
          %dma_wait3A_158 = arith.constant 0 : i32
          %dma_wait3A_159 = tpu.memref_slice %dma_wait3A_156[%dma_wait3A_157, %dma_wait3A_158] : memref<10000x128xf32, #tpu.memory_space<hbm>> -> memref<10000x128xf32, #tpu.memory_space<hbm>>
          tpu.wait_indirect_dma semaphore(%run_scoped3A : memref<!tpu.dma_semaphore, #tpu.memory_space<semaphore_mem>>) src(%dma_wait3A_159 : memref<10000x128xf32, #tpu.memory_space<hbm>>) dst(%arg14 : memref<128x128xf32, #tpu.memory_space<vmem>>)
          tpu.yield
        }) : () -> ()
        %scan3A_143 = arith.constant 0 : i32
        %scan3A_144 = arith.constant 128 : i32
        %scan3A_145 = arith.addi %scan3A_143, %scan3A_144 : i32
        %scan3A_146 = arith.constant 1 : i32
        scf.for %scan3A_148 = %scan3A_143 to %scan3A_145 step %scan3A_146  : i32 {
          %mul3A_149 = arith.constant 1 : i32
          %mul3A_150 = arith.muli %scan3A_148, %mul3A_149 : i32
          %add3A_151 = arith.constant 0 : i32
          %add3A_152 = arith.addi %add3A_151, %mul3A_150 : i32
          %broadcast_in_dim3A_153 = vector.broadcast %add3A_152 : i32 to vector<16xi32>
          %gather3A_154 = tpu.vector_load_idx %arg13[%broadcast_in_dim3A_153] : memref<128xf32, #tpu.memory_space<vmem>>[vector<16xi32>], vector<16xf32>,
          %get3A_155 = arith.index_cast %add3A_152 : i32 to index
          %get3A_156 = arith.constant 0 : index
          %get3A_157 = tpu.vector_load %arg14[%get3A_155, %get3A_156] {strides = array<i32>} : memref<128x128xf32, #tpu.memory_space<vmem>>, vector<16xf32>,
          %mul3A_158 = arith.mulf %get3A_157, %gather3A_154 : vector<16xf32>
          %swap3A_159 = arith.index_cast %add3A_152 : i32 to index
          %swap3A_160 = arith.constant 0 : index
          %swap3A_161 = tpu.vector_load %arg14[%swap3A_159, %swap3A_160] {strides = array<i32>} : memref<128x128xf32, #tpu.memory_space<vmem>>, vector<16xf32>,
          tpu.vector_store %arg14[%swap3A_159, %swap3A_160], %mul3A_158 {strides = array<i32>} : memref<128x128xf32, #tpu.memory_space<vmem>>, vector<16xf32>,
          %get3A_162 = arith.index_cast %add3A_152 : i32 to index
          %get3A_163 = arith.constant 16 : index
          %get3A_164 = tpu.vector_load %arg14[%get3A_162, %get3A_163] {strides = array<i32>} : memref<128x128xf32, #tpu.memory_space<vmem>>, vector<16xf32>,
          %mul3A_165 = arith.mulf %get3A_164, %gather3A_154 : vector<16xf32>
          %swap3A_166 = arith.index_cast %add3A_152 : i32 to index
          %swap3A_167 = arith.constant 16 : index
          %swap3A_168 = tpu.vector_load %arg14[%swap3A_166, %swap3A_167] {strides = array<i32>} : memref<128x128xf32, #tpu.memory_space<vmem>>, vector<16xf32>,
          tpu.vector_store %arg14[%swap3A_166, %swap3A_167], %mul3A_165 {strides = array<i32>} : memref<128x128xf32, #tpu.memory_space<vmem>>, vector<16xf32>,
          %get3A_169 = arith.index_cast %add3A_152 : i32 to index
          %get3A_170 = arith.constant 32 : index
          %get3A_171 = tpu.vector_load %arg14[%get3A_169, %get3A_170] {strides = array<i32>} : memref<128x128xf32, #tpu.memory_space<vmem>>, vector<16xf32>,
          %mul3A_172 = arith.mulf %get3A_171, %gather3A_154 : vector<16xf32>
          %swap3A_173 = arith.index_cast %add3A_152 : i32 to index
          %swap3A_174 = arith.constant 32 : index
          %swap3A_175 = tpu.vector_load %arg14[%swap3A_173, %swap3A_174] {strides = array<i32>} : memref<128x128xf32, #tpu.memory_space<vmem>>, vector<16xf32>,
          tpu.vector_store %arg14[%swap3A_173, %swap3A_174], %mul3A_172 {strides = array<i32>} : memref<128x128xf32, #tpu.memory_space<vmem>>, vector<16xf32>,
          %get3A_176 = arith.index_cast %add3A_152 : i32 to index
          %get3A_177 = arith.constant 48 : index
          %get3A_178 = tpu.vector_load %arg14[%get3A_176, %get3A_177] {strides = array<i32>} : memref<128x128xf32, #tpu.memory_space<vmem>>, vector<16xf32>,
          %mul3A_179 = arith.mulf %get3A_178, %gather3A_154 : vector<16xf32>
          %swap3A_180 = arith.index_cast %add3A_152 : i32 to index
          %swap3A_181 = arith.constant 48 : index
          %swap3A_182 = tpu.vector_load %arg14[%swap3A_180, %swap3A_181] {strides = array<i32>} : memref<128x128xf32, #tpu.memory_space<vmem>>, vector<16xf32>,
          tpu.vector_store %arg14[%swap3A_180, %swap3A_181], %mul3A_179 {strides = array<i32>} : memref<128x128xf32, #tpu.memory_space<vmem>>, vector<16xf32>,
          %get3A_183 = arith.index_cast %add3A_152 : i32 to index
          %get3A_184 = arith.constant 64 : index
          %get3A_185 = tpu.vector_load %arg14[%get3A_183, %get3A_184] {strides = array<i32>} : memref<128x128xf32, #tpu.memory_space<vmem>>, vector<16xf32>,
          %mul3A_186 = arith.mulf %get3A_185, %gather3A_154 : vector<16xf32>
          %swap3A_187 = arith.index_cast %add3A_152 : i32 to index
          %swap3A_188 = arith.constant 64 : index
          %swap3A_189 = tpu.vector_load %arg14[%swap3A_187, %swap3A_188] {strides = array<i32>} : memref<128x128xf32, #tpu.memory_space<vmem>>, vector<16xf32>,
          tpu.vector_store %arg14[%swap3A_187, %swap3A_188], %mul3A_186 {strides = array<i32>} : memref<128x128xf32, #tpu.memory_space<vmem>>, vector<16xf32>,
          %get3A_190 = arith.index_cast %add3A_152 : i32 to index
          %get3A_191 = arith.constant 80 : index
          %get3A_192 = tpu.vector_load %arg14[%get3A_190, %get3A_191] {strides = array<i32>} : memref<128x128xf32, #tpu.memory_space<vmem>>, vector<16xf32>,
          %mul3A_193 = arith.mulf %get3A_192, %gather3A_154 : vector<16xf32>
          %swap3A_194 = arith.index_cast %add3A_152 : i32 to index
          %swap3A_195 = arith.constant 80 : index
          %swap3A_196 = tpu.vector_load %arg14[%swap3A_194, %swap3A_195] {strides = array<i32>} : memref<128x128xf32, #tpu.memory_space<vmem>>, vector<16xf32>,
          tpu.vector_store %arg14[%swap3A_194, %swap3A_195], %mul3A_193 {strides = array<i32>} : memref<128x128xf32, #tpu.memory_space<vmem>>, vector<16xf32>,
          %get3A_197 = arith.index_cast %add3A_152 : i32 to index
          %get3A_198 = arith.constant 96 : index
          %get3A_199 = tpu.vector_load %arg14[%get3A_197, %get3A_198] {strides = array<i32>} : memref<128x128xf32, #tpu.memory_space<vmem>>, vector<16xf32>,
          %mul3A_200 = arith.mulf %get3A_199, %gather3A_154 : vector<16xf32>
          %swap3A_201 = arith.index_cast %add3A_152 : i32 to index
          %swap3A_202 = arith.constant 96 : index
          %swap3A_203 = tpu.vector_load %arg14[%swap3A_201, %swap3A_202] {strides = array<i32>} : memref<128x128xf32, #tpu.memory_space<vmem>>, vector<16xf32>,
          tpu.vector_store %arg14[%swap3A_201, %swap3A_202], %mul3A_200 {strides = array<i32>} : memref<128x128xf32, #tpu.memory_space<vmem>>, vector<16xf32>,
          %get3A_204 = arith.index_cast %add3A_152 : i32 to index
          %get3A_205 = arith.constant 112 : index
          %get3A_206 = tpu.vector_load %arg14[%get3A_204, %get3A_205] {strides = array<i32>} : memref<128x128xf32, #tpu.memory_space<vmem>>, vector<16xf32>,
          %mul3A_207 = arith.mulf %get3A_206, %gather3A_154 : vector<16xf32>
          %swap3A_208 = arith.index_cast %add3A_152 : i32 to index
          %swap3A_209 = arith.constant 112 : index
          %swap3A_210 = tpu.vector_load %arg14[%swap3A_208, %swap3A_209] {strides = array<i32>} : memref<128x128xf32, #tpu.memory_space<vmem>>, vector<16xf32>,
          tpu.vector_store %arg14[%swap3A_208, %swap3A_209], %mul3A_207 {strides = array<i32>} : memref<128x128xf32, #tpu.memory_space<vmem>>, vector<16xf32>,
        }
        %scan3A_147 = arith.constant 128 : i32
        "tpu.region"() ({
          %run_scoped3A = tpu.sem_alloc : memref<!tpu.dma_semaphore, #tpu.memory_space<semaphore_mem>>
          %dma_start3A = arith.constant 0 : i32
          %dma_start3A_148 = arith.constant 0 : i32
          %dma_start3A_149 = tpu.memref_slice %arg15[%dma_start3A, %dma_start3A_148] : memref<10240x128xf32, #tpu.memory_space<vmem_shared>> -> memref<10240x128xf32, #tpu.memory_space<vmem_shared>>
          tpu.enqueue_indirect_dma source(%arg14 : memref<128x128xf32, #tpu.memory_space<vmem>>) target(%dma_start3A_149 : memref<10240x128xf32, #tpu.memory_space<vmem_shared>>) offsets(%arg12 : memref<128xi32, #tpu.memory_space<vmem>>) semaphore(%run_scoped3A : memref<!tpu.dma_semaphore, #tpu.memory_space<semaphore_mem>>) {add = true}
          %dma_wait3A = arith.constant 0 : i32
          %dma_wait3A_150 = arith.constant 0 : i32
          %dma_wait3A_151 = tpu.memref_slice %arg15[%dma_wait3A, %dma_wait3A_150] : memref<10240x128xf32, #tpu.memory_space<vmem_shared>> -> memref<10240x128xf32, #tpu.memory_space<vmem_shared>>
          tpu.wait_indirect_dma semaphore(%run_scoped3A : memref<!tpu.dma_semaphore, #tpu.memory_space<semaphore_mem>>) src(%arg14 : memref<128x128xf32, #tpu.memory_space<vmem>>) dst(%dma_wait3A_151 : memref<10240x128xf32, #tpu.memory_space<vmem_shared>>)
          tpu.yield
        }) : () -> ()
        "tpu.region"() ({
          %run_scoped3A = tpu.sem_alloc : memref<!tpu.dma_semaphore, #tpu.memory_space<semaphore_mem>>
          %dma_start3A = arith.constant 0 : i32
          %dma_start3A_148 = tpu.memref_slice %arg16[%dma_start3A] : memref<10240xf32, #tpu.memory_space<vmem_shared>> -> memref<10240xf32, #tpu.memory_space<vmem_shared>>
          tpu.enqueue_indirect_dma source(%arg13 : memref<128xf32, #tpu.memory_space<vmem>>) target(%dma_start3A_148 : memref<10240xf32, #tpu.memory_space<vmem_shared>>) offsets(%arg12 : memref<128xi32, #tpu.memory_space<vmem>>) semaphore(%run_scoped3A : memref<!tpu.dma_semaphore, #tpu.memory_space<semaphore_mem>>) {add = true}
          %dma_wait3A = arith.constant 0 : i32
          %dma_wait3A_149 = tpu.memref_slice %arg16[%dma_wait3A] : memref<10240xf32, #tpu.memory_space<vmem_shared>> -> memref<10240xf32, #tpu.memory_space<vmem_shared>>
          tpu.wait_indirect_dma semaphore(%run_scoped3A : memref<!tpu.dma_semaphore, #tpu.memory_space<semaphore_mem>>) src(%arg13 : memref<128xf32, #tpu.memory_space<vmem>>) dst(%dma_wait3A_149 : memref<10240xf32, #tpu.memory_space<vmem_shared>>)
          tpu.yield
        }) : () -> ()
      } else {
      }
    }
    %scan3A_19 = arith.constant 79 : i32
    %barrier3A_20 = arith.constant 0 : index
    tpu.barrier barrier_id(%barrier3A_20)
    %scan3A_21 = arith.constant 0 : i32
    %scan3A_22 = arith.constant 5 : i32
    %scan3A_23 = arith.addi %scan3A_21, %scan3A_22 : i32
    %scan3A_24 = arith.constant 1 : i32
    scf.for %scan3A_26 = %scan3A_21 to %scan3A_23 step %scan3A_24  : i32 {
      %mul3A = arith.constant 1 : i32
      %mul3A_27 = arith.muli %scan3A_26, %mul3A : i32
      %add3A = arith.constant 0 : i32
      %add3A_28 = arith.addi %add3A, %mul3A_27 : i32
      %mul3A_29 = arith.constant 5 : i32
      %mul3A_30 = arith.muli %arg1, %mul3A_29 : i32
      %add3A_31 = arith.addi %mul3A_30, %add3A_28 : i32
      %mul3A_32 = arith.constant 128 : i32
      %mul3A_33 = arith.muli %add3A_31, %mul3A_32 : i32
      "tpu.region"() ({
        %run_scoped3A = tpu.sem_alloc : memref<!tpu.dma_semaphore, #tpu.memory_space<semaphore_mem>>
        %dma_start3A = arith.constant 0 : i32
        %dma_start3A_34 = arith.constant 0 : i32
        %dma_start3A_35 = tpu.memref_slice %arg7[%arg0, %dma_start3A, %dma_start3A_34] : memref<2x10240x128xf32, #tpu.memory_space<hbm>> -> memref<1x10240x128xf32, #tpu.memory_space<hbm>>
        %dma_start3A_36 = tpu.memref_squeeze %dma_start3A_35 : memref<1x10240x128xf32, #tpu.memory_space<hbm>> -> memref<10240x128xf32, #tpu.memory_space<hbm>>
        %dma_start3A_37 = arith.constant 0 : i32
        %dma_start3A_38 = tpu.memref_slice %dma_start3A_36[%mul3A_33, %dma_start3A_37] : memref<10240x128xf32, #tpu.memory_space<hbm>> -> memref<128x128xf32, #tpu.memory_space<hbm>>
        %dma_start3A_39 = arith.constant 0 : i32
        %dma_start3A_40 = tpu.memref_slice %arg15[%mul3A_33, %dma_start3A_39] : memref<10240x128xf32, #tpu.memory_space<vmem_shared>> -> memref<128x128xf32, #tpu.memory_space<vmem_shared>>
        tpu.enqueue_dma source(%dma_start3A_40 : memref<128x128xf32, #tpu.memory_space<vmem_shared>>) target(%dma_start3A_38 : memref<128x128xf32, #tpu.memory_space<hbm>>) target_semaphore(%run_scoped3A : memref<!tpu.dma_semaphore, #tpu.memory_space<semaphore_mem>>)
        %dma_wait3A = arith.constant 0 : i32
        %dma_wait3A_41 = arith.constant 0 : i32
        %dma_wait3A_42 = tpu.memref_slice %arg7[%arg0, %dma_wait3A, %dma_wait3A_41] : memref<2x10240x128xf32, #tpu.memory_space<hbm>> -> memref<1x10240x128xf32, #tpu.memory_space<hbm>>
        %dma_wait3A_43 = tpu.memref_squeeze %dma_wait3A_42 : memref<1x10240x128xf32, #tpu.memory_space<hbm>> -> memref<10240x128xf32, #tpu.memory_space<hbm>>
        %dma_wait3A_44 = arith.constant 0 : i32
        %dma_wait3A_45 = tpu.memref_slice %dma_wait3A_43[%mul3A_33, %dma_wait3A_44] : memref<10240x128xf32, #tpu.memory_space<hbm>> -> memref<128x128xf32, #tpu.memory_space<hbm>>
        %dma_wait3A_46 = arith.constant 0 : i32
        %dma_wait3A_47 = tpu.memref_slice %arg15[%mul3A_33, %dma_wait3A_46] : memref<10240x128xf32, #tpu.memory_space<vmem_shared>> -> memref<128x128xf32, #tpu.memory_space<vmem_shared>>
        tpu.wait_dma2 semaphore(%run_scoped3A : memref<!tpu.dma_semaphore, #tpu.memory_space<semaphore_mem>>) src(%dma_wait3A_47 : memref<128x128xf32, #tpu.memory_space<vmem_shared>>) dst(%dma_wait3A_45 : memref<128x128xf32, #tpu.memory_space<hbm>>)
        tpu.yield
      }) : () -> ()
      "tpu.region"() ({
        %run_scoped3A = tpu.sem_alloc : memref<!tpu.dma_semaphore, #tpu.memory_space<semaphore_mem>>
        %dma_start3A = arith.constant 0 : i32
        %dma_start3A_34 = tpu.memref_slice %arg8[%arg0, %dma_start3A] : memref<2x10240xf32, #tpu.memory_space<hbm>> -> memref<1x10240xf32, #tpu.memory_space<hbm>>
        %dma_start3A_35 = tpu.memref_squeeze %dma_start3A_34 : memref<1x10240xf32, #tpu.memory_space<hbm>> -> memref<10240xf32, #tpu.memory_space<hbm>>
        %dma_start3A_36 = tpu.memref_slice %dma_start3A_35[%mul3A_33] : memref<10240xf32, #tpu.memory_space<hbm>> -> memref<128xf32, #tpu.memory_space<hbm>>
        %dma_start3A_37 = tpu.memref_slice %arg16[%mul3A_33] : memref<10240xf32, #tpu.memory_space<vmem_shared>> -> memref<128xf32, #tpu.memory_space<vmem_shared>>
        tpu.enqueue_dma source(%dma_start3A_37 : memref<128xf32, #tpu.memory_space<vmem_shared>>) target(%dma_start3A_36 : memref<128xf32, #tpu.memory_space<hbm>>) target_semaphore(%run_scoped3A : memref<!tpu.dma_semaphore, #tpu.memory_space<semaphore_mem>>)
        %dma_wait3A = arith.constant 0 : i32
        %dma_wait3A_38 = tpu.memref_slice %arg8[%arg0, %dma_wait3A] : memref<2x10240xf32, #tpu.memory_space<hbm>> -> memref<1x10240xf32, #tpu.memory_space<hbm>>
        %dma_wait3A_39 = tpu.memref_squeeze %dma_wait3A_38 : memref<1x10240xf32, #tpu.memory_space<hbm>> -> memref<10240xf32, #tpu.memory_space<hbm>>
        %dma_wait3A_40 = tpu.memref_slice %dma_wait3A_39[%mul3A_33] : memref<10240xf32, #tpu.memory_space<hbm>> -> memref<128xf32, #tpu.memory_space<hbm>>
        %dma_wait3A_41 = tpu.memref_slice %arg16[%mul3A_33] : memref<10240xf32, #tpu.memory_space<vmem_shared>> -> memref<128xf32, #tpu.memory_space<vmem_shared>>
        tpu.wait_dma2 semaphore(%run_scoped3A : memref<!tpu.dma_semaphore, #tpu.memory_space<semaphore_mem>>) src(%dma_wait3A_41 : memref<128xf32, #tpu.memory_space<vmem_shared>>) dst(%dma_wait3A_40 : memref<128xf32, #tpu.memory_space<hbm>>)
        tpu.yield
      }) : () -> ()
    }
    %scan3A_25 = arith.constant 5 : i32
    return
  }
}

#map = affine_map<(d0, d1) -> (0, 0, 0)>
#map1 = affine_map<(d0, d1) -> (0)>
#map2 = affine_map<(d0, d1) -> (0, 0)>
module attributes {stable_mosaic.version = 14 : i64} {
  func.func @_sc_layer(%arg0: i32, %arg1: i32, %arg2: memref<2x10000x128xf32, #tpu.memory_space<hbm>>, %arg3: memref<160000xi32, #tpu.memory_space<hbm>>, %arg4: memref<160000xi32, #tpu.memory_space<hbm>>, %arg5: memref<10000xf32, #tpu.memory_space<hbm>>, %arg6: memref<10000xf32, #tpu.memory_space<hbm>>, %arg7: memref<2x10240x128xf32, #tpu.memory_space<hbm>>, %arg8: memref<2x10240xf32, #tpu.memory_space<hbm>>, %arg9: memref<10000xf32, #tpu.memory_space<vmem>>, %arg10: memref<10000xf32, #tpu.memory_space<vmem>>, %arg11: memref<128xi32, #tpu.memory_space<vmem>>, %arg12: memref<128xi32, #tpu.memory_space<vmem>>, %arg13: memref<128xf32, #tpu.memory_space<vmem>>, %arg14: memref<128x128xf32, #tpu.memory_space<vmem>>, %arg15: memref<10240x128xf32, #tpu.memory_space<vmem_shared>>, %arg16: memref<10240xf32, #tpu.memory_space<vmem_shared>>) attributes {dimension_semantics = [#tpu.dimension_semantics<core_parallel>, #tpu.dimension_semantics<subcore_parallel>], iteration_bounds = array<i64: 2, 16>, scalar_prefetch = 0 : i64, scratch_operands = 8 : i64, tpu.core_type = #tpu.core_type<sc_vector_subcore>, window_params = [{transform_indices = #map}, {transform_indices = #map1}, {transform_indices = #map1}, {transform_indices = #map1}, {transform_indices = #map1}, {transform_indices = #map}, {transform_indices = #map2}]} {
    %broadcast_in_dim3A = arith.constant 0.000000e+00 : f32
    %broadcast_in_dim3A_0 = vector.broadcast %broadcast_in_dim3A : f32 to vector<16xf32>
    %scan3A = arith.constant 0 : i32
    %scan3A_1 = arith.constant 128 : i32
    %scan3A_2 = arith.addi %scan3A, %scan3A_1 : i32
    %scan3A_3 = arith.constant 1 : i32
    scf.for %scan3A_26 = %scan3A to %scan3A_2 step %scan3A_3  : i32 {
      %mul3A = arith.constant 1 : i32
      %mul3A_27 = arith.muli %scan3A_26, %mul3A : i32
      %add3A = arith.constant 0 : i32
      %add3A_28 = arith.addi %add3A, %mul3A_27 : i32
      %swap3A = arith.index_cast %add3A_28 : i32 to index
      %swap3A_29 = arith.constant 0 : index
      %swap3A_30 = tpu.vector_load %arg14[%swap3A, %swap3A_29] {strides = array<i32>} : memref<128x128xf32, #tpu.memory_space<vmem>>, vector<16xf32>,
      tpu.vector_store %arg14[%swap3A, %swap3A_29], %broadcast_in_dim3A_0 {strides = array<i32>} : memref<128x128xf32, #tpu.memory_space<vmem>>, vector<16xf32>,
      %swap3A_31 = arith.index_cast %add3A_28 : i32 to index
      %swap3A_32 = arith.constant 16 : index
      %swap3A_33 = tpu.vector_load %arg14[%swap3A_31, %swap3A_32] {strides = array<i32>} : memref<128x128xf32, #tpu.memory_space<vmem>>, vector<16xf32>,
      tpu.vector_store %arg14[%swap3A_31, %swap3A_32], %broadcast_in_dim3A_0 {strides = array<i32>} : memref<128x128xf32, #tpu.memory_space<vmem>>, vector<16xf32>,
      %swap3A_34 = arith.index_cast %add3A_28 : i32 to index
      %swap3A_35 = arith.constant 32 : index
      %swap3A_36 = tpu.vector_load %arg14[%swap3A_34, %swap3A_35] {strides = array<i32>} : memref<128x128xf32, #tpu.memory_space<vmem>>, vector<16xf32>,
      tpu.vector_store %arg14[%swap3A_34, %swap3A_35], %broadcast_in_dim3A_0 {strides = array<i32>} : memref<128x128xf32, #tpu.memory_space<vmem>>, vector<16xf32>,
      %swap3A_37 = arith.index_cast %add3A_28 : i32 to index
      %swap3A_38 = arith.constant 48 : index
      %swap3A_39 = tpu.vector_load %arg14[%swap3A_37, %swap3A_38] {strides = array<i32>} : memref<128x128xf32, #tpu.memory_space<vmem>>, vector<16xf32>,
      tpu.vector_store %arg14[%swap3A_37, %swap3A_38], %broadcast_in_dim3A_0 {strides = array<i32>} : memref<128x128xf32, #tpu.memory_space<vmem>>, vector<16xf32>,
      %swap3A_40 = arith.index_cast %add3A_28 : i32 to index
      %swap3A_41 = arith.constant 64 : index
      %swap3A_42 = tpu.vector_load %arg14[%swap3A_40, %swap3A_41] {strides = array<i32>} : memref<128x128xf32, #tpu.memory_space<vmem>>, vector<16xf32>,
      tpu.vector_store %arg14[%swap3A_40, %swap3A_41], %broadcast_in_dim3A_0 {strides = array<i32>} : memref<128x128xf32, #tpu.memory_space<vmem>>, vector<16xf32>,
      %swap3A_43 = arith.index_cast %add3A_28 : i32 to index
      %swap3A_44 = arith.constant 80 : index
      %swap3A_45 = tpu.vector_load %arg14[%swap3A_43, %swap3A_44] {strides = array<i32>} : memref<128x128xf32, #tpu.memory_space<vmem>>, vector<16xf32>,
      tpu.vector_store %arg14[%swap3A_43, %swap3A_44], %broadcast_in_dim3A_0 {strides = array<i32>} : memref<128x128xf32, #tpu.memory_space<vmem>>, vector<16xf32>,
      %swap3A_46 = arith.index_cast %add3A_28 : i32 to index
      %swap3A_47 = arith.constant 96 : index
      %swap3A_48 = tpu.vector_load %arg14[%swap3A_46, %swap3A_47] {strides = array<i32>} : memref<128x128xf32, #tpu.memory_space<vmem>>, vector<16xf32>,
      tpu.vector_store %arg14[%swap3A_46, %swap3A_47], %broadcast_in_dim3A_0 {strides = array<i32>} : memref<128x128xf32, #tpu.memory_space<vmem>>, vector<16xf32>,
      %swap3A_49 = arith.index_cast %add3A_28 : i32 to index
      %swap3A_50 = arith.constant 112 : index
      %swap3A_51 = tpu.vector_load %arg14[%swap3A_49, %swap3A_50] {strides = array<i32>} : memref<128x128xf32, #tpu.memory_space<vmem>>, vector<16xf32>,
      tpu.vector_store %arg14[%swap3A_49, %swap3A_50], %broadcast_in_dim3A_0 {strides = array<i32>} : memref<128x128xf32, #tpu.memory_space<vmem>>, vector<16xf32>,
    }
    %scan3A_4 = arith.constant 128 : i32
    %scan3A_5 = arith.constant 0 : i32
    %scan3A_6 = arith.constant 8 : i32
    %scan3A_7 = arith.addi %scan3A_5, %scan3A_6 : i32
    %scan3A_8 = arith.constant 1 : i32
    scf.for %scan3A_26 = %scan3A_5 to %scan3A_7 step %scan3A_8  : i32 {
      %mul3A = arith.constant 1 : i32
      %mul3A_27 = arith.muli %scan3A_26, %mul3A : i32
      %add3A = arith.constant 0 : i32
      %add3A_28 = arith.addi %add3A, %mul3A_27 : i32
      %mul3A_29 = arith.constant 16 : i32
      %mul3A_30 = arith.muli %add3A_28, %mul3A_29 : i32
      %swap3A = arith.index_cast %mul3A_30 : i32 to index
      %swap3A_31 = tpu.vector_load %arg13[%swap3A] {strides = array<i32>} : memref<128xf32, #tpu.memory_space<vmem>>, vector<16xf32>,
      tpu.vector_store %arg13[%swap3A], %broadcast_in_dim3A_0 {strides = array<i32>} : memref<128xf32, #tpu.memory_space<vmem>>, vector<16xf32>,
    }
    %scan3A_9 = arith.constant 8 : i32
    %scan3A_10 = arith.constant 0 : i32
    %scan3A_11 = arith.constant 5 : i32
    %scan3A_12 = arith.addi %scan3A_10, %scan3A_11 : i32
    %scan3A_13 = arith.constant 1 : i32
    scf.for %scan3A_26 = %scan3A_10 to %scan3A_12 step %scan3A_13  : i32 {
      %mul3A = arith.constant 1 : i32
      %mul3A_27 = arith.muli %scan3A_26, %mul3A : i32
      %add3A = arith.constant 0 : i32
      %add3A_28 = arith.addi %add3A, %mul3A_27 : i32
      %mul3A_29 = arith.constant 5 : i32
      %mul3A_30 = arith.muli %arg1, %mul3A_29 : i32
      %add3A_31 = arith.addi %mul3A_30, %add3A_28 : i32
      %mul3A_32 = arith.constant 128 : i32
      %mul3A_33 = arith.muli %add3A_31, %mul3A_32 : i32
      "tpu.region"() ({
        %run_scoped3A = tpu.sem_alloc : memref<!tpu.dma_semaphore, #tpu.memory_space<semaphore_mem>>
        %dma_start3A = arith.constant 0 : i32
        %dma_start3A_34 = tpu.memref_slice %arg15[%mul3A_33, %dma_start3A] : memref<10240x128xf32, #tpu.memory_space<vmem_shared>> -> memref<128x128xf32, #tpu.memory_space<vmem_shared>>
        %dma_start3A_35 = arith.constant 0 : i32
        %dma_start3A_36 = tpu.memref_slice %arg15[%mul3A_33, %dma_start3A_35] : memref<10240x128xf32, #tpu.memory_space<vmem_shared>> -> memref<128x128xf32, #tpu.memory_space<vmem_shared>>
        tpu.enqueue_dma source(%arg14 : memref<128x128xf32, #tpu.memory_space<vmem>>) target(%dma_start3A_36 : memref<128x128xf32, #tpu.memory_space<vmem_shared>>) target_semaphore(%run_scoped3A : memref<!tpu.dma_semaphore, #tpu.memory_space<semaphore_mem>>)
        %dma_wait3A = arith.constant 0 : i32
        %dma_wait3A_37 = tpu.memref_slice %arg15[%mul3A_33, %dma_wait3A] : memref<10240x128xf32, #tpu.memory_space<vmem_shared>> -> memref<128x128xf32, #tpu.memory_space<vmem_shared>>
        %dma_wait3A_38 = arith.constant 0 : i32
        %dma_wait3A_39 = tpu.memref_slice %arg15[%mul3A_33, %dma_wait3A_38] : memref<10240x128xf32, #tpu.memory_space<vmem_shared>> -> memref<128x128xf32, #tpu.memory_space<vmem_shared>>
        tpu.wait_dma2 semaphore(%run_scoped3A : memref<!tpu.dma_semaphore, #tpu.memory_space<semaphore_mem>>) src(%arg14 : memref<128x128xf32, #tpu.memory_space<vmem>>) dst(%dma_wait3A_39 : memref<128x128xf32, #tpu.memory_space<vmem_shared>>)
        tpu.yield
      }) : () -> ()
      "tpu.region"() ({
        %run_scoped3A = tpu.sem_alloc : memref<!tpu.dma_semaphore, #tpu.memory_space<semaphore_mem>>
        %dma_start3A = tpu.memref_slice %arg16[%mul3A_33] : memref<10240xf32, #tpu.memory_space<vmem_shared>> -> memref<128xf32, #tpu.memory_space<vmem_shared>>
        %dma_start3A_34 = tpu.memref_slice %arg16[%mul3A_33] : memref<10240xf32, #tpu.memory_space<vmem_shared>> -> memref<128xf32, #tpu.memory_space<vmem_shared>>
        tpu.enqueue_dma source(%arg13 : memref<128xf32, #tpu.memory_space<vmem>>) target(%dma_start3A_34 : memref<128xf32, #tpu.memory_space<vmem_shared>>) target_semaphore(%run_scoped3A : memref<!tpu.dma_semaphore, #tpu.memory_space<semaphore_mem>>)
        %dma_wait3A = tpu.memref_slice %arg16[%mul3A_33] : memref<10240xf32, #tpu.memory_space<vmem_shared>> -> memref<128xf32, #tpu.memory_space<vmem_shared>>
        %dma_wait3A_35 = tpu.memref_slice %arg16[%mul3A_33] : memref<10240xf32, #tpu.memory_space<vmem_shared>> -> memref<128xf32, #tpu.memory_space<vmem_shared>>
        tpu.wait_dma2 semaphore(%run_scoped3A : memref<!tpu.dma_semaphore, #tpu.memory_space<semaphore_mem>>) src(%arg13 : memref<128xf32, #tpu.memory_space<vmem>>) dst(%dma_wait3A_35 : memref<128xf32, #tpu.memory_space<vmem_shared>>)
        tpu.yield
      }) : () -> ()
    }
    %scan3A_14 = arith.constant 5 : i32
    "tpu.region"() ({
      %run_scoped3A = tpu.sem_alloc : memref<!tpu.dma_semaphore, #tpu.memory_space<semaphore_mem>>
      tpu.enqueue_dma source(%arg5 : memref<10000xf32, #tpu.memory_space<hbm>>) target(%arg9 : memref<10000xf32, #tpu.memory_space<vmem>>) target_semaphore(%run_scoped3A : memref<!tpu.dma_semaphore, #tpu.memory_space<semaphore_mem>>)
      tpu.wait_dma2 semaphore(%run_scoped3A : memref<!tpu.dma_semaphore, #tpu.memory_space<semaphore_mem>>) src(%arg5 : memref<10000xf32, #tpu.memory_space<hbm>>) dst(%arg9 : memref<10000xf32, #tpu.memory_space<vmem>>)
      tpu.yield
    }) : () -> ()
    "tpu.region"() ({
      %run_scoped3A = tpu.sem_alloc : memref<!tpu.dma_semaphore, #tpu.memory_space<semaphore_mem>>
      tpu.enqueue_dma source(%arg6 : memref<10000xf32, #tpu.memory_space<hbm>>) target(%arg10 : memref<10000xf32, #tpu.memory_space<vmem>>) target_semaphore(%run_scoped3A : memref<!tpu.dma_semaphore, #tpu.memory_space<semaphore_mem>>)
      tpu.wait_dma2 semaphore(%run_scoped3A : memref<!tpu.dma_semaphore, #tpu.memory_space<semaphore_mem>>) src(%arg6 : memref<10000xf32, #tpu.memory_space<hbm>>) dst(%arg10 : memref<10000xf32, #tpu.memory_space<vmem>>)
      tpu.yield
    }) : () -> ()
    %barrier3A = arith.constant 0 : index
    tpu.barrier barrier_id(%barrier3A)
    %scan3A_15 = arith.constant 0 : i32
    %scan3A_16 = arith.constant 79 : i32
    %scan3A_17 = arith.addi %scan3A_15, %scan3A_16 : i32
    %scan3A_18 = arith.constant 1 : i32
    scf.for %scan3A_26 = %scan3A_15 to %scan3A_17 step %scan3A_18  : i32 {
      %mul3A = arith.constant 1 : i32
      %mul3A_27 = arith.muli %scan3A_26, %mul3A : i32
      %add3A = arith.constant 0 : i32
      %add3A_28 = arith.addi %add3A, %mul3A_27 : i32
      %mul3A_29 = arith.constant 16 : i32
      %mul3A_30 = arith.muli %add3A_28, %mul3A_29 : i32
      %add3A_31 = arith.addi %mul3A_30, %arg1 : i32
      %lt3A = arith.constant 1250 : i32
      %lt3A_32 = arith.cmpi slt, %add3A_31, %lt3A : i32
      %convert_element_type3A = arith.extui %lt3A_32 : i1 to i32
      %cond3A = arith.constant 0 : i32
      %cond3A_33 = arith.cmpi ne, %convert_element_type3A, %cond3A : i32
      scf.if %cond3A_33 {
        %mul3A_34 = arith.constant 128 : i32
        %mul3A_35 = arith.muli %add3A_31, %mul3A_34 : i32
        "tpu.region"() ({
          %run_scoped3A = tpu.sem_alloc : memref<!tpu.dma_semaphore, #tpu.memory_space<semaphore_mem>>
          %dma_start3A = tpu.memref_slice %arg3[%mul3A_35] : memref<160000xi32, #tpu.memory_space<hbm>> -> memref<128xi32, #tpu.memory_space<hbm>>
          %dma_start3A_148 = tpu.memref_slice %arg3[%mul3A_35] : memref<160000xi32, #tpu.memory_space<hbm>> -> memref<128xi32, #tpu.memory_space<hbm>>
          tpu.enqueue_dma source(%dma_start3A_148 : memref<128xi32, #tpu.memory_space<hbm>>) target(%arg11 : memref<128xi32, #tpu.memory_space<vmem>>) target_semaphore(%run_scoped3A : memref<!tpu.dma_semaphore, #tpu.memory_space<semaphore_mem>>)
          %dma_wait3A = tpu.memref_slice %arg3[%mul3A_35] : memref<160000xi32, #tpu.memory_space<hbm>> -> memref<128xi32, #tpu.memory_space<hbm>>
          %dma_wait3A_149 = tpu.memref_slice %arg3[%mul3A_35] : memref<160000xi32, #tpu.memory_space<hbm>> -> memref<128xi32, #tpu.memory_space<hbm>>
          tpu.wait_dma2 semaphore(%run_scoped3A : memref<!tpu.dma_semaphore, #tpu.memory_space<semaphore_mem>>) src(%dma_wait3A_149 : memref<128xi32, #tpu.memory_space<hbm>>) dst(%arg11 : memref<128xi32, #tpu.memory_space<vmem>>)
          tpu.yield
        }) : () -> ()
        "tpu.region"() ({
          %run_scoped3A = tpu.sem_alloc : memref<!tpu.dma_semaphore, #tpu.memory_space<semaphore_mem>>
          %dma_start3A = tpu.memref_slice %arg4[%mul3A_35] : memref<160000xi32, #tpu.memory_space<hbm>> -> memref<128xi32, #tpu.memory_space<hbm>>
          %dma_start3A_148 = tpu.memref_slice %arg4[%mul3A_35] : memref<160000xi32, #tpu.memory_space<hbm>> -> memref<128xi32, #tpu.memory_space<hbm>>
          tpu.enqueue_dma source(%dma_start3A_148 : memref<128xi32, #tpu.memory_space<hbm>>) target(%arg12 : memref<128xi32, #tpu.memory_space<vmem>>) target_semaphore(%run_scoped3A : memref<!tpu.dma_semaphore, #tpu.memory_space<semaphore_mem>>)
          %dma_wait3A = tpu.memref_slice %arg4[%mul3A_35] : memref<160000xi32, #tpu.memory_space<hbm>> -> memref<128xi32, #tpu.memory_space<hbm>>
          %dma_wait3A_149 = tpu.memref_slice %arg4[%mul3A_35] : memref<160000xi32, #tpu.memory_space<hbm>> -> memref<128xi32, #tpu.memory_space<hbm>>
          tpu.wait_dma2 semaphore(%run_scoped3A : memref<!tpu.dma_semaphore, #tpu.memory_space<semaphore_mem>>) src(%dma_wait3A_149 : memref<128xi32, #tpu.memory_space<hbm>>) dst(%arg12 : memref<128xi32, #tpu.memory_space<vmem>>)
          tpu.yield
        }) : () -> ()
        %get3A = arith.constant 0 : index
        %get3A_36 = tpu.vector_load %arg11[%get3A] {strides = array<i32>} : memref<128xi32, #tpu.memory_space<vmem>>, vector<16xi32>,
        %get3A_37 = arith.constant 0 : index
        %get3A_38 = tpu.vector_load %arg12[%get3A_37] {strides = array<i32>} : memref<128xi32, #tpu.memory_space<vmem>>, vector<16xi32>,
        %gather3A = tpu.vector_load_idx %arg9[%get3A_36] : memref<10000xf32, #tpu.memory_space<vmem>>[vector<16xi32>], vector<16xf32>,
        %gather3A_39 = tpu.vector_load_idx %arg10[%get3A_38] : memref<10000xf32, #tpu.memory_space<vmem>>[vector<16xi32>], vector<16xf32>,
        %add3A_40 = arith.addf %gather3A, %gather3A_39 : vector<16xf32>
        %mul3A_41 = arith.constant 2.000000e-01 : f32
        %mul3A_42 = vector.broadcast %mul3A_41 : f32 to vector<16xf32>
        %mul3A_43 = arith.mulf %mul3A_42, %add3A_40 : vector<16xf32>
        %max3A = arith.maximumf %add3A_40, %mul3A_43 : vector<16xf32>
        %exp3A = math.exp %max3A : vector<16xf32>
        %swap3A = arith.constant 0 : index
        %swap3A_44 = tpu.vector_load %arg13[%swap3A] {strides = array<i32>} : memref<128xf32, #tpu.memory_space<vmem>>, vector<16xf32>,
        tpu.vector_store %arg13[%swap3A], %exp3A {strides = array<i32>} : memref<128xf32, #tpu.memory_space<vmem>>, vector<16xf32>,
        %get3A_45 = arith.constant 16 : index
        %get3A_46 = tpu.vector_load %arg11[%get3A_45] {strides = array<i32>} : memref<128xi32, #tpu.memory_space<vmem>>, vector<16xi32>,
        %get3A_47 = arith.constant 16 : index
        %get3A_48 = tpu.vector_load %arg12[%get3A_47] {strides = array<i32>} : memref<128xi32, #tpu.memory_space<vmem>>, vector<16xi32>,
        %gather3A_49 = tpu.vector_load_idx %arg9[%get3A_46] : memref<10000xf32, #tpu.memory_space<vmem>>[vector<16xi32>], vector<16xf32>,
        %gather3A_50 = tpu.vector_load_idx %arg10[%get3A_48] : memref<10000xf32, #tpu.memory_space<vmem>>[vector<16xi32>], vector<16xf32>,
        %add3A_51 = arith.addf %gather3A_49, %gather3A_50 : vector<16xf32>
        %mul3A_52 = arith.constant 2.000000e-01 : f32
        %mul3A_53 = vector.broadcast %mul3A_52 : f32 to vector<16xf32>
        %mul3A_54 = arith.mulf %mul3A_53, %add3A_51 : vector<16xf32>
        %max3A_55 = arith.maximumf %add3A_51, %mul3A_54 : vector<16xf32>
        %exp3A_56 = math.exp %max3A_55 : vector<16xf32>
        %swap3A_57 = arith.constant 16 : index
        %swap3A_58 = tpu.vector_load %arg13[%swap3A_57] {strides = array<i32>} : memref<128xf32, #tpu.memory_space<vmem>>, vector<16xf32>,
        tpu.vector_store %arg13[%swap3A_57], %exp3A_56 {strides = array<i32>} : memref<128xf32, #tpu.memory_space<vmem>>, vector<16xf32>,
        %get3A_59 = arith.constant 32 : index
        %get3A_60 = tpu.vector_load %arg11[%get3A_59] {strides = array<i32>} : memref<128xi32, #tpu.memory_space<vmem>>, vector<16xi32>,
        %get3A_61 = arith.constant 32 : index
        %get3A_62 = tpu.vector_load %arg12[%get3A_61] {strides = array<i32>} : memref<128xi32, #tpu.memory_space<vmem>>, vector<16xi32>,
        %gather3A_63 = tpu.vector_load_idx %arg9[%get3A_60] : memref<10000xf32, #tpu.memory_space<vmem>>[vector<16xi32>], vector<16xf32>,
        %gather3A_64 = tpu.vector_load_idx %arg10[%get3A_62] : memref<10000xf32, #tpu.memory_space<vmem>>[vector<16xi32>], vector<16xf32>,
        %add3A_65 = arith.addf %gather3A_63, %gather3A_64 : vector<16xf32>
        %mul3A_66 = arith.constant 2.000000e-01 : f32
        %mul3A_67 = vector.broadcast %mul3A_66 : f32 to vector<16xf32>
        %mul3A_68 = arith.mulf %mul3A_67, %add3A_65 : vector<16xf32>
        %max3A_69 = arith.maximumf %add3A_65, %mul3A_68 : vector<16xf32>
        %exp3A_70 = math.exp %max3A_69 : vector<16xf32>
        %swap3A_71 = arith.constant 32 : index
        %swap3A_72 = tpu.vector_load %arg13[%swap3A_71] {strides = array<i32>} : memref<128xf32, #tpu.memory_space<vmem>>, vector<16xf32>,
        tpu.vector_store %arg13[%swap3A_71], %exp3A_70 {strides = array<i32>} : memref<128xf32, #tpu.memory_space<vmem>>, vector<16xf32>,
        %get3A_73 = arith.constant 48 : index
        %get3A_74 = tpu.vector_load %arg11[%get3A_73] {strides = array<i32>} : memref<128xi32, #tpu.memory_space<vmem>>, vector<16xi32>,
        %get3A_75 = arith.constant 48 : index
        %get3A_76 = tpu.vector_load %arg12[%get3A_75] {strides = array<i32>} : memref<128xi32, #tpu.memory_space<vmem>>, vector<16xi32>,
        %gather3A_77 = tpu.vector_load_idx %arg9[%get3A_74] : memref<10000xf32, #tpu.memory_space<vmem>>[vector<16xi32>], vector<16xf32>,
        %gather3A_78 = tpu.vector_load_idx %arg10[%get3A_76] : memref<10000xf32, #tpu.memory_space<vmem>>[vector<16xi32>], vector<16xf32>,
        %add3A_79 = arith.addf %gather3A_77, %gather3A_78 : vector<16xf32>
        %mul3A_80 = arith.constant 2.000000e-01 : f32
        %mul3A_81 = vector.broadcast %mul3A_80 : f32 to vector<16xf32>
        %mul3A_82 = arith.mulf %mul3A_81, %add3A_79 : vector<16xf32>
        %max3A_83 = arith.maximumf %add3A_79, %mul3A_82 : vector<16xf32>
        %exp3A_84 = math.exp %max3A_83 : vector<16xf32>
        %swap3A_85 = arith.constant 48 : index
        %swap3A_86 = tpu.vector_load %arg13[%swap3A_85] {strides = array<i32>} : memref<128xf32, #tpu.memory_space<vmem>>, vector<16xf32>,
        tpu.vector_store %arg13[%swap3A_85], %exp3A_84 {strides = array<i32>} : memref<128xf32, #tpu.memory_space<vmem>>, vector<16xf32>,
        %get3A_87 = arith.constant 64 : index
        %get3A_88 = tpu.vector_load %arg11[%get3A_87] {strides = array<i32>} : memref<128xi32, #tpu.memory_space<vmem>>, vector<16xi32>,
        %get3A_89 = arith.constant 64 : index
        %get3A_90 = tpu.vector_load %arg12[%get3A_89] {strides = array<i32>} : memref<128xi32, #tpu.memory_space<vmem>>, vector<16xi32>,
        %gather3A_91 = tpu.vector_load_idx %arg9[%get3A_88] : memref<10000xf32, #tpu.memory_space<vmem>>[vector<16xi32>], vector<16xf32>,
        %gather3A_92 = tpu.vector_load_idx %arg10[%get3A_90] : memref<10000xf32, #tpu.memory_space<vmem>>[vector<16xi32>], vector<16xf32>,
        %add3A_93 = arith.addf %gather3A_91, %gather3A_92 : vector<16xf32>
        %mul3A_94 = arith.constant 2.000000e-01 : f32
        %mul3A_95 = vector.broadcast %mul3A_94 : f32 to vector<16xf32>
        %mul3A_96 = arith.mulf %mul3A_95, %add3A_93 : vector<16xf32>
        %max3A_97 = arith.maximumf %add3A_93, %mul3A_96 : vector<16xf32>
        %exp3A_98 = math.exp %max3A_97 : vector<16xf32>
        %swap3A_99 = arith.constant 64 : index
        %swap3A_100 = tpu.vector_load %arg13[%swap3A_99] {strides = array<i32>} : memref<128xf32, #tpu.memory_space<vmem>>, vector<16xf32>,
        tpu.vector_store %arg13[%swap3A_99], %exp3A_98 {strides = array<i32>} : memref<128xf32, #tpu.memory_space<vmem>>, vector<16xf32>,
        %get3A_101 = arith.constant 80 : index
        %get3A_102 = tpu.vector_load %arg11[%get3A_101] {strides = array<i32>} : memref<128xi32, #tpu.memory_space<vmem>>, vector<16xi32>,
        %get3A_103 = arith.constant 80 : index
        %get3A_104 = tpu.vector_load %arg12[%get3A_103] {strides = array<i32>} : memref<128xi32, #tpu.memory_space<vmem>>, vector<16xi32>,
        %gather3A_105 = tpu.vector_load_idx %arg9[%get3A_102] : memref<10000xf32, #tpu.memory_space<vmem>>[vector<16xi32>], vector<16xf32>,
        %gather3A_106 = tpu.vector_load_idx %arg10[%get3A_104] : memref<10000xf32, #tpu.memory_space<vmem>>[vector<16xi32>], vector<16xf32>,
        %add3A_107 = arith.addf %gather3A_105, %gather3A_106 : vector<16xf32>
        %mul3A_108 = arith.constant 2.000000e-01 : f32
        %mul3A_109 = vector.broadcast %mul3A_108 : f32 to vector<16xf32>
        %mul3A_110 = arith.mulf %mul3A_109, %add3A_107 : vector<16xf32>
        %max3A_111 = arith.maximumf %add3A_107, %mul3A_110 : vector<16xf32>
        %exp3A_112 = math.exp %max3A_111 : vector<16xf32>
        %swap3A_113 = arith.constant 80 : index
        %swap3A_114 = tpu.vector_load %arg13[%swap3A_113] {strides = array<i32>} : memref<128xf32, #tpu.memory_space<vmem>>, vector<16xf32>,
        tpu.vector_store %arg13[%swap3A_113], %exp3A_112 {strides = array<i32>} : memref<128xf32, #tpu.memory_space<vmem>>, vector<16xf32>,
        %get3A_115 = arith.constant 96 : index
        %get3A_116 = tpu.vector_load %arg11[%get3A_115] {strides = array<i32>} : memref<128xi32, #tpu.memory_space<vmem>>, vector<16xi32>,
        %get3A_117 = arith.constant 96 : index
        %get3A_118 = tpu.vector_load %arg12[%get3A_117] {strides = array<i32>} : memref<128xi32, #tpu.memory_space<vmem>>, vector<16xi32>,
        %gather3A_119 = tpu.vector_load_idx %arg9[%get3A_116] : memref<10000xf32, #tpu.memory_space<vmem>>[vector<16xi32>], vector<16xf32>,
        %gather3A_120 = tpu.vector_load_idx %arg10[%get3A_118] : memref<10000xf32, #tpu.memory_space<vmem>>[vector<16xi32>], vector<16xf32>,
        %add3A_121 = arith.addf %gather3A_119, %gather3A_120 : vector<16xf32>
        %mul3A_122 = arith.constant 2.000000e-01 : f32
        %mul3A_123 = vector.broadcast %mul3A_122 : f32 to vector<16xf32>
        %mul3A_124 = arith.mulf %mul3A_123, %add3A_121 : vector<16xf32>
        %max3A_125 = arith.maximumf %add3A_121, %mul3A_124 : vector<16xf32>
        %exp3A_126 = math.exp %max3A_125 : vector<16xf32>
        %swap3A_127 = arith.constant 96 : index
        %swap3A_128 = tpu.vector_load %arg13[%swap3A_127] {strides = array<i32>} : memref<128xf32, #tpu.memory_space<vmem>>, vector<16xf32>,
        tpu.vector_store %arg13[%swap3A_127], %exp3A_126 {strides = array<i32>} : memref<128xf32, #tpu.memory_space<vmem>>, vector<16xf32>,
        %get3A_129 = arith.constant 112 : index
        %get3A_130 = tpu.vector_load %arg11[%get3A_129] {strides = array<i32>} : memref<128xi32, #tpu.memory_space<vmem>>, vector<16xi32>,
        %get3A_131 = arith.constant 112 : index
        %get3A_132 = tpu.vector_load %arg12[%get3A_131] {strides = array<i32>} : memref<128xi32, #tpu.memory_space<vmem>>, vector<16xi32>,
        %gather3A_133 = tpu.vector_load_idx %arg9[%get3A_130] : memref<10000xf32, #tpu.memory_space<vmem>>[vector<16xi32>], vector<16xf32>,
        %gather3A_134 = tpu.vector_load_idx %arg10[%get3A_132] : memref<10000xf32, #tpu.memory_space<vmem>>[vector<16xi32>], vector<16xf32>,
        %add3A_135 = arith.addf %gather3A_133, %gather3A_134 : vector<16xf32>
        %mul3A_136 = arith.constant 2.000000e-01 : f32
        %mul3A_137 = vector.broadcast %mul3A_136 : f32 to vector<16xf32>
        %mul3A_138 = arith.mulf %mul3A_137, %add3A_135 : vector<16xf32>
        %max3A_139 = arith.maximumf %add3A_135, %mul3A_138 : vector<16xf32>
        %exp3A_140 = math.exp %max3A_139 : vector<16xf32>
        %swap3A_141 = arith.constant 112 : index
        %swap3A_142 = tpu.vector_load %arg13[%swap3A_141] {strides = array<i32>} : memref<128xf32, #tpu.memory_space<vmem>>, vector<16xf32>,
        tpu.vector_store %arg13[%swap3A_141], %exp3A_140 {strides = array<i32>} : memref<128xf32, #tpu.memory_space<vmem>>, vector<16xf32>,
        "tpu.region"() ({
          %run_scoped3A = tpu.sem_alloc : memref<!tpu.dma_semaphore, #tpu.memory_space<semaphore_mem>>
          %dma_start3A = arith.constant 0 : i32
          %dma_start3A_148 = arith.constant 0 : i32
          %dma_start3A_149 = tpu.memref_slice %arg2[%arg0, %dma_start3A, %dma_start3A_148] : memref<2x10000x128xf32, #tpu.memory_space<hbm>> -> memref<1x10000x128xf32, #tpu.memory_space<hbm>>
          %dma_start3A_150 = tpu.memref_squeeze %dma_start3A_149 : memref<1x10000x128xf32, #tpu.memory_space<hbm>> -> memref<10000x128xf32, #tpu.memory_space<hbm>>
          %dma_start3A_151 = arith.constant 0 : i32
          %dma_start3A_152 = arith.constant 0 : i32
          %dma_start3A_153 = tpu.memref_slice %dma_start3A_150[%dma_start3A_151, %dma_start3A_152] : memref<10000x128xf32, #tpu.memory_space<hbm>> -> memref<10000x128xf32, #tpu.memory_space<hbm>>
          tpu.enqueue_indirect_dma source(%dma_start3A_153 : memref<10000x128xf32, #tpu.memory_space<hbm>>) target(%arg14 : memref<128x128xf32, #tpu.memory_space<vmem>>) offsets(%arg11 : memref<128xi32, #tpu.memory_space<vmem>>) semaphore(%run_scoped3A : memref<!tpu.dma_semaphore, #tpu.memory_space<semaphore_mem>>)
          %dma_wait3A = arith.constant 0 : i32
          %dma_wait3A_154 = arith.constant 0 : i32
          %dma_wait3A_155 = tpu.memref_slice %arg2[%arg0, %dma_wait3A, %dma_wait3A_154] : memref<2x10000x128xf32, #tpu.memory_space<hbm>> -> memref<1x10000x128xf32, #tpu.memory_space<hbm>>
          %dma_wait3A_156 = tpu.memref_squeeze %dma_wait3A_155 : memref<1x10000x128xf32, #tpu.memory_space<hbm>> -> memref<10000x128xf32, #tpu.memory_space<hbm>>
          %dma_wait3A_157 = arith.constant 0 : i32
          %dma_wait3A_158 = arith.constant 0 : i32
          %dma_wait3A_159 = tpu.memref_slice %dma_wait3A_156[%dma_wait3A_157, %dma_wait3A_158] : memref<10000x128xf32, #tpu.memory_space<hbm>> -> memref<10000x128xf32, #tpu.memory_space<hbm>>
          tpu.wait_indirect_dma semaphore(%run_scoped3A : memref<!tpu.dma_semaphore, #tpu.memory_space<semaphore_mem>>) src(%dma_wait3A_159 : memref<10000x128xf32, #tpu.memory_space<hbm>>) dst(%arg14 : memref<128x128xf32, #tpu.memory_space<vmem>>)
          tpu.yield
        }) : () -> ()
        %scan3A_143 = arith.constant 0 : i32
        %scan3A_144 = arith.constant 128 : i32
        %scan3A_145 = arith.addi %scan3A_143, %scan3A_144 : i32
        %scan3A_146 = arith.constant 1 : i32
        scf.for %scan3A_148 = %scan3A_143 to %scan3A_145 step %scan3A_146  : i32 {
          %mul3A_149 = arith.constant 1 : i32
          %mul3A_150 = arith.muli %scan3A_148, %mul3A_149 : i32
          %add3A_151 = arith.constant 0 : i32
          %add3A_152 = arith.addi %add3A_151, %mul3A_150 : i32
          %broadcast_in_dim3A_153 = vector.broadcast %add3A_152 : i32 to vector<16xi32>
          %gather3A_154 = tpu.vector_load_idx %arg13[%broadcast_in_dim3A_153] : memref<128xf32, #tpu.memory_space<vmem>>[vector<16xi32>], vector<16xf32>,
          %get3A_155 = arith.index_cast %add3A_152 : i32 to index
          %get3A_156 = arith.constant 0 : index
          %get3A_157 = tpu.vector_load %arg14[%get3A_155, %get3A_156] {strides = array<i32>} : memref<128x128xf32, #tpu.memory_space<vmem>>, vector<16xf32>,
          %mul3A_158 = arith.mulf %get3A_157, %gather3A_154 : vector<16xf32>
          %swap3A_159 = arith.index_cast %add3A_152 : i32 to index
          %swap3A_160 = arith.constant 0 : index
          %swap3A_161 = tpu.vector_load %arg14[%swap3A_159, %swap3A_160] {strides = array<i32>} : memref<128x128xf32, #tpu.memory_space<vmem>>, vector<16xf32>,
          tpu.vector_store %arg14[%swap3A_159, %swap3A_160], %mul3A_158 {strides = array<i32>} : memref<128x128xf32, #tpu.memory_space<vmem>>, vector<16xf32>,
          %get3A_162 = arith.index_cast %add3A_152 : i32 to index
          %get3A_163 = arith.constant 16 : index
          %get3A_164 = tpu.vector_load %arg14[%get3A_162, %get3A_163] {strides = array<i32>} : memref<128x128xf32, #tpu.memory_space<vmem>>, vector<16xf32>,
          %mul3A_165 = arith.mulf %get3A_164, %gather3A_154 : vector<16xf32>
          %swap3A_166 = arith.index_cast %add3A_152 : i32 to index
          %swap3A_167 = arith.constant 16 : index
          %swap3A_168 = tpu.vector_load %arg14[%swap3A_166, %swap3A_167] {strides = array<i32>} : memref<128x128xf32, #tpu.memory_space<vmem>>, vector<16xf32>,
          tpu.vector_store %arg14[%swap3A_166, %swap3A_167], %mul3A_165 {strides = array<i32>} : memref<128x128xf32, #tpu.memory_space<vmem>>, vector<16xf32>,
          %get3A_169 = arith.index_cast %add3A_152 : i32 to index
          %get3A_170 = arith.constant 32 : index
          %get3A_171 = tpu.vector_load %arg14[%get3A_169, %get3A_170] {strides = array<i32>} : memref<128x128xf32, #tpu.memory_space<vmem>>, vector<16xf32>,
          %mul3A_172 = arith.mulf %get3A_171, %gather3A_154 : vector<16xf32>
          %swap3A_173 = arith.index_cast %add3A_152 : i32 to index
          %swap3A_174 = arith.constant 32 : index
          %swap3A_175 = tpu.vector_load %arg14[%swap3A_173, %swap3A_174] {strides = array<i32>} : memref<128x128xf32, #tpu.memory_space<vmem>>, vector<16xf32>,
          tpu.vector_store %arg14[%swap3A_173, %swap3A_174], %mul3A_172 {strides = array<i32>} : memref<128x128xf32, #tpu.memory_space<vmem>>, vector<16xf32>,
          %get3A_176 = arith.index_cast %add3A_152 : i32 to index
          %get3A_177 = arith.constant 48 : index
          %get3A_178 = tpu.vector_load %arg14[%get3A_176, %get3A_177] {strides = array<i32>} : memref<128x128xf32, #tpu.memory_space<vmem>>, vector<16xf32>,
          %mul3A_179 = arith.mulf %get3A_178, %gather3A_154 : vector<16xf32>
          %swap3A_180 = arith.index_cast %add3A_152 : i32 to index
          %swap3A_181 = arith.constant 48 : index
          %swap3A_182 = tpu.vector_load %arg14[%swap3A_180, %swap3A_181] {strides = array<i32>} : memref<128x128xf32, #tpu.memory_space<vmem>>, vector<16xf32>,
          tpu.vector_store %arg14[%swap3A_180, %swap3A_181], %mul3A_179 {strides = array<i32>} : memref<128x128xf32, #tpu.memory_space<vmem>>, vector<16xf32>,
          %get3A_183 = arith.index_cast %add3A_152 : i32 to index
          %get3A_184 = arith.constant 64 : index
          %get3A_185 = tpu.vector_load %arg14[%get3A_183, %get3A_184] {strides = array<i32>} : memref<128x128xf32, #tpu.memory_space<vmem>>, vector<16xf32>,
          %mul3A_186 = arith.mulf %get3A_185, %gather3A_154 : vector<16xf32>
          %swap3A_187 = arith.index_cast %add3A_152 : i32 to index
          %swap3A_188 = arith.constant 64 : index
          %swap3A_189 = tpu.vector_load %arg14[%swap3A_187, %swap3A_188] {strides = array<i32>} : memref<128x128xf32, #tpu.memory_space<vmem>>, vector<16xf32>,
          tpu.vector_store %arg14[%swap3A_187, %swap3A_188], %mul3A_186 {strides = array<i32>} : memref<128x128xf32, #tpu.memory_space<vmem>>, vector<16xf32>,
          %get3A_190 = arith.index_cast %add3A_152 : i32 to index
          %get3A_191 = arith.constant 80 : index
          %get3A_192 = tpu.vector_load %arg14[%get3A_190, %get3A_191] {strides = array<i32>} : memref<128x128xf32, #tpu.memory_space<vmem>>, vector<16xf32>,
          %mul3A_193 = arith.mulf %get3A_192, %gather3A_154 : vector<16xf32>
          %swap3A_194 = arith.index_cast %add3A_152 : i32 to index
          %swap3A_195 = arith.constant 80 : index
          %swap3A_196 = tpu.vector_load %arg14[%swap3A_194, %swap3A_195] {strides = array<i32>} : memref<128x128xf32, #tpu.memory_space<vmem>>, vector<16xf32>,
          tpu.vector_store %arg14[%swap3A_194, %swap3A_195], %mul3A_193 {strides = array<i32>} : memref<128x128xf32, #tpu.memory_space<vmem>>, vector<16xf32>,
          %get3A_197 = arith.index_cast %add3A_152 : i32 to index
          %get3A_198 = arith.constant 96 : index
          %get3A_199 = tpu.vector_load %arg14[%get3A_197, %get3A_198] {strides = array<i32>} : memref<128x128xf32, #tpu.memory_space<vmem>>, vector<16xf32>,
          %mul3A_200 = arith.mulf %get3A_199, %gather3A_154 : vector<16xf32>
          %swap3A_201 = arith.index_cast %add3A_152 : i32 to index
          %swap3A_202 = arith.constant 96 : index
          %swap3A_203 = tpu.vector_load %arg14[%swap3A_201, %swap3A_202] {strides = array<i32>} : memref<128x128xf32, #tpu.memory_space<vmem>>, vector<16xf32>,
          tpu.vector_store %arg14[%swap3A_201, %swap3A_202], %mul3A_200 {strides = array<i32>} : memref<128x128xf32, #tpu.memory_space<vmem>>, vector<16xf32>,
          %get3A_204 = arith.index_cast %add3A_152 : i32 to index
          %get3A_205 = arith.constant 112 : index
          %get3A_206 = tpu.vector_load %arg14[%get3A_204, %get3A_205] {strides = array<i32>} : memref<128x128xf32, #tpu.memory_space<vmem>>, vector<16xf32>,
          %mul3A_207 = arith.mulf %get3A_206, %gather3A_154 : vector<16xf32>
          %swap3A_208 = arith.index_cast %add3A_152 : i32 to index
          %swap3A_209 = arith.constant 112 : index
          %swap3A_210 = tpu.vector_load %arg14[%swap3A_208, %swap3A_209] {strides = array<i32>} : memref<128x128xf32, #tpu.memory_space<vmem>>, vector<16xf32>,
          tpu.vector_store %arg14[%swap3A_208, %swap3A_209], %mul3A_207 {strides = array<i32>} : memref<128x128xf32, #tpu.memory_space<vmem>>, vector<16xf32>,
        }
        %scan3A_147 = arith.constant 128 : i32
        "tpu.region"() ({
          %run_scoped3A = tpu.sem_alloc : memref<!tpu.dma_semaphore, #tpu.memory_space<semaphore_mem>>
          %dma_start3A = arith.constant 0 : i32
          %dma_start3A_148 = arith.constant 0 : i32
          %dma_start3A_149 = tpu.memref_slice %arg15[%dma_start3A, %dma_start3A_148] : memref<10240x128xf32, #tpu.memory_space<vmem_shared>> -> memref<10240x128xf32, #tpu.memory_space<vmem_shared>>
          tpu.enqueue_indirect_dma source(%arg14 : memref<128x128xf32, #tpu.memory_space<vmem>>) target(%dma_start3A_149 : memref<10240x128xf32, #tpu.memory_space<vmem_shared>>) offsets(%arg12 : memref<128xi32, #tpu.memory_space<vmem>>) semaphore(%run_scoped3A : memref<!tpu.dma_semaphore, #tpu.memory_space<semaphore_mem>>) {add = true}
          %dma_wait3A = arith.constant 0 : i32
          %dma_wait3A_150 = arith.constant 0 : i32
          %dma_wait3A_151 = tpu.memref_slice %arg15[%dma_wait3A, %dma_wait3A_150] : memref<10240x128xf32, #tpu.memory_space<vmem_shared>> -> memref<10240x128xf32, #tpu.memory_space<vmem_shared>>
          tpu.wait_indirect_dma semaphore(%run_scoped3A : memref<!tpu.dma_semaphore, #tpu.memory_space<semaphore_mem>>) src(%arg14 : memref<128x128xf32, #tpu.memory_space<vmem>>) dst(%dma_wait3A_151 : memref<10240x128xf32, #tpu.memory_space<vmem_shared>>)
          tpu.yield
        }) : () -> ()
        "tpu.region"() ({
          %run_scoped3A = tpu.sem_alloc : memref<!tpu.dma_semaphore, #tpu.memory_space<semaphore_mem>>
          %dma_start3A = arith.constant 0 : i32
          %dma_start3A_148 = tpu.memref_slice %arg16[%dma_start3A] : memref<10240xf32, #tpu.memory_space<vmem_shared>> -> memref<10240xf32, #tpu.memory_space<vmem_shared>>
          tpu.enqueue_indirect_dma source(%arg13 : memref<128xf32, #tpu.memory_space<vmem>>) target(%dma_start3A_148 : memref<10240xf32, #tpu.memory_space<vmem_shared>>) offsets(%arg12 : memref<128xi32, #tpu.memory_space<vmem>>) semaphore(%run_scoped3A : memref<!tpu.dma_semaphore, #tpu.memory_space<semaphore_mem>>) {add = true}
          %dma_wait3A = arith.constant 0 : i32
          %dma_wait3A_149 = tpu.memref_slice %arg16[%dma_wait3A] : memref<10240xf32, #tpu.memory_space<vmem_shared>> -> memref<10240xf32, #tpu.memory_space<vmem_shared>>
          tpu.wait_indirect_dma semaphore(%run_scoped3A : memref<!tpu.dma_semaphore, #tpu.memory_space<semaphore_mem>>) src(%arg13 : memref<128xf32, #tpu.memory_space<vmem>>) dst(%dma_wait3A_149 : memref<10240xf32, #tpu.memory_space<vmem_shared>>)
          tpu.yield
        }) : () -> ()
      } else {
      }
    }
    %scan3A_19 = arith.constant 79 : i32
    %barrier3A_20 = arith.constant 0 : index
    tpu.barrier barrier_id(%barrier3A_20)
    %scan3A_21 = arith.constant 0 : i32
    %scan3A_22 = arith.constant 5 : i32
    %scan3A_23 = arith.addi %scan3A_21, %scan3A_22 : i32
    %scan3A_24 = arith.constant 1 : i32
    scf.for %scan3A_26 = %scan3A_21 to %scan3A_23 step %scan3A_24  : i32 {
      %mul3A = arith.constant 1 : i32
      %mul3A_27 = arith.muli %scan3A_26, %mul3A : i32
      %add3A = arith.constant 0 : i32
      %add3A_28 = arith.addi %add3A, %mul3A_27 : i32
      %mul3A_29 = arith.constant 5 : i32
      %mul3A_30 = arith.muli %arg1, %mul3A_29 : i32
      %add3A_31 = arith.addi %mul3A_30, %add3A_28 : i32
      %mul3A_32 = arith.constant 128 : i32
      %mul3A_33 = arith.muli %add3A_31, %mul3A_32 : i32
      "tpu.region"() ({
        %run_scoped3A = tpu.sem_alloc : memref<!tpu.dma_semaphore, #tpu.memory_space<semaphore_mem>>
        %dma_start3A = arith.constant 0 : i32
        %dma_start3A_34 = arith.constant 0 : i32
        %dma_start3A_35 = tpu.memref_slice %arg7[%arg0, %dma_start3A, %dma_start3A_34] : memref<2x10240x128xf32, #tpu.memory_space<hbm>> -> memref<1x10240x128xf32, #tpu.memory_space<hbm>>
        %dma_start3A_36 = tpu.memref_squeeze %dma_start3A_35 : memref<1x10240x128xf32, #tpu.memory_space<hbm>> -> memref<10240x128xf32, #tpu.memory_space<hbm>>
        %dma_start3A_37 = arith.constant 0 : i32
        %dma_start3A_38 = tpu.memref_slice %dma_start3A_36[%mul3A_33, %dma_start3A_37] : memref<10240x128xf32, #tpu.memory_space<hbm>> -> memref<128x128xf32, #tpu.memory_space<hbm>>
        %dma_start3A_39 = arith.constant 0 : i32
        %dma_start3A_40 = tpu.memref_slice %arg15[%mul3A_33, %dma_start3A_39] : memref<10240x128xf32, #tpu.memory_space<vmem_shared>> -> memref<128x128xf32, #tpu.memory_space<vmem_shared>>
        tpu.enqueue_dma source(%dma_start3A_40 : memref<128x128xf32, #tpu.memory_space<vmem_shared>>) target(%dma_start3A_38 : memref<128x128xf32, #tpu.memory_space<hbm>>) target_semaphore(%run_scoped3A : memref<!tpu.dma_semaphore, #tpu.memory_space<semaphore_mem>>)
        %dma_wait3A = arith.constant 0 : i32
        %dma_wait3A_41 = arith.constant 0 : i32
        %dma_wait3A_42 = tpu.memref_slice %arg7[%arg0, %dma_wait3A, %dma_wait3A_41] : memref<2x10240x128xf32, #tpu.memory_space<hbm>> -> memref<1x10240x128xf32, #tpu.memory_space<hbm>>
        %dma_wait3A_43 = tpu.memref_squeeze %dma_wait3A_42 : memref<1x10240x128xf32, #tpu.memory_space<hbm>> -> memref<10240x128xf32, #tpu.memory_space<hbm>>
        %dma_wait3A_44 = arith.constant 0 : i32
        %dma_wait3A_45 = tpu.memref_slice %dma_wait3A_43[%mul3A_33, %dma_wait3A_44] : memref<10240x128xf32, #tpu.memory_space<hbm>> -> memref<128x128xf32, #tpu.memory_space<hbm>>
        %dma_wait3A_46 = arith.constant 0 : i32
        %dma_wait3A_47 = tpu.memref_slice %arg15[%mul3A_33, %dma_wait3A_46] : memref<10240x128xf32, #tpu.memory_space<vmem_shared>> -> memref<128x128xf32, #tpu.memory_space<vmem_shared>>
        tpu.wait_dma2 semaphore(%run_scoped3A : memref<!tpu.dma_semaphore, #tpu.memory_space<semaphore_mem>>) src(%dma_wait3A_47 : memref<128x128xf32, #tpu.memory_space<vmem_shared>>) dst(%dma_wait3A_45 : memref<128x128xf32, #tpu.memory_space<hbm>>)
        tpu.yield
      }) : () -> ()
      "tpu.region"() ({
        %run_scoped3A = tpu.sem_alloc : memref<!tpu.dma_semaphore, #tpu.memory_space<semaphore_mem>>
        %dma_start3A = arith.constant 0 : i32
        %dma_start3A_34 = tpu.memref_slice %arg8[%arg0, %dma_start3A] : memref<2x10240xf32, #tpu.memory_space<hbm>> -> memref<1x10240xf32, #tpu.memory_space<hbm>>
        %dma_start3A_35 = tpu.memref_squeeze %dma_start3A_34 : memref<1x10240xf32, #tpu.memory_space<hbm>> -> memref<10240xf32, #tpu.memory_space<hbm>>
        %dma_start3A_36 = tpu.memref_slice %dma_start3A_35[%mul3A_33] : memref<10240xf32, #tpu.memory_space<hbm>> -> memref<128xf32, #tpu.memory_space<hbm>>
        %dma_start3A_37 = tpu.memref_slice %arg16[%mul3A_33] : memref<10240xf32, #tpu.memory_space<vmem_shared>> -> memref<128xf32, #tpu.memory_space<vmem_shared>>
        tpu.enqueue_dma source(%dma_start3A_37 : memref<128xf32, #tpu.memory_space<vmem_shared>>) target(%dma_start3A_36 : memref<128xf32, #tpu.memory_space<hbm>>) target_semaphore(%run_scoped3A : memref<!tpu.dma_semaphore, #tpu.memory_space<semaphore_mem>>)
        %dma_wait3A = arith.constant 0 : i32
        %dma_wait3A_38 = tpu.memref_slice %arg8[%arg0, %dma_wait3A] : memref<2x10240xf32, #tpu.memory_space<hbm>> -> memref<1x10240xf32, #tpu.memory_space<hbm>>
        %dma_wait3A_39 = tpu.memref_squeeze %dma_wait3A_38 : memref<1x10240xf32, #tpu.memory_space<hbm>> -> memref<10240xf32, #tpu.memory_space<hbm>>
        %dma_wait3A_40 = tpu.memref_slice %dma_wait3A_39[%mul3A_33] : memref<10240xf32, #tpu.memory_space<hbm>> -> memref<128xf32, #tpu.memory_space<hbm>>
        %dma_wait3A_41 = tpu.memref_slice %arg16[%mul3A_33] : memref<10240xf32, #tpu.memory_space<vmem_shared>> -> memref<128xf32, #tpu.memory_space<vmem_shared>>
        tpu.wait_dma2 semaphore(%run_scoped3A : memref<!tpu.dma_semaphore, #tpu.memory_space<semaphore_mem>>) src(%dma_wait3A_41 : memref<128xf32, #tpu.memory_space<vmem_shared>>) dst(%dma_wait3A_40 : memref<128xf32, #tpu.memory_space<hbm>>)
        tpu.yield
      }) : () -> ()
    }
    %scan3A_25 = arith.constant 5 : i32
    return
  }
}

#map = affine_map<(d0, d1) -> (0, 0, 0)>
#map1 = affine_map<(d0, d1) -> (0)>
#map2 = affine_map<(d0, d1) -> (0, 0)>
module attributes {stable_mosaic.version = 14 : i64} {
  func.func @_sc_layer(%arg0: i32, %arg1: i32, %arg2: memref<2x10000x128xf32, #tpu.memory_space<hbm>>, %arg3: memref<160000xi32, #tpu.memory_space<hbm>>, %arg4: memref<160000xi32, #tpu.memory_space<hbm>>, %arg5: memref<10000xf32, #tpu.memory_space<hbm>>, %arg6: memref<10000xf32, #tpu.memory_space<hbm>>, %arg7: memref<2x10240x128xf32, #tpu.memory_space<hbm>>, %arg8: memref<2x10240xf32, #tpu.memory_space<hbm>>, %arg9: memref<10000xf32, #tpu.memory_space<vmem>>, %arg10: memref<10000xf32, #tpu.memory_space<vmem>>, %arg11: memref<128xi32, #tpu.memory_space<vmem>>, %arg12: memref<128xi32, #tpu.memory_space<vmem>>, %arg13: memref<128xf32, #tpu.memory_space<vmem>>, %arg14: memref<128x128xf32, #tpu.memory_space<vmem>>, %arg15: memref<10240x128xf32, #tpu.memory_space<vmem_shared>>, %arg16: memref<10240xf32, #tpu.memory_space<vmem_shared>>) attributes {dimension_semantics = [#tpu.dimension_semantics<core_parallel>, #tpu.dimension_semantics<subcore_parallel>], iteration_bounds = array<i64: 2, 16>, scalar_prefetch = 0 : i64, scratch_operands = 8 : i64, tpu.core_type = #tpu.core_type<sc_vector_subcore>, window_params = [{transform_indices = #map}, {transform_indices = #map1}, {transform_indices = #map1}, {transform_indices = #map1}, {transform_indices = #map1}, {transform_indices = #map}, {transform_indices = #map2}]} {
    %broadcast_in_dim3A = arith.constant 0.000000e+00 : f32
    %broadcast_in_dim3A_0 = vector.broadcast %broadcast_in_dim3A : f32 to vector<16xf32>
    %scan3A = arith.constant 0 : i32
    %scan3A_1 = arith.constant 128 : i32
    %scan3A_2 = arith.addi %scan3A, %scan3A_1 : i32
    %scan3A_3 = arith.constant 1 : i32
    scf.for %scan3A_26 = %scan3A to %scan3A_2 step %scan3A_3  : i32 {
      %mul3A = arith.constant 1 : i32
      %mul3A_27 = arith.muli %scan3A_26, %mul3A : i32
      %add3A = arith.constant 0 : i32
      %add3A_28 = arith.addi %add3A, %mul3A_27 : i32
      %swap3A = arith.index_cast %add3A_28 : i32 to index
      %swap3A_29 = arith.constant 0 : index
      %swap3A_30 = tpu.vector_load %arg14[%swap3A, %swap3A_29] {strides = array<i32>} : memref<128x128xf32, #tpu.memory_space<vmem>>, vector<16xf32>,
      tpu.vector_store %arg14[%swap3A, %swap3A_29], %broadcast_in_dim3A_0 {strides = array<i32>} : memref<128x128xf32, #tpu.memory_space<vmem>>, vector<16xf32>,
      %swap3A_31 = arith.index_cast %add3A_28 : i32 to index
      %swap3A_32 = arith.constant 16 : index
      %swap3A_33 = tpu.vector_load %arg14[%swap3A_31, %swap3A_32] {strides = array<i32>} : memref<128x128xf32, #tpu.memory_space<vmem>>, vector<16xf32>,
      tpu.vector_store %arg14[%swap3A_31, %swap3A_32], %broadcast_in_dim3A_0 {strides = array<i32>} : memref<128x128xf32, #tpu.memory_space<vmem>>, vector<16xf32>,
      %swap3A_34 = arith.index_cast %add3A_28 : i32 to index
      %swap3A_35 = arith.constant 32 : index
      %swap3A_36 = tpu.vector_load %arg14[%swap3A_34, %swap3A_35] {strides = array<i32>} : memref<128x128xf32, #tpu.memory_space<vmem>>, vector<16xf32>,
      tpu.vector_store %arg14[%swap3A_34, %swap3A_35], %broadcast_in_dim3A_0 {strides = array<i32>} : memref<128x128xf32, #tpu.memory_space<vmem>>, vector<16xf32>,
      %swap3A_37 = arith.index_cast %add3A_28 : i32 to index
      %swap3A_38 = arith.constant 48 : index
      %swap3A_39 = tpu.vector_load %arg14[%swap3A_37, %swap3A_38] {strides = array<i32>} : memref<128x128xf32, #tpu.memory_space<vmem>>, vector<16xf32>,
      tpu.vector_store %arg14[%swap3A_37, %swap3A_38], %broadcast_in_dim3A_0 {strides = array<i32>} : memref<128x128xf32, #tpu.memory_space<vmem>>, vector<16xf32>,
      %swap3A_40 = arith.index_cast %add3A_28 : i32 to index
      %swap3A_41 = arith.constant 64 : index
      %swap3A_42 = tpu.vector_load %arg14[%swap3A_40, %swap3A_41] {strides = array<i32>} : memref<128x128xf32, #tpu.memory_space<vmem>>, vector<16xf32>,
      tpu.vector_store %arg14[%swap3A_40, %swap3A_41], %broadcast_in_dim3A_0 {strides = array<i32>} : memref<128x128xf32, #tpu.memory_space<vmem>>, vector<16xf32>,
      %swap3A_43 = arith.index_cast %add3A_28 : i32 to index
      %swap3A_44 = arith.constant 80 : index
      %swap3A_45 = tpu.vector_load %arg14[%swap3A_43, %swap3A_44] {strides = array<i32>} : memref<128x128xf32, #tpu.memory_space<vmem>>, vector<16xf32>,
      tpu.vector_store %arg14[%swap3A_43, %swap3A_44], %broadcast_in_dim3A_0 {strides = array<i32>} : memref<128x128xf32, #tpu.memory_space<vmem>>, vector<16xf32>,
      %swap3A_46 = arith.index_cast %add3A_28 : i32 to index
      %swap3A_47 = arith.constant 96 : index
      %swap3A_48 = tpu.vector_load %arg14[%swap3A_46, %swap3A_47] {strides = array<i32>} : memref<128x128xf32, #tpu.memory_space<vmem>>, vector<16xf32>,
      tpu.vector_store %arg14[%swap3A_46, %swap3A_47], %broadcast_in_dim3A_0 {strides = array<i32>} : memref<128x128xf32, #tpu.memory_space<vmem>>, vector<16xf32>,
      %swap3A_49 = arith.index_cast %add3A_28 : i32 to index
      %swap3A_50 = arith.constant 112 : index
      %swap3A_51 = tpu.vector_load %arg14[%swap3A_49, %swap3A_50] {strides = array<i32>} : memref<128x128xf32, #tpu.memory_space<vmem>>, vector<16xf32>,
      tpu.vector_store %arg14[%swap3A_49, %swap3A_50], %broadcast_in_dim3A_0 {strides = array<i32>} : memref<128x128xf32, #tpu.memory_space<vmem>>, vector<16xf32>,
    }
    %scan3A_4 = arith.constant 128 : i32
    %scan3A_5 = arith.constant 0 : i32
    %scan3A_6 = arith.constant 8 : i32
    %scan3A_7 = arith.addi %scan3A_5, %scan3A_6 : i32
    %scan3A_8 = arith.constant 1 : i32
    scf.for %scan3A_26 = %scan3A_5 to %scan3A_7 step %scan3A_8  : i32 {
      %mul3A = arith.constant 1 : i32
      %mul3A_27 = arith.muli %scan3A_26, %mul3A : i32
      %add3A = arith.constant 0 : i32
      %add3A_28 = arith.addi %add3A, %mul3A_27 : i32
      %mul3A_29 = arith.constant 16 : i32
      %mul3A_30 = arith.muli %add3A_28, %mul3A_29 : i32
      %swap3A = arith.index_cast %mul3A_30 : i32 to index
      %swap3A_31 = tpu.vector_load %arg13[%swap3A] {strides = array<i32>} : memref<128xf32, #tpu.memory_space<vmem>>, vector<16xf32>,
      tpu.vector_store %arg13[%swap3A], %broadcast_in_dim3A_0 {strides = array<i32>} : memref<128xf32, #tpu.memory_space<vmem>>, vector<16xf32>,
    }
    %scan3A_9 = arith.constant 8 : i32
    %scan3A_10 = arith.constant 0 : i32
    %scan3A_11 = arith.constant 5 : i32
    %scan3A_12 = arith.addi %scan3A_10, %scan3A_11 : i32
    %scan3A_13 = arith.constant 1 : i32
    scf.for %scan3A_26 = %scan3A_10 to %scan3A_12 step %scan3A_13  : i32 {
      %mul3A = arith.constant 1 : i32
      %mul3A_27 = arith.muli %scan3A_26, %mul3A : i32
      %add3A = arith.constant 0 : i32
      %add3A_28 = arith.addi %add3A, %mul3A_27 : i32
      %mul3A_29 = arith.constant 5 : i32
      %mul3A_30 = arith.muli %arg1, %mul3A_29 : i32
      %add3A_31 = arith.addi %mul3A_30, %add3A_28 : i32
      %mul3A_32 = arith.constant 128 : i32
      %mul3A_33 = arith.muli %add3A_31, %mul3A_32 : i32
      "tpu.region"() ({
        %run_scoped3A = tpu.sem_alloc : memref<!tpu.dma_semaphore, #tpu.memory_space<semaphore_mem>>
        %dma_start3A = arith.constant 0 : i32
        %dma_start3A_34 = tpu.memref_slice %arg15[%mul3A_33, %dma_start3A] : memref<10240x128xf32, #tpu.memory_space<vmem_shared>> -> memref<128x128xf32, #tpu.memory_space<vmem_shared>>
        %dma_start3A_35 = arith.constant 0 : i32
        %dma_start3A_36 = tpu.memref_slice %arg15[%mul3A_33, %dma_start3A_35] : memref<10240x128xf32, #tpu.memory_space<vmem_shared>> -> memref<128x128xf32, #tpu.memory_space<vmem_shared>>
        tpu.enqueue_dma source(%arg14 : memref<128x128xf32, #tpu.memory_space<vmem>>) target(%dma_start3A_36 : memref<128x128xf32, #tpu.memory_space<vmem_shared>>) target_semaphore(%run_scoped3A : memref<!tpu.dma_semaphore, #tpu.memory_space<semaphore_mem>>)
        %dma_wait3A = arith.constant 0 : i32
        %dma_wait3A_37 = tpu.memref_slice %arg15[%mul3A_33, %dma_wait3A] : memref<10240x128xf32, #tpu.memory_space<vmem_shared>> -> memref<128x128xf32, #tpu.memory_space<vmem_shared>>
        %dma_wait3A_38 = arith.constant 0 : i32
        %dma_wait3A_39 = tpu.memref_slice %arg15[%mul3A_33, %dma_wait3A_38] : memref<10240x128xf32, #tpu.memory_space<vmem_shared>> -> memref<128x128xf32, #tpu.memory_space<vmem_shared>>
        tpu.wait_dma2 semaphore(%run_scoped3A : memref<!tpu.dma_semaphore, #tpu.memory_space<semaphore_mem>>) src(%arg14 : memref<128x128xf32, #tpu.memory_space<vmem>>) dst(%dma_wait3A_39 : memref<128x128xf32, #tpu.memory_space<vmem_shared>>)
        tpu.yield
      }) : () -> ()
      "tpu.region"() ({
        %run_scoped3A = tpu.sem_alloc : memref<!tpu.dma_semaphore, #tpu.memory_space<semaphore_mem>>
        %dma_start3A = tpu.memref_slice %arg16[%mul3A_33] : memref<10240xf32, #tpu.memory_space<vmem_shared>> -> memref<128xf32, #tpu.memory_space<vmem_shared>>
        %dma_start3A_34 = tpu.memref_slice %arg16[%mul3A_33] : memref<10240xf32, #tpu.memory_space<vmem_shared>> -> memref<128xf32, #tpu.memory_space<vmem_shared>>
        tpu.enqueue_dma source(%arg13 : memref<128xf32, #tpu.memory_space<vmem>>) target(%dma_start3A_34 : memref<128xf32, #tpu.memory_space<vmem_shared>>) target_semaphore(%run_scoped3A : memref<!tpu.dma_semaphore, #tpu.memory_space<semaphore_mem>>)
        %dma_wait3A = tpu.memref_slice %arg16[%mul3A_33] : memref<10240xf32, #tpu.memory_space<vmem_shared>> -> memref<128xf32, #tpu.memory_space<vmem_shared>>
        %dma_wait3A_35 = tpu.memref_slice %arg16[%mul3A_33] : memref<10240xf32, #tpu.memory_space<vmem_shared>> -> memref<128xf32, #tpu.memory_space<vmem_shared>>
        tpu.wait_dma2 semaphore(%run_scoped3A : memref<!tpu.dma_semaphore, #tpu.memory_space<semaphore_mem>>) src(%arg13 : memref<128xf32, #tpu.memory_space<vmem>>) dst(%dma_wait3A_35 : memref<128xf32, #tpu.memory_space<vmem_shared>>)
        tpu.yield
      }) : () -> ()
    }
    %scan3A_14 = arith.constant 5 : i32
    "tpu.region"() ({
      %run_scoped3A = tpu.sem_alloc : memref<!tpu.dma_semaphore, #tpu.memory_space<semaphore_mem>>
      tpu.enqueue_dma source(%arg5 : memref<10000xf32, #tpu.memory_space<hbm>>) target(%arg9 : memref<10000xf32, #tpu.memory_space<vmem>>) target_semaphore(%run_scoped3A : memref<!tpu.dma_semaphore, #tpu.memory_space<semaphore_mem>>)
      tpu.wait_dma2 semaphore(%run_scoped3A : memref<!tpu.dma_semaphore, #tpu.memory_space<semaphore_mem>>) src(%arg5 : memref<10000xf32, #tpu.memory_space<hbm>>) dst(%arg9 : memref<10000xf32, #tpu.memory_space<vmem>>)
      tpu.yield
    }) : () -> ()
    "tpu.region"() ({
      %run_scoped3A = tpu.sem_alloc : memref<!tpu.dma_semaphore, #tpu.memory_space<semaphore_mem>>
      tpu.enqueue_dma source(%arg6 : memref<10000xf32, #tpu.memory_space<hbm>>) target(%arg10 : memref<10000xf32, #tpu.memory_space<vmem>>) target_semaphore(%run_scoped3A : memref<!tpu.dma_semaphore, #tpu.memory_space<semaphore_mem>>)
      tpu.wait_dma2 semaphore(%run_scoped3A : memref<!tpu.dma_semaphore, #tpu.memory_space<semaphore_mem>>) src(%arg6 : memref<10000xf32, #tpu.memory_space<hbm>>) dst(%arg10 : memref<10000xf32, #tpu.memory_space<vmem>>)
      tpu.yield
    }) : () -> ()
    %barrier3A = arith.constant 0 : index
    tpu.barrier barrier_id(%barrier3A)
    %scan3A_15 = arith.constant 0 : i32
    %scan3A_16 = arith.constant 79 : i32
    %scan3A_17 = arith.addi %scan3A_15, %scan3A_16 : i32
    %scan3A_18 = arith.constant 1 : i32
    scf.for %scan3A_26 = %scan3A_15 to %scan3A_17 step %scan3A_18  : i32 {
      %mul3A = arith.constant 1 : i32
      %mul3A_27 = arith.muli %scan3A_26, %mul3A : i32
      %add3A = arith.constant 0 : i32
      %add3A_28 = arith.addi %add3A, %mul3A_27 : i32
      %mul3A_29 = arith.constant 16 : i32
      %mul3A_30 = arith.muli %add3A_28, %mul3A_29 : i32
      %add3A_31 = arith.addi %mul3A_30, %arg1 : i32
      %lt3A = arith.constant 1250 : i32
      %lt3A_32 = arith.cmpi slt, %add3A_31, %lt3A : i32
      %convert_element_type3A = arith.extui %lt3A_32 : i1 to i32
      %cond3A = arith.constant 0 : i32
      %cond3A_33 = arith.cmpi ne, %convert_element_type3A, %cond3A : i32
      scf.if %cond3A_33 {
        %mul3A_34 = arith.constant 128 : i32
        %mul3A_35 = arith.muli %add3A_31, %mul3A_34 : i32
        "tpu.region"() ({
          %run_scoped3A = tpu.sem_alloc : memref<!tpu.dma_semaphore, #tpu.memory_space<semaphore_mem>>
          %dma_start3A = tpu.memref_slice %arg3[%mul3A_35] : memref<160000xi32, #tpu.memory_space<hbm>> -> memref<128xi32, #tpu.memory_space<hbm>>
          %dma_start3A_148 = tpu.memref_slice %arg3[%mul3A_35] : memref<160000xi32, #tpu.memory_space<hbm>> -> memref<128xi32, #tpu.memory_space<hbm>>
          tpu.enqueue_dma source(%dma_start3A_148 : memref<128xi32, #tpu.memory_space<hbm>>) target(%arg11 : memref<128xi32, #tpu.memory_space<vmem>>) target_semaphore(%run_scoped3A : memref<!tpu.dma_semaphore, #tpu.memory_space<semaphore_mem>>)
          %dma_wait3A = tpu.memref_slice %arg3[%mul3A_35] : memref<160000xi32, #tpu.memory_space<hbm>> -> memref<128xi32, #tpu.memory_space<hbm>>
          %dma_wait3A_149 = tpu.memref_slice %arg3[%mul3A_35] : memref<160000xi32, #tpu.memory_space<hbm>> -> memref<128xi32, #tpu.memory_space<hbm>>
          tpu.wait_dma2 semaphore(%run_scoped3A : memref<!tpu.dma_semaphore, #tpu.memory_space<semaphore_mem>>) src(%dma_wait3A_149 : memref<128xi32, #tpu.memory_space<hbm>>) dst(%arg11 : memref<128xi32, #tpu.memory_space<vmem>>)
          tpu.yield
        }) : () -> ()
        "tpu.region"() ({
          %run_scoped3A = tpu.sem_alloc : memref<!tpu.dma_semaphore, #tpu.memory_space<semaphore_mem>>
          %dma_start3A = tpu.memref_slice %arg4[%mul3A_35] : memref<160000xi32, #tpu.memory_space<hbm>> -> memref<128xi32, #tpu.memory_space<hbm>>
          %dma_start3A_148 = tpu.memref_slice %arg4[%mul3A_35] : memref<160000xi32, #tpu.memory_space<hbm>> -> memref<128xi32, #tpu.memory_space<hbm>>
          tpu.enqueue_dma source(%dma_start3A_148 : memref<128xi32, #tpu.memory_space<hbm>>) target(%arg12 : memref<128xi32, #tpu.memory_space<vmem>>) target_semaphore(%run_scoped3A : memref<!tpu.dma_semaphore, #tpu.memory_space<semaphore_mem>>)
          %dma_wait3A = tpu.memref_slice %arg4[%mul3A_35] : memref<160000xi32, #tpu.memory_space<hbm>> -> memref<128xi32, #tpu.memory_space<hbm>>
          %dma_wait3A_149 = tpu.memref_slice %arg4[%mul3A_35] : memref<160000xi32, #tpu.memory_space<hbm>> -> memref<128xi32, #tpu.memory_space<hbm>>
          tpu.wait_dma2 semaphore(%run_scoped3A : memref<!tpu.dma_semaphore, #tpu.memory_space<semaphore_mem>>) src(%dma_wait3A_149 : memref<128xi32, #tpu.memory_space<hbm>>) dst(%arg12 : memref<128xi32, #tpu.memory_space<vmem>>)
          tpu.yield
        }) : () -> ()
        %get3A = arith.constant 0 : index
        %get3A_36 = tpu.vector_load %arg11[%get3A] {strides = array<i32>} : memref<128xi32, #tpu.memory_space<vmem>>, vector<16xi32>,
        %get3A_37 = arith.constant 0 : index
        %get3A_38 = tpu.vector_load %arg12[%get3A_37] {strides = array<i32>} : memref<128xi32, #tpu.memory_space<vmem>>, vector<16xi32>,
        %gather3A = tpu.vector_load_idx %arg9[%get3A_36] : memref<10000xf32, #tpu.memory_space<vmem>>[vector<16xi32>], vector<16xf32>,
        %gather3A_39 = tpu.vector_load_idx %arg10[%get3A_38] : memref<10000xf32, #tpu.memory_space<vmem>>[vector<16xi32>], vector<16xf32>,
        %add3A_40 = arith.addf %gather3A, %gather3A_39 : vector<16xf32>
        %mul3A_41 = arith.constant 2.000000e-01 : f32
        %mul3A_42 = vector.broadcast %mul3A_41 : f32 to vector<16xf32>
        %mul3A_43 = arith.mulf %mul3A_42, %add3A_40 : vector<16xf32>
        %max3A = arith.maximumf %add3A_40, %mul3A_43 : vector<16xf32>
        %exp3A = math.exp %max3A : vector<16xf32>
        %swap3A = arith.constant 0 : index
        %swap3A_44 = tpu.vector_load %arg13[%swap3A] {strides = array<i32>} : memref<128xf32, #tpu.memory_space<vmem>>, vector<16xf32>,
        tpu.vector_store %arg13[%swap3A], %exp3A {strides = array<i32>} : memref<128xf32, #tpu.memory_space<vmem>>, vector<16xf32>,
        %get3A_45 = arith.constant 16 : index
        %get3A_46 = tpu.vector_load %arg11[%get3A_45] {strides = array<i32>} : memref<128xi32, #tpu.memory_space<vmem>>, vector<16xi32>,
        %get3A_47 = arith.constant 16 : index
        %get3A_48 = tpu.vector_load %arg12[%get3A_47] {strides = array<i32>} : memref<128xi32, #tpu.memory_space<vmem>>, vector<16xi32>,
        %gather3A_49 = tpu.vector_load_idx %arg9[%get3A_46] : memref<10000xf32, #tpu.memory_space<vmem>>[vector<16xi32>], vector<16xf32>,
        %gather3A_50 = tpu.vector_load_idx %arg10[%get3A_48] : memref<10000xf32, #tpu.memory_space<vmem>>[vector<16xi32>], vector<16xf32>,
        %add3A_51 = arith.addf %gather3A_49, %gather3A_50 : vector<16xf32>
        %mul3A_52 = arith.constant 2.000000e-01 : f32
        %mul3A_53 = vector.broadcast %mul3A_52 : f32 to vector<16xf32>
        %mul3A_54 = arith.mulf %mul3A_53, %add3A_51 : vector<16xf32>
        %max3A_55 = arith.maximumf %add3A_51, %mul3A_54 : vector<16xf32>
        %exp3A_56 = math.exp %max3A_55 : vector<16xf32>
        %swap3A_57 = arith.constant 16 : index
        %swap3A_58 = tpu.vector_load %arg13[%swap3A_57] {strides = array<i32>} : memref<128xf32, #tpu.memory_space<vmem>>, vector<16xf32>,
        tpu.vector_store %arg13[%swap3A_57], %exp3A_56 {strides = array<i32>} : memref<128xf32, #tpu.memory_space<vmem>>, vector<16xf32>,
        %get3A_59 = arith.constant 32 : index
        %get3A_60 = tpu.vector_load %arg11[%get3A_59] {strides = array<i32>} : memref<128xi32, #tpu.memory_space<vmem>>, vector<16xi32>,
        %get3A_61 = arith.constant 32 : index
        %get3A_62 = tpu.vector_load %arg12[%get3A_61] {strides = array<i32>} : memref<128xi32, #tpu.memory_space<vmem>>, vector<16xi32>,
        %gather3A_63 = tpu.vector_load_idx %arg9[%get3A_60] : memref<10000xf32, #tpu.memory_space<vmem>>[vector<16xi32>], vector<16xf32>,
        %gather3A_64 = tpu.vector_load_idx %arg10[%get3A_62] : memref<10000xf32, #tpu.memory_space<vmem>>[vector<16xi32>], vector<16xf32>,
        %add3A_65 = arith.addf %gather3A_63, %gather3A_64 : vector<16xf32>
        %mul3A_66 = arith.constant 2.000000e-01 : f32
        %mul3A_67 = vector.broadcast %mul3A_66 : f32 to vector<16xf32>
        %mul3A_68 = arith.mulf %mul3A_67, %add3A_65 : vector<16xf32>
        %max3A_69 = arith.maximumf %add3A_65, %mul3A_68 : vector<16xf32>
        %exp3A_70 = math.exp %max3A_69 : vector<16xf32>
        %swap3A_71 = arith.constant 32 : index
        %swap3A_72 = tpu.vector_load %arg13[%swap3A_71] {strides = array<i32>} : memref<128xf32, #tpu.memory_space<vmem>>, vector<16xf32>,
        tpu.vector_store %arg13[%swap3A_71], %exp3A_70 {strides = array<i32>} : memref<128xf32, #tpu.memory_space<vmem>>, vector<16xf32>,
        %get3A_73 = arith.constant 48 : index
        %get3A_74 = tpu.vector_load %arg11[%get3A_73] {strides = array<i32>} : memref<128xi32, #tpu.memory_space<vmem>>, vector<16xi32>,
        %get3A_75 = arith.constant 48 : index
        %get3A_76 = tpu.vector_load %arg12[%get3A_75] {strides = array<i32>} : memref<128xi32, #tpu.memory_space<vmem>>, vector<16xi32>,
        %gather3A_77 = tpu.vector_load_idx %arg9[%get3A_74] : memref<10000xf32, #tpu.memory_space<vmem>>[vector<16xi32>], vector<16xf32>,
        %gather3A_78 = tpu.vector_load_idx %arg10[%get3A_76] : memref<10000xf32, #tpu.memory_space<vmem>>[vector<16xi32>], vector<16xf32>,
        %add3A_79 = arith.addf %gather3A_77, %gather3A_78 : vector<16xf32>
        %mul3A_80 = arith.constant 2.000000e-01 : f32
        %mul3A_81 = vector.broadcast %mul3A_80 : f32 to vector<16xf32>
        %mul3A_82 = arith.mulf %mul3A_81, %add3A_79 : vector<16xf32>
        %max3A_83 = arith.maximumf %add3A_79, %mul3A_82 : vector<16xf32>
        %exp3A_84 = math.exp %max3A_83 : vector<16xf32>
        %swap3A_85 = arith.constant 48 : index
        %swap3A_86 = tpu.vector_load %arg13[%swap3A_85] {strides = array<i32>} : memref<128xf32, #tpu.memory_space<vmem>>, vector<16xf32>,
        tpu.vector_store %arg13[%swap3A_85], %exp3A_84 {strides = array<i32>} : memref<128xf32, #tpu.memory_space<vmem>>, vector<16xf32>,
        %get3A_87 = arith.constant 64 : index
        %get3A_88 = tpu.vector_load %arg11[%get3A_87] {strides = array<i32>} : memref<128xi32, #tpu.memory_space<vmem>>, vector<16xi32>,
        %get3A_89 = arith.constant 64 : index
        %get3A_90 = tpu.vector_load %arg12[%get3A_89] {strides = array<i32>} : memref<128xi32, #tpu.memory_space<vmem>>, vector<16xi32>,
        %gather3A_91 = tpu.vector_load_idx %arg9[%get3A_88] : memref<10000xf32, #tpu.memory_space<vmem>>[vector<16xi32>], vector<16xf32>,
        %gather3A_92 = tpu.vector_load_idx %arg10[%get3A_90] : memref<10000xf32, #tpu.memory_space<vmem>>[vector<16xi32>], vector<16xf32>,
        %add3A_93 = arith.addf %gather3A_91, %gather3A_92 : vector<16xf32>
        %mul3A_94 = arith.constant 2.000000e-01 : f32
        %mul3A_95 = vector.broadcast %mul3A_94 : f32 to vector<16xf32>
        %mul3A_96 = arith.mulf %mul3A_95, %add3A_93 : vector<16xf32>
        %max3A_97 = arith.maximumf %add3A_93, %mul3A_96 : vector<16xf32>
        %exp3A_98 = math.exp %max3A_97 : vector<16xf32>
        %swap3A_99 = arith.constant 64 : index
        %swap3A_100 = tpu.vector_load %arg13[%swap3A_99] {strides = array<i32>} : memref<128xf32, #tpu.memory_space<vmem>>, vector<16xf32>,
        tpu.vector_store %arg13[%swap3A_99], %exp3A_98 {strides = array<i32>} : memref<128xf32, #tpu.memory_space<vmem>>, vector<16xf32>,
        %get3A_101 = arith.constant 80 : index
        %get3A_102 = tpu.vector_load %arg11[%get3A_101] {strides = array<i32>} : memref<128xi32, #tpu.memory_space<vmem>>, vector<16xi32>,
        %get3A_103 = arith.constant 80 : index
        %get3A_104 = tpu.vector_load %arg12[%get3A_103] {strides = array<i32>} : memref<128xi32, #tpu.memory_space<vmem>>, vector<16xi32>,
        %gather3A_105 = tpu.vector_load_idx %arg9[%get3A_102] : memref<10000xf32, #tpu.memory_space<vmem>>[vector<16xi32>], vector<16xf32>,
        %gather3A_106 = tpu.vector_load_idx %arg10[%get3A_104] : memref<10000xf32, #tpu.memory_space<vmem>>[vector<16xi32>], vector<16xf32>,
        %add3A_107 = arith.addf %gather3A_105, %gather3A_106 : vector<16xf32>
        %mul3A_108 = arith.constant 2.000000e-01 : f32
        %mul3A_109 = vector.broadcast %mul3A_108 : f32 to vector<16xf32>
        %mul3A_110 = arith.mulf %mul3A_109, %add3A_107 : vector<16xf32>
        %max3A_111 = arith.maximumf %add3A_107, %mul3A_110 : vector<16xf32>
        %exp3A_112 = math.exp %max3A_111 : vector<16xf32>
        %swap3A_113 = arith.constant 80 : index
        %swap3A_114 = tpu.vector_load %arg13[%swap3A_113] {strides = array<i32>} : memref<128xf32, #tpu.memory_space<vmem>>, vector<16xf32>,
        tpu.vector_store %arg13[%swap3A_113], %exp3A_112 {strides = array<i32>} : memref<128xf32, #tpu.memory_space<vmem>>, vector<16xf32>,
        %get3A_115 = arith.constant 96 : index
        %get3A_116 = tpu.vector_load %arg11[%get3A_115] {strides = array<i32>} : memref<128xi32, #tpu.memory_space<vmem>>, vector<16xi32>,
        %get3A_117 = arith.constant 96 : index
        %get3A_118 = tpu.vector_load %arg12[%get3A_117] {strides = array<i32>} : memref<128xi32, #tpu.memory_space<vmem>>, vector<16xi32>,
        %gather3A_119 = tpu.vector_load_idx %arg9[%get3A_116] : memref<10000xf32, #tpu.memory_space<vmem>>[vector<16xi32>], vector<16xf32>,
        %gather3A_120 = tpu.vector_load_idx %arg10[%get3A_118] : memref<10000xf32, #tpu.memory_space<vmem>>[vector<16xi32>], vector<16xf32>,
        %add3A_121 = arith.addf %gather3A_119, %gather3A_120 : vector<16xf32>
        %mul3A_122 = arith.constant 2.000000e-01 : f32
        %mul3A_123 = vector.broadcast %mul3A_122 : f32 to vector<16xf32>
        %mul3A_124 = arith.mulf %mul3A_123, %add3A_121 : vector<16xf32>
        %max3A_125 = arith.maximumf %add3A_121, %mul3A_124 : vector<16xf32>
        %exp3A_126 = math.exp %max3A_125 : vector<16xf32>
        %swap3A_127 = arith.constant 96 : index
        %swap3A_128 = tpu.vector_load %arg13[%swap3A_127] {strides = array<i32>} : memref<128xf32, #tpu.memory_space<vmem>>, vector<16xf32>,
        tpu.vector_store %arg13[%swap3A_127], %exp3A_126 {strides = array<i32>} : memref<128xf32, #tpu.memory_space<vmem>>, vector<16xf32>,
        %get3A_129 = arith.constant 112 : index
        %get3A_130 = tpu.vector_load %arg11[%get3A_129] {strides = array<i32>} : memref<128xi32, #tpu.memory_space<vmem>>, vector<16xi32>,
        %get3A_131 = arith.constant 112 : index
        %get3A_132 = tpu.vector_load %arg12[%get3A_131] {strides = array<i32>} : memref<128xi32, #tpu.memory_space<vmem>>, vector<16xi32>,
        %gather3A_133 = tpu.vector_load_idx %arg9[%get3A_130] : memref<10000xf32, #tpu.memory_space<vmem>>[vector<16xi32>], vector<16xf32>,
        %gather3A_134 = tpu.vector_load_idx %arg10[%get3A_132] : memref<10000xf32, #tpu.memory_space<vmem>>[vector<16xi32>], vector<16xf32>,
        %add3A_135 = arith.addf %gather3A_133, %gather3A_134 : vector<16xf32>
        %mul3A_136 = arith.constant 2.000000e-01 : f32
        %mul3A_137 = vector.broadcast %mul3A_136 : f32 to vector<16xf32>
        %mul3A_138 = arith.mulf %mul3A_137, %add3A_135 : vector<16xf32>
        %max3A_139 = arith.maximumf %add3A_135, %mul3A_138 : vector<16xf32>
        %exp3A_140 = math.exp %max3A_139 : vector<16xf32>
        %swap3A_141 = arith.constant 112 : index
        %swap3A_142 = tpu.vector_load %arg13[%swap3A_141] {strides = array<i32>} : memref<128xf32, #tpu.memory_space<vmem>>, vector<16xf32>,
        tpu.vector_store %arg13[%swap3A_141], %exp3A_140 {strides = array<i32>} : memref<128xf32, #tpu.memory_space<vmem>>, vector<16xf32>,
        "tpu.region"() ({
          %run_scoped3A = tpu.sem_alloc : memref<!tpu.dma_semaphore, #tpu.memory_space<semaphore_mem>>
          %dma_start3A = arith.constant 0 : i32
          %dma_start3A_148 = arith.constant 0 : i32
          %dma_start3A_149 = tpu.memref_slice %arg2[%arg0, %dma_start3A, %dma_start3A_148] : memref<2x10000x128xf32, #tpu.memory_space<hbm>> -> memref<1x10000x128xf32, #tpu.memory_space<hbm>>
          %dma_start3A_150 = tpu.memref_squeeze %dma_start3A_149 : memref<1x10000x128xf32, #tpu.memory_space<hbm>> -> memref<10000x128xf32, #tpu.memory_space<hbm>>
          %dma_start3A_151 = arith.constant 0 : i32
          %dma_start3A_152 = arith.constant 0 : i32
          %dma_start3A_153 = tpu.memref_slice %dma_start3A_150[%dma_start3A_151, %dma_start3A_152] : memref<10000x128xf32, #tpu.memory_space<hbm>> -> memref<10000x128xf32, #tpu.memory_space<hbm>>
          tpu.enqueue_indirect_dma source(%dma_start3A_153 : memref<10000x128xf32, #tpu.memory_space<hbm>>) target(%arg14 : memref<128x128xf32, #tpu.memory_space<vmem>>) offsets(%arg11 : memref<128xi32, #tpu.memory_space<vmem>>) semaphore(%run_scoped3A : memref<!tpu.dma_semaphore, #tpu.memory_space<semaphore_mem>>)
          %dma_wait3A = arith.constant 0 : i32
          %dma_wait3A_154 = arith.constant 0 : i32
          %dma_wait3A_155 = tpu.memref_slice %arg2[%arg0, %dma_wait3A, %dma_wait3A_154] : memref<2x10000x128xf32, #tpu.memory_space<hbm>> -> memref<1x10000x128xf32, #tpu.memory_space<hbm>>
          %dma_wait3A_156 = tpu.memref_squeeze %dma_wait3A_155 : memref<1x10000x128xf32, #tpu.memory_space<hbm>> -> memref<10000x128xf32, #tpu.memory_space<hbm>>
          %dma_wait3A_157 = arith.constant 0 : i32
          %dma_wait3A_158 = arith.constant 0 : i32
          %dma_wait3A_159 = tpu.memref_slice %dma_wait3A_156[%dma_wait3A_157, %dma_wait3A_158] : memref<10000x128xf32, #tpu.memory_space<hbm>> -> memref<10000x128xf32, #tpu.memory_space<hbm>>
          tpu.wait_indirect_dma semaphore(%run_scoped3A : memref<!tpu.dma_semaphore, #tpu.memory_space<semaphore_mem>>) src(%dma_wait3A_159 : memref<10000x128xf32, #tpu.memory_space<hbm>>) dst(%arg14 : memref<128x128xf32, #tpu.memory_space<vmem>>)
          tpu.yield
        }) : () -> ()
        %scan3A_143 = arith.constant 0 : i32
        %scan3A_144 = arith.constant 128 : i32
        %scan3A_145 = arith.addi %scan3A_143, %scan3A_144 : i32
        %scan3A_146 = arith.constant 1 : i32
        scf.for %scan3A_148 = %scan3A_143 to %scan3A_145 step %scan3A_146  : i32 {
          %mul3A_149 = arith.constant 1 : i32
          %mul3A_150 = arith.muli %scan3A_148, %mul3A_149 : i32
          %add3A_151 = arith.constant 0 : i32
          %add3A_152 = arith.addi %add3A_151, %mul3A_150 : i32
          %broadcast_in_dim3A_153 = vector.broadcast %add3A_152 : i32 to vector<16xi32>
          %gather3A_154 = tpu.vector_load_idx %arg13[%broadcast_in_dim3A_153] : memref<128xf32, #tpu.memory_space<vmem>>[vector<16xi32>], vector<16xf32>,
          %get3A_155 = arith.index_cast %add3A_152 : i32 to index
          %get3A_156 = arith.constant 0 : index
          %get3A_157 = tpu.vector_load %arg14[%get3A_155, %get3A_156] {strides = array<i32>} : memref<128x128xf32, #tpu.memory_space<vmem>>, vector<16xf32>,
          %mul3A_158 = arith.mulf %get3A_157, %gather3A_154 : vector<16xf32>
          %swap3A_159 = arith.index_cast %add3A_152 : i32 to index
          %swap3A_160 = arith.constant 0 : index
          %swap3A_161 = tpu.vector_load %arg14[%swap3A_159, %swap3A_160] {strides = array<i32>} : memref<128x128xf32, #tpu.memory_space<vmem>>, vector<16xf32>,
          tpu.vector_store %arg14[%swap3A_159, %swap3A_160], %mul3A_158 {strides = array<i32>} : memref<128x128xf32, #tpu.memory_space<vmem>>, vector<16xf32>,
          %get3A_162 = arith.index_cast %add3A_152 : i32 to index
          %get3A_163 = arith.constant 16 : index
          %get3A_164 = tpu.vector_load %arg14[%get3A_162, %get3A_163] {strides = array<i32>} : memref<128x128xf32, #tpu.memory_space<vmem>>, vector<16xf32>,
          %mul3A_165 = arith.mulf %get3A_164, %gather3A_154 : vector<16xf32>
          %swap3A_166 = arith.index_cast %add3A_152 : i32 to index
          %swap3A_167 = arith.constant 16 : index
          %swap3A_168 = tpu.vector_load %arg14[%swap3A_166, %swap3A_167] {strides = array<i32>} : memref<128x128xf32, #tpu.memory_space<vmem>>, vector<16xf32>,
          tpu.vector_store %arg14[%swap3A_166, %swap3A_167], %mul3A_165 {strides = array<i32>} : memref<128x128xf32, #tpu.memory_space<vmem>>, vector<16xf32>,
          %get3A_169 = arith.index_cast %add3A_152 : i32 to index
          %get3A_170 = arith.constant 32 : index
          %get3A_171 = tpu.vector_load %arg14[%get3A_169, %get3A_170] {strides = array<i32>} : memref<128x128xf32, #tpu.memory_space<vmem>>, vector<16xf32>,
          %mul3A_172 = arith.mulf %get3A_171, %gather3A_154 : vector<16xf32>
          %swap3A_173 = arith.index_cast %add3A_152 : i32 to index
          %swap3A_174 = arith.constant 32 : index
          %swap3A_175 = tpu.vector_load %arg14[%swap3A_173, %swap3A_174] {strides = array<i32>} : memref<128x128xf32, #tpu.memory_space<vmem>>, vector<16xf32>,
          tpu.vector_store %arg14[%swap3A_173, %swap3A_174], %mul3A_172 {strides = array<i32>} : memref<128x128xf32, #tpu.memory_space<vmem>>, vector<16xf32>,
          %get3A_176 = arith.index_cast %add3A_152 : i32 to index
          %get3A_177 = arith.constant 48 : index
          %get3A_178 = tpu.vector_load %arg14[%get3A_176, %get3A_177] {strides = array<i32>} : memref<128x128xf32, #tpu.memory_space<vmem>>, vector<16xf32>,
          %mul3A_179 = arith.mulf %get3A_178, %gather3A_154 : vector<16xf32>
          %swap3A_180 = arith.index_cast %add3A_152 : i32 to index
          %swap3A_181 = arith.constant 48 : index
          %swap3A_182 = tpu.vector_load %arg14[%swap3A_180, %swap3A_181] {strides = array<i32>} : memref<128x128xf32, #tpu.memory_space<vmem>>, vector<16xf32>,
          tpu.vector_store %arg14[%swap3A_180, %swap3A_181], %mul3A_179 {strides = array<i32>} : memref<128x128xf32, #tpu.memory_space<vmem>>, vector<16xf32>,
          %get3A_183 = arith.index_cast %add3A_152 : i32 to index
          %get3A_184 = arith.constant 64 : index
          %get3A_185 = tpu.vector_load %arg14[%get3A_183, %get3A_184] {strides = array<i32>} : memref<128x128xf32, #tpu.memory_space<vmem>>, vector<16xf32>,
          %mul3A_186 = arith.mulf %get3A_185, %gather3A_154 : vector<16xf32>
          %swap3A_187 = arith.index_cast %add3A_152 : i32 to index
          %swap3A_188 = arith.constant 64 : index
          %swap3A_189 = tpu.vector_load %arg14[%swap3A_187, %swap3A_188] {strides = array<i32>} : memref<128x128xf32, #tpu.memory_space<vmem>>, vector<16xf32>,
          tpu.vector_store %arg14[%swap3A_187, %swap3A_188], %mul3A_186 {strides = array<i32>} : memref<128x128xf32, #tpu.memory_space<vmem>>, vector<16xf32>,
          %get3A_190 = arith.index_cast %add3A_152 : i32 to index
          %get3A_191 = arith.constant 80 : index
          %get3A_192 = tpu.vector_load %arg14[%get3A_190, %get3A_191] {strides = array<i32>} : memref<128x128xf32, #tpu.memory_space<vmem>>, vector<16xf32>,
          %mul3A_193 = arith.mulf %get3A_192, %gather3A_154 : vector<16xf32>
          %swap3A_194 = arith.index_cast %add3A_152 : i32 to index
          %swap3A_195 = arith.constant 80 : index
          %swap3A_196 = tpu.vector_load %arg14[%swap3A_194, %swap3A_195] {strides = array<i32>} : memref<128x128xf32, #tpu.memory_space<vmem>>, vector<16xf32>,
          tpu.vector_store %arg14[%swap3A_194, %swap3A_195], %mul3A_193 {strides = array<i32>} : memref<128x128xf32, #tpu.memory_space<vmem>>, vector<16xf32>,
          %get3A_197 = arith.index_cast %add3A_152 : i32 to index
          %get3A_198 = arith.constant 96 : index
          %get3A_199 = tpu.vector_load %arg14[%get3A_197, %get3A_198] {strides = array<i32>} : memref<128x128xf32, #tpu.memory_space<vmem>>, vector<16xf32>,
          %mul3A_200 = arith.mulf %get3A_199, %gather3A_154 : vector<16xf32>
          %swap3A_201 = arith.index_cast %add3A_152 : i32 to index
          %swap3A_202 = arith.constant 96 : index
          %swap3A_203 = tpu.vector_load %arg14[%swap3A_201, %swap3A_202] {strides = array<i32>} : memref<128x128xf32, #tpu.memory_space<vmem>>, vector<16xf32>,
          tpu.vector_store %arg14[%swap3A_201, %swap3A_202], %mul3A_200 {strides = array<i32>} : memref<128x128xf32, #tpu.memory_space<vmem>>, vector<16xf32>,
          %get3A_204 = arith.index_cast %add3A_152 : i32 to index
          %get3A_205 = arith.constant 112 : index
          %get3A_206 = tpu.vector_load %arg14[%get3A_204, %get3A_205] {strides = array<i32>} : memref<128x128xf32, #tpu.memory_space<vmem>>, vector<16xf32>,
          %mul3A_207 = arith.mulf %get3A_206, %gather3A_154 : vector<16xf32>
          %swap3A_208 = arith.index_cast %add3A_152 : i32 to index
          %swap3A_209 = arith.constant 112 : index
          %swap3A_210 = tpu.vector_load %arg14[%swap3A_208, %swap3A_209] {strides = array<i32>} : memref<128x128xf32, #tpu.memory_space<vmem>>, vector<16xf32>,
          tpu.vector_store %arg14[%swap3A_208, %swap3A_209], %mul3A_207 {strides = array<i32>} : memref<128x128xf32, #tpu.memory_space<vmem>>, vector<16xf32>,
        }
        %scan3A_147 = arith.constant 128 : i32
        "tpu.region"() ({
          %run_scoped3A = tpu.sem_alloc : memref<!tpu.dma_semaphore, #tpu.memory_space<semaphore_mem>>
          %dma_start3A = arith.constant 0 : i32
          %dma_start3A_148 = arith.constant 0 : i32
          %dma_start3A_149 = tpu.memref_slice %arg15[%dma_start3A, %dma_start3A_148] : memref<10240x128xf32, #tpu.memory_space<vmem_shared>> -> memref<10240x128xf32, #tpu.memory_space<vmem_shared>>
          tpu.enqueue_indirect_dma source(%arg14 : memref<128x128xf32, #tpu.memory_space<vmem>>) target(%dma_start3A_149 : memref<10240x128xf32, #tpu.memory_space<vmem_shared>>) offsets(%arg12 : memref<128xi32, #tpu.memory_space<vmem>>) semaphore(%run_scoped3A : memref<!tpu.dma_semaphore, #tpu.memory_space<semaphore_mem>>) {add = true}
          %dma_wait3A = arith.constant 0 : i32
          %dma_wait3A_150 = arith.constant 0 : i32
          %dma_wait3A_151 = tpu.memref_slice %arg15[%dma_wait3A, %dma_wait3A_150] : memref<10240x128xf32, #tpu.memory_space<vmem_shared>> -> memref<10240x128xf32, #tpu.memory_space<vmem_shared>>
          tpu.wait_indirect_dma semaphore(%run_scoped3A : memref<!tpu.dma_semaphore, #tpu.memory_space<semaphore_mem>>) src(%arg14 : memref<128x128xf32, #tpu.memory_space<vmem>>) dst(%dma_wait3A_151 : memref<10240x128xf32, #tpu.memory_space<vmem_shared>>)
          tpu.yield
        }) : () -> ()
        "tpu.region"() ({
          %run_scoped3A = tpu.sem_alloc : memref<!tpu.dma_semaphore, #tpu.memory_space<semaphore_mem>>
          %dma_start3A = arith.constant 0 : i32
          %dma_start3A_148 = tpu.memref_slice %arg16[%dma_start3A] : memref<10240xf32, #tpu.memory_space<vmem_shared>> -> memref<10240xf32, #tpu.memory_space<vmem_shared>>
          tpu.enqueue_indirect_dma source(%arg13 : memref<128xf32, #tpu.memory_space<vmem>>) target(%dma_start3A_148 : memref<10240xf32, #tpu.memory_space<vmem_shared>>) offsets(%arg12 : memref<128xi32, #tpu.memory_space<vmem>>) semaphore(%run_scoped3A : memref<!tpu.dma_semaphore, #tpu.memory_space<semaphore_mem>>) {add = true}
          %dma_wait3A = arith.constant 0 : i32
          %dma_wait3A_149 = tpu.memref_slice %arg16[%dma_wait3A] : memref<10240xf32, #tpu.memory_space<vmem_shared>> -> memref<10240xf32, #tpu.memory_space<vmem_shared>>
          tpu.wait_indirect_dma semaphore(%run_scoped3A : memref<!tpu.dma_semaphore, #tpu.memory_space<semaphore_mem>>) src(%arg13 : memref<128xf32, #tpu.memory_space<vmem>>) dst(%dma_wait3A_149 : memref<10240xf32, #tpu.memory_space<vmem_shared>>)
          tpu.yield
        }) : () -> ()
      } else {
      }
    }
    %scan3A_19 = arith.constant 79 : i32
    %barrier3A_20 = arith.constant 0 : index
    tpu.barrier barrier_id(%barrier3A_20)
    %scan3A_21 = arith.constant 0 : i32
    %scan3A_22 = arith.constant 5 : i32
    %scan3A_23 = arith.addi %scan3A_21, %scan3A_22 : i32
    %scan3A_24 = arith.constant 1 : i32
    scf.for %scan3A_26 = %scan3A_21 to %scan3A_23 step %scan3A_24  : i32 {
      %mul3A = arith.constant 1 : i32
      %mul3A_27 = arith.muli %scan3A_26, %mul3A : i32
      %add3A = arith.constant 0 : i32
      %add3A_28 = arith.addi %add3A, %mul3A_27 : i32
      %mul3A_29 = arith.constant 5 : i32
      %mul3A_30 = arith.muli %arg1, %mul3A_29 : i32
      %add3A_31 = arith.addi %mul3A_30, %add3A_28 : i32
      %mul3A_32 = arith.constant 128 : i32
      %mul3A_33 = arith.muli %add3A_31, %mul3A_32 : i32
      "tpu.region"() ({
        %run_scoped3A = tpu.sem_alloc : memref<!tpu.dma_semaphore, #tpu.memory_space<semaphore_mem>>
        %dma_start3A = arith.constant 0 : i32
        %dma_start3A_34 = arith.constant 0 : i32
        %dma_start3A_35 = tpu.memref_slice %arg7[%arg0, %dma_start3A, %dma_start3A_34] : memref<2x10240x128xf32, #tpu.memory_space<hbm>> -> memref<1x10240x128xf32, #tpu.memory_space<hbm>>
        %dma_start3A_36 = tpu.memref_squeeze %dma_start3A_35 : memref<1x10240x128xf32, #tpu.memory_space<hbm>> -> memref<10240x128xf32, #tpu.memory_space<hbm>>
        %dma_start3A_37 = arith.constant 0 : i32
        %dma_start3A_38 = tpu.memref_slice %dma_start3A_36[%mul3A_33, %dma_start3A_37] : memref<10240x128xf32, #tpu.memory_space<hbm>> -> memref<128x128xf32, #tpu.memory_space<hbm>>
        %dma_start3A_39 = arith.constant 0 : i32
        %dma_start3A_40 = tpu.memref_slice %arg15[%mul3A_33, %dma_start3A_39] : memref<10240x128xf32, #tpu.memory_space<vmem_shared>> -> memref<128x128xf32, #tpu.memory_space<vmem_shared>>
        tpu.enqueue_dma source(%dma_start3A_40 : memref<128x128xf32, #tpu.memory_space<vmem_shared>>) target(%dma_start3A_38 : memref<128x128xf32, #tpu.memory_space<hbm>>) target_semaphore(%run_scoped3A : memref<!tpu.dma_semaphore, #tpu.memory_space<semaphore_mem>>)
        %dma_wait3A = arith.constant 0 : i32
        %dma_wait3A_41 = arith.constant 0 : i32
        %dma_wait3A_42 = tpu.memref_slice %arg7[%arg0, %dma_wait3A, %dma_wait3A_41] : memref<2x10240x128xf32, #tpu.memory_space<hbm>> -> memref<1x10240x128xf32, #tpu.memory_space<hbm>>
        %dma_wait3A_43 = tpu.memref_squeeze %dma_wait3A_42 : memref<1x10240x128xf32, #tpu.memory_space<hbm>> -> memref<10240x128xf32, #tpu.memory_space<hbm>>
        %dma_wait3A_44 = arith.constant 0 : i32
        %dma_wait3A_45 = tpu.memref_slice %dma_wait3A_43[%mul3A_33, %dma_wait3A_44] : memref<10240x128xf32, #tpu.memory_space<hbm>> -> memref<128x128xf32, #tpu.memory_space<hbm>>
        %dma_wait3A_46 = arith.constant 0 : i32
        %dma_wait3A_47 = tpu.memref_slice %arg15[%mul3A_33, %dma_wait3A_46] : memref<10240x128xf32, #tpu.memory_space<vmem_shared>> -> memref<128x128xf32, #tpu.memory_space<vmem_shared>>
        tpu.wait_dma2 semaphore(%run_scoped3A : memref<!tpu.dma_semaphore, #tpu.memory_space<semaphore_mem>>) src(%dma_wait3A_47 : memref<128x128xf32, #tpu.memory_space<vmem_shared>>) dst(%dma_wait3A_45 : memref<128x128xf32, #tpu.memory_space<hbm>>)
        tpu.yield
      }) : () -> ()
      "tpu.region"() ({
        %run_scoped3A = tpu.sem_alloc : memref<!tpu.dma_semaphore, #tpu.memory_space<semaphore_mem>>
        %dma_start3A = arith.constant 0 : i32
        %dma_start3A_34 = tpu.memref_slice %arg8[%arg0, %dma_start3A] : memref<2x10240xf32, #tpu.memory_space<hbm>> -> memref<1x10240xf32, #tpu.memory_space<hbm>>
        %dma_start3A_35 = tpu.memref_squeeze %dma_start3A_34 : memref<1x10240xf32, #tpu.memory_space<hbm>> -> memref<10240xf32, #tpu.memory_space<hbm>>
        %dma_start3A_36 = tpu.memref_slice %dma_start3A_35[%mul3A_33] : memref<10240xf32, #tpu.memory_space<hbm>> -> memref<128xf32, #tpu.memory_space<hbm>>
        %dma_start3A_37 = tpu.memref_slice %arg16[%mul3A_33] : memref<10240xf32, #tpu.memory_space<vmem_shared>> -> memref<128xf32, #tpu.memory_space<vmem_shared>>
        tpu.enqueue_dma source(%dma_start3A_37 : memref<128xf32, #tpu.memory_space<vmem_shared>>) target(%dma_start3A_36 : memref<128xf32, #tpu.memory_space<hbm>>) target_semaphore(%run_scoped3A : memref<!tpu.dma_semaphore, #tpu.memory_space<semaphore_mem>>)
        %dma_wait3A = arith.constant 0 : i32
        %dma_wait3A_38 = tpu.memref_slice %arg8[%arg0, %dma_wait3A] : memref<2x10240xf32, #tpu.memory_space<hbm>> -> memref<1x10240xf32, #tpu.memory_space<hbm>>
        %dma_wait3A_39 = tpu.memref_squeeze %dma_wait3A_38 : memref<1x10240xf32, #tpu.memory_space<hbm>> -> memref<10240xf32, #tpu.memory_space<hbm>>
        %dma_wait3A_40 = tpu.memref_slice %dma_wait3A_39[%mul3A_33] : memref<10240xf32, #tpu.memory_space<hbm>> -> memref<128xf32, #tpu.memory_space<hbm>>
        %dma_wait3A_41 = tpu.memref_slice %arg16[%mul3A_33] : memref<10240xf32, #tpu.memory_space<vmem_shared>> -> memref<128xf32, #tpu.memory_space<vmem_shared>>
        tpu.wait_dma2 semaphore(%run_scoped3A : memref<!tpu.dma_semaphore, #tpu.memory_space<semaphore_mem>>) src(%dma_wait3A_41 : memref<128xf32, #tpu.memory_space<vmem_shared>>) dst(%dma_wait3A_40 : memref<128xf32, #tpu.memory_space<hbm>>)
        tpu.yield
      }) : () -> ()
    }
    %scan3A_25 = arith.constant 5 : i32
    return
  }
}

module attributes {stable_mosaic.version = 14 : i64} {
  func.func @_tc_first_body(%arg0: i32, %arg1: memref<1000x256xf32, #tpu.memory_space<vmem>>, %arg2: memref<256x256xf32, #tpu.memory_space<vmem>>, %arg3: memref<1x256xf32, #tpu.memory_space<vmem>>, %arg4: memref<1x256xf32, #tpu.memory_space<vmem>>, %arg5: memref<2x1000x128xf32, #tpu.memory_space<vmem>>, %arg6: memref<1000x1xf32, #tpu.memory_space<vmem>>, %arg7: memref<1000x1xf32, #tpu.memory_space<vmem>>) attributes {dimension_semantics = [#tpu.dimension_semantics<arbitrary>], iteration_bounds = array<i64: 10>, scalar_prefetch = 0 : i64, scratch_operands = 0 : i64, tpu.core_type = #tpu.core_type<tc>, window_params = [{transform_indices = @transform_0, window_bounds = array<i64: 1000, 256>}, {pipeline_mode = #tpu.pipeline_mode<synchronous>, transform_indices = @transform_1, window_bounds = array<i64: 256, 256>}, {pipeline_mode = #tpu.pipeline_mode<synchronous>, transform_indices = @transform_2, window_bounds = array<i64: 1, 256>}, {pipeline_mode = #tpu.pipeline_mode<synchronous>, transform_indices = @transform_3, window_bounds = array<i64: 1, 256>}, {transform_indices = @transform_4, window_bounds = array<i64: 2, 1000, 128>}, {transform_indices = @transform_5, window_bounds = array<i64: 1000, 1>}, {transform_indices = @transform_6, window_bounds = array<i64: 1000, 1>}]} {
    %get3A = arith.constant 0 : index
    %get3A_0 = arith.constant 0 : index
    %get3A_1 = vector.load %arg1[%get3A, %get3A_0] : memref<1000x256xf32, #tpu.memory_space<vmem>>, vector<1000x256xf32>
    %get3A_2 = arith.constant 0 : index
    %get3A_3 = arith.constant 0 : index
    %get3A_4 = vector.load %arg2[%get3A_2, %get3A_3] : memref<256x256xf32, #tpu.memory_space<vmem>>, vector<256x256xf32>
    %dot_general3A = arith.constant dense<0.000000e+00> : vector<1000x256xf32>
    %dot_general3A_5 = tpu.matmul %get3A_1, %get3A_4, %dot_general3A {dimension_numbers = #tpu.dot_dimension_numbers<[1], [0], [0], [1], [0, 0, 1, 1], [], []>, precision = #tpu.contract_precision<fp32>, transpose_lhs_hint = false} : vector<1000x256xf32>, vector<256x256xf32>, vector<1000x256xf32> -> vector<1000x256xf32>
    %slice3A = vector.extract_strided_slice %dot_general3A_5 {offsets = [0, 0], sizes = [1000, 128], strides = [1, 1]} : vector<1000x256xf32> to vector<1000x128xf32>
    %swap3A = arith.constant 0 : index
    %swap3A_6 = arith.constant 0 : index
    %swap3A_7 = arith.constant 0 : index
    %swap3A_8 = vector.load %arg5[%swap3A, %swap3A_6, %swap3A_7] : memref<2x1000x128xf32, #tpu.memory_space<vmem>>, vector<1x1000x128xf32>
    %swap3A_9 = vector.shape_cast %swap3A_8 : vector<1x1000x128xf32> to vector<1000x128xf32>
    %swap3A_10 = vector.shape_cast %slice3A : vector<1000x128xf32> to vector<1x1000x128xf32>
    tpu.vector_store %arg5[%swap3A, %swap3A_6, %swap3A_7], %swap3A_10 {strides = array<i32>} : memref<2x1000x128xf32, #tpu.memory_space<vmem>>, vector<1x1000x128xf32>,
    %slice3A_11 = vector.extract_strided_slice %dot_general3A_5 {offsets = [0, 128], sizes = [1000, 128], strides = [1, 1]} : vector<1000x256xf32> to vector<1000x128xf32>
    %swap3A_12 = arith.constant 1 : index
    %swap3A_13 = arith.constant 0 : index
    %swap3A_14 = arith.constant 0 : index
    %swap3A_15 = vector.load %arg5[%swap3A_12, %swap3A_13, %swap3A_14] : memref<2x1000x128xf32, #tpu.memory_space<vmem>>, vector<1x1000x128xf32>
    %swap3A_16 = vector.shape_cast %swap3A_15 : vector<1x1000x128xf32> to vector<1000x128xf32>
    %swap3A_17 = vector.shape_cast %slice3A_11 : vector<1000x128xf32> to vector<1x1000x128xf32>
    tpu.vector_store %arg5[%swap3A_12, %swap3A_13, %swap3A_14], %swap3A_17 {strides = array<i32>} : memref<2x1000x128xf32, #tpu.memory_space<vmem>>, vector<1x1000x128xf32>,
    %get3A_18 = arith.constant 0 : index
    %get3A_19 = arith.constant 0 : index
    %get3A_20 = vector.load %arg3[%get3A_18, %get3A_19] : memref<1x256xf32, #tpu.memory_space<vmem>>, vector<1x256xf32>
    %mul3A = vector.broadcast %get3A_20 : vector<1x256xf32> to vector<1000x256xf32>
    %mul3A_21 = arith.mulf %dot_general3A_5, %mul3A : vector<1000x256xf32>
    %reduce_sum3A = arith.constant dense<0.000000e+00> : vector<1000xf32>
    %reduce_sum3A_22 = vector.multi_reduction <add>, %mul3A_21, %reduce_sum3A [1] : vector<1000x256xf32> to vector<1000xf32>
    %broadcast_in_dim3A = vector.shape_cast %reduce_sum3A_22 : vector<1000xf32> to vector<1000x1xf32>
    %swap3A_23 = arith.constant 0 : index
    %swap3A_24 = arith.constant 0 : index
    %swap3A_25 = vector.load %arg6[%swap3A_23, %swap3A_24] : memref<1000x1xf32, #tpu.memory_space<vmem>>, vector<1000x1xf32>
    tpu.vector_store %arg6[%swap3A_23, %swap3A_24], %broadcast_in_dim3A {strides = array<i32>} : memref<1000x1xf32, #tpu.memory_space<vmem>>, vector<1000x1xf32>,
    %get3A_26 = arith.constant 0 : index
    %get3A_27 = arith.constant 0 : index
    %get3A_28 = vector.load %arg4[%get3A_26, %get3A_27] : memref<1x256xf32, #tpu.memory_space<vmem>>, vector<1x256xf32>
    %mul3A_29 = vector.broadcast %get3A_28 : vector<1x256xf32> to vector<1000x256xf32>
    %mul3A_30 = arith.mulf %dot_general3A_5, %mul3A_29 : vector<1000x256xf32>
    %reduce_sum3A_31 = arith.constant dense<0.000000e+00> : vector<1000xf32>
    %reduce_sum3A_32 = vector.multi_reduction <add>, %mul3A_30, %reduce_sum3A_31 [1] : vector<1000x256xf32> to vector<1000xf32>
    %broadcast_in_dim3A_33 = vector.shape_cast %reduce_sum3A_32 : vector<1000xf32> to vector<1000x1xf32>
    %swap3A_34 = arith.constant 0 : index
    %swap3A_35 = arith.constant 0 : index
    %swap3A_36 = vector.load %arg7[%swap3A_34, %swap3A_35] : memref<1000x1xf32, #tpu.memory_space<vmem>>, vector<1000x1xf32>
    tpu.vector_store %arg7[%swap3A_34, %swap3A_35], %broadcast_in_dim3A_33 {strides = array<i32>} : memref<1000x1xf32, #tpu.memory_space<vmem>>, vector<1000x1xf32>,
    return
  }
  func.func @transform_0(%arg0: i32) -> (i32, i32) {
    %c0_i32 = arith.constant 0 : i32
    %c0_i32_0 = arith.constant 0 : i32
    return %arg0, %c0_i32 : i32, i32
  }
  func.func @transform_1(%arg0: i32) -> (i32, i32) {
    %c0_i32 = arith.constant 0 : i32
    %c0_i32_0 = arith.constant 0 : i32
    %c0_i32_1 = arith.constant 0 : i32
    return %c0_i32, %c0_i32_0 : i32, i32
  }
  func.func @transform_2(%arg0: i32) -> (i32, i32) {
    %c0_i32 = arith.constant 0 : i32
    %c0_i32_0 = arith.constant 0 : i32
    %c0_i32_1 = arith.constant 0 : i32
    return %c0_i32, %c0_i32_0 : i32, i32
  }
  func.func @transform_3(%arg0: i32) -> (i32, i32) {
    %c0_i32 = arith.constant 0 : i32
    %c0_i32_0 = arith.constant 0 : i32
    %c0_i32_1 = arith.constant 0 : i32
    return %c0_i32, %c0_i32_0 : i32, i32
  }
  func.func @transform_4(%arg0: i32) -> (i32, i32, i32) {
    %c0_i32 = arith.constant 0 : i32
    %c0_i32_0 = arith.constant 0 : i32
    %c0_i32_1 = arith.constant 0 : i32
    return %c0_i32, %arg0, %c0_i32_0 : i32, i32, i32
  }
  func.func @transform_5(%arg0: i32) -> (i32, i32) {
    %c0_i32 = arith.constant 0 : i32
    %c0_i32_0 = arith.constant 0 : i32
    return %arg0, %c0_i32 : i32, i32
  }
  func.func @transform_6(%arg0: i32) -> (i32, i32) {
    %c0_i32 = arith.constant 0 : i32
    %c0_i32_0 = arith.constant 0 : i32
    return %arg0, %c0_i32 : i32, i32
  }
}

module attributes {stable_mosaic.version = 14 : i64} {
  func.func @_tc_mid_body(%arg0: i32, %arg1: memref<2x1000x128xf32, #tpu.memory_space<vmem>>, %arg2: memref<1000x1xf32, #tpu.memory_space<vmem>>, %arg3: memref<1x256xf32, #tpu.memory_space<vmem>>, %arg4: memref<256x256xf32, #tpu.memory_space<vmem>>, %arg5: memref<1x256xf32, #tpu.memory_space<vmem>>, %arg6: memref<1x256xf32, #tpu.memory_space<vmem>>, %arg7: memref<1000x256xf32, #tpu.memory_space<vmem>>, %arg8: memref<2x1000x128xf32, #tpu.memory_space<vmem>>, %arg9: memref<1000x1xf32, #tpu.memory_space<vmem>>, %arg10: memref<1000x1xf32, #tpu.memory_space<vmem>>) attributes {dimension_semantics = [#tpu.dimension_semantics<arbitrary>], iteration_bounds = array<i64: 10>, scalar_prefetch = 0 : i64, scratch_operands = 0 : i64, tpu.core_type = #tpu.core_type<tc>, window_params = [{transform_indices = @transform_0, window_bounds = array<i64: 2, 1000, 128>}, {transform_indices = @transform_1, window_bounds = array<i64: 1000, 1>}, {pipeline_mode = #tpu.pipeline_mode<synchronous>, transform_indices = @transform_2, window_bounds = array<i64: 1, 256>}, {pipeline_mode = #tpu.pipeline_mode<synchronous>, transform_indices = @transform_3, window_bounds = array<i64: 256, 256>}, {pipeline_mode = #tpu.pipeline_mode<synchronous>, transform_indices = @transform_4, window_bounds = array<i64: 1, 256>}, {pipeline_mode = #tpu.pipeline_mode<synchronous>, transform_indices = @transform_5, window_bounds = array<i64: 1, 256>}, {transform_indices = @transform_6, window_bounds = array<i64: 1000, 256>}, {transform_indices = @transform_7, window_bounds = array<i64: 2, 1000, 128>}, {transform_indices = @transform_8, window_bounds = array<i64: 1000, 1>}, {transform_indices = @transform_9, window_bounds = array<i64: 1000, 1>}]} {
    %get3A = arith.constant 0 : index
    %get3A_0 = arith.constant 0 : index
    %get3A_1 = vector.load %arg2[%get3A, %get3A_0] : memref<1000x1xf32, #tpu.memory_space<vmem>>, vector<1000x1xf32>
    %add3A = arith.constant 1.000000e-16 : f32
    %add3A_2 = vector.broadcast %add3A : f32 to vector<1000x1xf32>
    %add3A_3 = arith.addf %get3A_1, %add3A_2 : vector<1000x1xf32>
    %get3A_4 = arith.constant 0 : index
    %get3A_5 = arith.constant 0 : index
    %get3A_6 = arith.constant 0 : index
    %get3A_7 = vector.load %arg1[%get3A_4, %get3A_5, %get3A_6] : memref<2x1000x128xf32, #tpu.memory_space<vmem>>, vector<1x1000x128xf32>
    %get3A_8 = vector.shape_cast %get3A_7 : vector<1x1000x128xf32> to vector<1000x128xf32>
    %div3A = vector.broadcast %add3A_3 : vector<1000x1xf32> to vector<1000x128xf32>
    %div3A_9 = arith.divf %get3A_8, %div3A : vector<1000x128xf32>
    %get3A_10 = arith.constant 0 : index
    %get3A_11 = arith.constant 0 : index
    %get3A_12 = vector.load %arg3[%get3A_10, %get3A_11] : memref<1x256xf32, #tpu.memory_space<vmem>>, vector<1x128xf32>
    %add3A_13 = vector.broadcast %get3A_12 : vector<1x128xf32> to vector<1000x128xf32>
    %add3A_14 = arith.addf %div3A_9, %add3A_13 : vector<1000x128xf32>
    %max3A = arith.constant 0.000000e+00 : f32
    %max3A_15 = vector.broadcast %max3A : f32 to vector<1000x128xf32>
    %max3A_16 = arith.maximumf %add3A_14, %max3A_15 : vector<1000x128xf32>
    %get3A_17 = arith.constant 1 : index
    %get3A_18 = arith.constant 0 : index
    %get3A_19 = arith.constant 0 : index
    %get3A_20 = vector.load %arg1[%get3A_17, %get3A_18, %get3A_19] : memref<2x1000x128xf32, #tpu.memory_space<vmem>>, vector<1x1000x128xf32>
    %get3A_21 = vector.shape_cast %get3A_20 : vector<1x1000x128xf32> to vector<1000x128xf32>
    %div3A_22 = vector.broadcast %add3A_3 : vector<1000x1xf32> to vector<1000x128xf32>
    %div3A_23 = arith.divf %get3A_21, %div3A_22 : vector<1000x128xf32>
    %get3A_24 = arith.constant 0 : index
    %get3A_25 = arith.constant 128 : index
    %get3A_26 = vector.load %arg3[%get3A_24, %get3A_25] : memref<1x256xf32, #tpu.memory_space<vmem>>, vector<1x128xf32>
    %add3A_27 = vector.broadcast %get3A_26 : vector<1x128xf32> to vector<1000x128xf32>
    %add3A_28 = arith.addf %div3A_23, %add3A_27 : vector<1000x128xf32>
    %max3A_29 = arith.constant 0.000000e+00 : f32
    %max3A_30 = vector.broadcast %max3A_29 : f32 to vector<1000x128xf32>
    %max3A_31 = arith.maximumf %add3A_28, %max3A_30 : vector<1000x128xf32>
    %concatenate3A = tpu.concatenate %max3A_16, %max3A_31 in 1 : vector<1000x128xf32>, vector<1000x128xf32> -> vector<1000x256xf32>
    %swap3A = arith.constant 0 : index
    %swap3A_32 = arith.constant 0 : index
    %swap3A_33 = vector.load %arg7[%swap3A, %swap3A_32] : memref<1000x256xf32, #tpu.memory_space<vmem>>, vector<1000x256xf32>
    tpu.vector_store %arg7[%swap3A, %swap3A_32], %concatenate3A {strides = array<i32>} : memref<1000x256xf32, #tpu.memory_space<vmem>>, vector<1000x256xf32>,
    %get3A_34 = arith.constant 0 : index
    %get3A_35 = arith.constant 0 : index
    %get3A_36 = vector.load %arg4[%get3A_34, %get3A_35] : memref<256x256xf32, #tpu.memory_space<vmem>>, vector<256x256xf32>
    %dot_general3A = arith.constant dense<0.000000e+00> : vector<1000x256xf32>
    %dot_general3A_37 = tpu.matmul %concatenate3A, %get3A_36, %dot_general3A {dimension_numbers = #tpu.dot_dimension_numbers<[1], [0], [0], [1], [0, 0, 1, 1], [], []>, precision = #tpu.contract_precision<fp32>, transpose_lhs_hint = false} : vector<1000x256xf32>, vector<256x256xf32>, vector<1000x256xf32> -> vector<1000x256xf32>
    %slice3A = vector.extract_strided_slice %dot_general3A_37 {offsets = [0, 0], sizes = [1000, 128], strides = [1, 1]} : vector<1000x256xf32> to vector<1000x128xf32>
    %swap3A_38 = arith.constant 0 : index
    %swap3A_39 = arith.constant 0 : index
    %swap3A_40 = arith.constant 0 : index
    %swap3A_41 = vector.load %arg8[%swap3A_38, %swap3A_39, %swap3A_40] : memref<2x1000x128xf32, #tpu.memory_space<vmem>>, vector<1x1000x128xf32>
    %swap3A_42 = vector.shape_cast %swap3A_41 : vector<1x1000x128xf32> to vector<1000x128xf32>
    %swap3A_43 = vector.shape_cast %slice3A : vector<1000x128xf32> to vector<1x1000x128xf32>
    tpu.vector_store %arg8[%swap3A_38, %swap3A_39, %swap3A_40], %swap3A_43 {strides = array<i32>} : memref<2x1000x128xf32, #tpu.memory_space<vmem>>, vector<1x1000x128xf32>,
    %slice3A_44 = vector.extract_strided_slice %dot_general3A_37 {offsets = [0, 128], sizes = [1000, 128], strides = [1, 1]} : vector<1000x256xf32> to vector<1000x128xf32>
    %swap3A_45 = arith.constant 1 : index
    %swap3A_46 = arith.constant 0 : index
    %swap3A_47 = arith.constant 0 : index
    %swap3A_48 = vector.load %arg8[%swap3A_45, %swap3A_46, %swap3A_47] : memref<2x1000x128xf32, #tpu.memory_space<vmem>>, vector<1x1000x128xf32>
    %swap3A_49 = vector.shape_cast %swap3A_48 : vector<1x1000x128xf32> to vector<1000x128xf32>
    %swap3A_50 = vector.shape_cast %slice3A_44 : vector<1000x128xf32> to vector<1x1000x128xf32>
    tpu.vector_store %arg8[%swap3A_45, %swap3A_46, %swap3A_47], %swap3A_50 {strides = array<i32>} : memref<2x1000x128xf32, #tpu.memory_space<vmem>>, vector<1x1000x128xf32>,
    %get3A_51 = arith.constant 0 : index
    %get3A_52 = arith.constant 0 : index
    %get3A_53 = vector.load %arg5[%get3A_51, %get3A_52] : memref<1x256xf32, #tpu.memory_space<vmem>>, vector<1x256xf32>
    %mul3A = vector.broadcast %get3A_53 : vector<1x256xf32> to vector<1000x256xf32>
    %mul3A_54 = arith.mulf %dot_general3A_37, %mul3A : vector<1000x256xf32>
    %reduce_sum3A = arith.constant dense<0.000000e+00> : vector<1000xf32>
    %reduce_sum3A_55 = vector.multi_reduction <add>, %mul3A_54, %reduce_sum3A [1] : vector<1000x256xf32> to vector<1000xf32>
    %broadcast_in_dim3A = vector.shape_cast %reduce_sum3A_55 : vector<1000xf32> to vector<1000x1xf32>
    %swap3A_56 = arith.constant 0 : index
    %swap3A_57 = arith.constant 0 : index
    %swap3A_58 = vector.load %arg9[%swap3A_56, %swap3A_57] : memref<1000x1xf32, #tpu.memory_space<vmem>>, vector<1000x1xf32>
    tpu.vector_store %arg9[%swap3A_56, %swap3A_57], %broadcast_in_dim3A {strides = array<i32>} : memref<1000x1xf32, #tpu.memory_space<vmem>>, vector<1000x1xf32>,
    %get3A_59 = arith.constant 0 : index
    %get3A_60 = arith.constant 0 : index
    %get3A_61 = vector.load %arg6[%get3A_59, %get3A_60] : memref<1x256xf32, #tpu.memory_space<vmem>>, vector<1x256xf32>
    %mul3A_62 = vector.broadcast %get3A_61 : vector<1x256xf32> to vector<1000x256xf32>
    %mul3A_63 = arith.mulf %dot_general3A_37, %mul3A_62 : vector<1000x256xf32>
    %reduce_sum3A_64 = arith.constant dense<0.000000e+00> : vector<1000xf32>
    %reduce_sum3A_65 = vector.multi_reduction <add>, %mul3A_63, %reduce_sum3A_64 [1] : vector<1000x256xf32> to vector<1000xf32>
    %broadcast_in_dim3A_66 = vector.shape_cast %reduce_sum3A_65 : vector<1000xf32> to vector<1000x1xf32>
    %swap3A_67 = arith.constant 0 : index
    %swap3A_68 = arith.constant 0 : index
    %swap3A_69 = vector.load %arg10[%swap3A_67, %swap3A_68] : memref<1000x1xf32, #tpu.memory_space<vmem>>, vector<1000x1xf32>
    tpu.vector_store %arg10[%swap3A_67, %swap3A_68], %broadcast_in_dim3A_66 {strides = array<i32>} : memref<1000x1xf32, #tpu.memory_space<vmem>>, vector<1000x1xf32>,
    return
  }
  func.func @transform_0(%arg0: i32) -> (i32, i32, i32) {
    %c0_i32 = arith.constant 0 : i32
    %c0_i32_0 = arith.constant 0 : i32
    %c0_i32_1 = arith.constant 0 : i32
    return %c0_i32, %arg0, %c0_i32_0 : i32, i32, i32
  }
  func.func @transform_1(%arg0: i32) -> (i32, i32) {
    %c0_i32 = arith.constant 0 : i32
    %c0_i32_0 = arith.constant 0 : i32
    return %arg0, %c0_i32 : i32, i32
  }
  func.func @transform_2(%arg0: i32) -> (i32, i32) {
    %c0_i32 = arith.constant 0 : i32
    %c0_i32_0 = arith.constant 0 : i32
    %c0_i32_1 = arith.constant 0 : i32
    return %c0_i32, %c0_i32_0 : i32, i32
  }
  func.func @transform_3(%arg0: i32) -> (i32, i32) {
    %c0_i32 = arith.constant 0 : i32
    %c0_i32_0 = arith.constant 0 : i32
    %c0_i32_1 = arith.constant 0 : i32
    return %c0_i32, %c0_i32_0 : i32, i32
  }
  func.func @transform_4(%arg0: i32) -> (i32, i32) {
    %c0_i32 = arith.constant 0 : i32
    %c0_i32_0 = arith.constant 0 : i32
    %c0_i32_1 = arith.constant 0 : i32
    return %c0_i32, %c0_i32_0 : i32, i32
  }
  func.func @transform_5(%arg0: i32) -> (i32, i32) {
    %c0_i32 = arith.constant 0 : i32
    %c0_i32_0 = arith.constant 0 : i32
    %c0_i32_1 = arith.constant 0 : i32
    return %c0_i32, %c0_i32_0 : i32, i32
  }
  func.func @transform_6(%arg0: i32) -> (i32, i32) {
    %c0_i32 = arith.constant 0 : i32
    %c0_i32_0 = arith.constant 0 : i32
    return %arg0, %c0_i32 : i32, i32
  }
  func.func @transform_7(%arg0: i32) -> (i32, i32, i32) {
    %c0_i32 = arith.constant 0 : i32
    %c0_i32_0 = arith.constant 0 : i32
    %c0_i32_1 = arith.constant 0 : i32
    return %c0_i32, %arg0, %c0_i32_0 : i32, i32, i32
  }
  func.func @transform_8(%arg0: i32) -> (i32, i32) {
    %c0_i32 = arith.constant 0 : i32
    %c0_i32_0 = arith.constant 0 : i32
    return %arg0, %c0_i32 : i32, i32
  }
  func.func @transform_9(%arg0: i32) -> (i32, i32) {
    %c0_i32 = arith.constant 0 : i32
    %c0_i32_0 = arith.constant 0 : i32
    return %arg0, %c0_i32 : i32, i32
  }
}

module attributes {stable_mosaic.version = 14 : i64} {
  func.func @_tc_final_body(%arg0: i32, %arg1: memref<1000x256xf32, #tpu.memory_space<vmem>>, %arg2: memref<1000x256xf32, #tpu.memory_space<vmem>>, %arg3: memref<2x1000x128xf32, #tpu.memory_space<vmem>>, %arg4: memref<1000x1xf32, #tpu.memory_space<vmem>>, %arg5: memref<1x256xf32, #tpu.memory_space<vmem>>, %arg6: memref<256x64xf32, #tpu.memory_space<vmem>>, %arg7: memref<256x64xf32, #tpu.memory_space<vmem>>, %arg8: memref<256x64xf32, #tpu.memory_space<vmem>>, %arg9: memref<1x64xf32, #tpu.memory_space<vmem>>, %arg10: memref<1000x64xf32, #tpu.memory_space<vmem>>) attributes {dimension_semantics = [#tpu.dimension_semantics<arbitrary>], iteration_bounds = array<i64: 10>, scalar_prefetch = 0 : i64, scratch_operands = 0 : i64, tpu.core_type = #tpu.core_type<tc>, window_params = [{transform_indices = @transform_0, window_bounds = array<i64: 1000, 256>}, {transform_indices = @transform_1, window_bounds = array<i64: 1000, 256>}, {transform_indices = @transform_2, window_bounds = array<i64: 2, 1000, 128>}, {transform_indices = @transform_3, window_bounds = array<i64: 1000, 1>}, {pipeline_mode = #tpu.pipeline_mode<synchronous>, transform_indices = @transform_4, window_bounds = array<i64: 1, 256>}, {pipeline_mode = #tpu.pipeline_mode<synchronous>, transform_indices = @transform_5, window_bounds = array<i64: 256, 64>}, {pipeline_mode = #tpu.pipeline_mode<synchronous>, transform_indices = @transform_6, window_bounds = array<i64: 256, 64>}, {pipeline_mode = #tpu.pipeline_mode<synchronous>, transform_indices = @transform_7, window_bounds = array<i64: 256, 64>}, {pipeline_mode = #tpu.pipeline_mode<synchronous>, transform_indices = @transform_8, window_bounds = array<i64: 1, 64>}, {transform_indices = @transform_9, window_bounds = array<i64: 1000, 64>}]} {
    %get3A = arith.constant 0 : index
    %get3A_0 = arith.constant 0 : index
    %get3A_1 = vector.load %arg4[%get3A, %get3A_0] : memref<1000x1xf32, #tpu.memory_space<vmem>>, vector<1000x1xf32>
    %add3A = arith.constant 1.000000e-16 : f32
    %add3A_2 = vector.broadcast %add3A : f32 to vector<1000x1xf32>
    %add3A_3 = arith.addf %get3A_1, %add3A_2 : vector<1000x1xf32>
    %get3A_4 = arith.constant 0 : index
    %get3A_5 = arith.constant 0 : index
    %get3A_6 = arith.constant 0 : index
    %get3A_7 = vector.load %arg3[%get3A_4, %get3A_5, %get3A_6] : memref<2x1000x128xf32, #tpu.memory_space<vmem>>, vector<1x1000x128xf32>
    %get3A_8 = vector.shape_cast %get3A_7 : vector<1x1000x128xf32> to vector<1000x128xf32>
    %div3A = vector.broadcast %add3A_3 : vector<1000x1xf32> to vector<1000x128xf32>
    %div3A_9 = arith.divf %get3A_8, %div3A : vector<1000x128xf32>
    %get3A_10 = arith.constant 0 : index
    %get3A_11 = arith.constant 0 : index
    %get3A_12 = vector.load %arg5[%get3A_10, %get3A_11] : memref<1x256xf32, #tpu.memory_space<vmem>>, vector<1x128xf32>
    %add3A_13 = vector.broadcast %get3A_12 : vector<1x128xf32> to vector<1000x128xf32>
    %add3A_14 = arith.addf %div3A_9, %add3A_13 : vector<1000x128xf32>
    %max3A = arith.constant 0.000000e+00 : f32
    %max3A_15 = vector.broadcast %max3A : f32 to vector<1000x128xf32>
    %max3A_16 = arith.maximumf %add3A_14, %max3A_15 : vector<1000x128xf32>
    %get3A_17 = arith.constant 1 : index
    %get3A_18 = arith.constant 0 : index
    %get3A_19 = arith.constant 0 : index
    %get3A_20 = vector.load %arg3[%get3A_17, %get3A_18, %get3A_19] : memref<2x1000x128xf32, #tpu.memory_space<vmem>>, vector<1x1000x128xf32>
    %get3A_21 = vector.shape_cast %get3A_20 : vector<1x1000x128xf32> to vector<1000x128xf32>
    %div3A_22 = vector.broadcast %add3A_3 : vector<1000x1xf32> to vector<1000x128xf32>
    %div3A_23 = arith.divf %get3A_21, %div3A_22 : vector<1000x128xf32>
    %get3A_24 = arith.constant 0 : index
    %get3A_25 = arith.constant 128 : index
    %get3A_26 = vector.load %arg5[%get3A_24, %get3A_25] : memref<1x256xf32, #tpu.memory_space<vmem>>, vector<1x128xf32>
    %add3A_27 = vector.broadcast %get3A_26 : vector<1x128xf32> to vector<1000x128xf32>
    %add3A_28 = arith.addf %div3A_23, %add3A_27 : vector<1000x128xf32>
    %max3A_29 = arith.constant 0.000000e+00 : f32
    %max3A_30 = vector.broadcast %max3A_29 : f32 to vector<1000x128xf32>
    %max3A_31 = arith.maximumf %add3A_28, %max3A_30 : vector<1000x128xf32>
    %concatenate3A = tpu.concatenate %max3A_16, %max3A_31 in 1 : vector<1000x128xf32>, vector<1000x128xf32> -> vector<1000x256xf32>
    %get3A_32 = arith.constant 0 : index
    %get3A_33 = arith.constant 0 : index
    %get3A_34 = vector.load %arg1[%get3A_32, %get3A_33] : memref<1000x256xf32, #tpu.memory_space<vmem>>, vector<1000x256xf32>
    %get3A_35 = arith.constant 0 : index
    %get3A_36 = arith.constant 0 : index
    %get3A_37 = vector.load %arg6[%get3A_35, %get3A_36] : memref<256x64xf32, #tpu.memory_space<vmem>>, vector<256x64xf32>
    %dot_general3A = arith.constant dense<0.000000e+00> : vector<1000x64xf32>
    %dot_general3A_38 = tpu.matmul %get3A_34, %get3A_37, %dot_general3A {dimension_numbers = #tpu.dot_dimension_numbers<[1], [0], [0], [1], [0, 0, 1, 1], [], []>, precision = #tpu.contract_precision<fp32>, transpose_lhs_hint = false} : vector<1000x256xf32>, vector<256x64xf32>, vector<1000x64xf32> -> vector<1000x64xf32>
    %get3A_39 = arith.constant 0 : index
    %get3A_40 = arith.constant 0 : index
    %get3A_41 = vector.load %arg2[%get3A_39, %get3A_40] : memref<1000x256xf32, #tpu.memory_space<vmem>>, vector<1000x256xf32>
    %get3A_42 = arith.constant 0 : index
    %get3A_43 = arith.constant 0 : index
    %get3A_44 = vector.load %arg7[%get3A_42, %get3A_43] : memref<256x64xf32, #tpu.memory_space<vmem>>, vector<256x64xf32>
    %dot_general3A_45 = arith.constant dense<0.000000e+00> : vector<1000x64xf32>
    %dot_general3A_46 = tpu.matmul %get3A_41, %get3A_44, %dot_general3A_45 {dimension_numbers = #tpu.dot_dimension_numbers<[1], [0], [0], [1], [0, 0, 1, 1], [], []>, precision = #tpu.contract_precision<fp32>, transpose_lhs_hint = false} : vector<1000x256xf32>, vector<256x64xf32>, vector<1000x64xf32> -> vector<1000x64xf32>
    %add3A_47 = arith.addf %dot_general3A_38, %dot_general3A_46 : vector<1000x64xf32>
    %get3A_48 = arith.constant 0 : index
    %get3A_49 = arith.constant 0 : index
    %get3A_50 = vector.load %arg8[%get3A_48, %get3A_49] : memref<256x64xf32, #tpu.memory_space<vmem>>, vector<256x64xf32>
    %dot_general3A_51 = arith.constant dense<0.000000e+00> : vector<1000x64xf32>
    %dot_general3A_52 = tpu.matmul %concatenate3A, %get3A_50, %dot_general3A_51 {dimension_numbers = #tpu.dot_dimension_numbers<[1], [0], [0], [1], [0, 0, 1, 1], [], []>, precision = #tpu.contract_precision<fp32>, transpose_lhs_hint = false} : vector<1000x256xf32>, vector<256x64xf32>, vector<1000x64xf32> -> vector<1000x64xf32>
    %add3A_53 = arith.addf %add3A_47, %dot_general3A_52 : vector<1000x64xf32>
    %get3A_54 = arith.constant 0 : index
    %get3A_55 = arith.constant 0 : index
    %get3A_56 = vector.load %arg9[%get3A_54, %get3A_55] : memref<1x64xf32, #tpu.memory_space<vmem>>, vector<1x64xf32>
    %add3A_57 = vector.broadcast %get3A_56 : vector<1x64xf32> to vector<1000x64xf32>
    %add3A_58 = arith.addf %add3A_53, %add3A_57 : vector<1000x64xf32>
    %swap3A = arith.constant 0 : index
    %swap3A_59 = arith.constant 0 : index
    %swap3A_60 = vector.load %arg10[%swap3A, %swap3A_59] : memref<1000x64xf32, #tpu.memory_space<vmem>>, vector<1000x64xf32>
    tpu.vector_store %arg10[%swap3A, %swap3A_59], %add3A_58 {strides = array<i32>} : memref<1000x64xf32, #tpu.memory_space<vmem>>, vector<1000x64xf32>,
    return
  }
  func.func @transform_0(%arg0: i32) -> (i32, i32) {
    %c0_i32 = arith.constant 0 : i32
    %c0_i32_0 = arith.constant 0 : i32
    return %arg0, %c0_i32 : i32, i32
  }
  func.func @transform_1(%arg0: i32) -> (i32, i32) {
    %c0_i32 = arith.constant 0 : i32
    %c0_i32_0 = arith.constant 0 : i32
    return %arg0, %c0_i32 : i32, i32
  }
  func.func @transform_2(%arg0: i32) -> (i32, i32, i32) {
    %c0_i32 = arith.constant 0 : i32
    %c0_i32_0 = arith.constant 0 : i32
    %c0_i32_1 = arith.constant 0 : i32
    return %c0_i32, %arg0, %c0_i32_0 : i32, i32, i32
  }
  func.func @transform_3(%arg0: i32) -> (i32, i32) {
    %c0_i32 = arith.constant 0 : i32
    %c0_i32_0 = arith.constant 0 : i32
    return %arg0, %c0_i32 : i32, i32
  }
  func.func @transform_4(%arg0: i32) -> (i32, i32) {
    %c0_i32 = arith.constant 0 : i32
    %c0_i32_0 = arith.constant 0 : i32
    %c0_i32_1 = arith.constant 0 : i32
    return %c0_i32, %c0_i32_0 : i32, i32
  }
  func.func @transform_5(%arg0: i32) -> (i32, i32) {
    %c0_i32 = arith.constant 0 : i32
    %c0_i32_0 = arith.constant 0 : i32
    %c0_i32_1 = arith.constant 0 : i32
    return %c0_i32, %c0_i32_0 : i32, i32
  }
  func.func @transform_6(%arg0: i32) -> (i32, i32) {
    %c0_i32 = arith.constant 0 : i32
    %c0_i32_0 = arith.constant 0 : i32
    %c0_i32_1 = arith.constant 0 : i32
    return %c0_i32, %c0_i32_0 : i32, i32
  }
  func.func @transform_7(%arg0: i32) -> (i32, i32) {
    %c0_i32 = arith.constant 0 : i32
    %c0_i32_0 = arith.constant 0 : i32
    %c0_i32_1 = arith.constant 0 : i32
    return %c0_i32, %c0_i32_0 : i32, i32
  }
  func.func @transform_8(%arg0: i32) -> (i32, i32) {
    %c0_i32 = arith.constant 0 : i32
    %c0_i32_0 = arith.constant 0 : i32
    %c0_i32_1 = arith.constant 0 : i32
    return %c0_i32, %c0_i32_0 : i32, i32
  }
  func.func @transform_9(%arg0: i32) -> (i32, i32) {
    %c0_i32 = arith.constant 0 : i32
    %c0_i32_0 = arith.constant 0 : i32
    return %arg0, %c0_i32 : i32, i32
  }
}

</mosaic_0001>

<sc_bundles>
// kernel: kernel.12.cloned.1.call-start
scs
__scs_entry_jumppad:
0x0: {  	(pc) =	sbr.rel $0x88, $3  }
0x1: {  	(tag) =	ssettag $0x0;
	lr =	simm.s32 $0x1  }
0x2: {  	[smem:$0x3F91] =	sst lr;
	_ =	strace $0xD0000000  }
0x3: {  	_ = 	snop  }
0x4: {  	_ = 	snop  }
0x5: {  	_ = 	snop  }
0x6: {  	_ = 	snop  }
0x7: {  	_ = 	snop  }
__scs_overlays_trampoline_lowered:
0x8: {  	[smem:$0x3FA0] =	sst s0  }
0x9: {  	[smem:$0x3FA1] =	sst s1  }
0xa: {  	[smem:$0x3FA2] =	sst s2  }
0xb: {  	[smem:$0x3FA3] =	sst s3  }
0xc: {  	[smem:$0x3FA4] =	sst s4  }
0xd: {  	[smem:$0x3FA5] =	sst s5  }
0xe: {  	[smem:$0x3FA6] =	sst s6  }
0xf: {  	[smem:$0x3FA7] =	sst s7  }
0x10: {  	[smem:$0x3FA8] =	sst s8  }
0x11: {  	[smem:$0x3FA9] =	sst s9;
	s0 =	simm.s32 @!p0 $0x0  }
0x12: {  	s1 =	sld [smem:$0x3F8F];
	s0 =	simm.s32 @p0 $0x1  }
0x13: {  	[smem:$0x3FAA] =	sst s0;
	s0 =	simm.s32 @!p1 $0x0  }
0x14: {  	s2 =	sld [smem:$0x3F8E];
	s0 =	simm.s32 @p1 $0x1  }
0x15: {  	[smem:$0x3FAB] =	sst s0;
	s0 =	simm.s32 @!p2 $0x0  }
0x16: {  	s3 =	sld [smem:$0x3FDB];
	s0 =	simm.s32 @p2 $0x1  }
0x17: {  	s4 =	simm.s32 $0x1BF5;
	[smem:$0x3FAD] =	sst s0  }
0x18: {  	s0 =	sld [smem:$0x3F90];
	_ =	swait.ge [sflag:s4], $0x0  }
0x19: {  	s7 =	sld [smem:$0x3F91]  }
0x1a: {  	s8 =	sadd.s32 $0xFFFFE003, lr  }
0x1b: {  	s9 =	sadd.s32 $0xFFFFFEF7, lr;
	s5 =	simm.s32 $0xFFFFFFFF;
	p2 =	slt.u32 s8, $0xFFFFF086  }
0x1c: {  	p1 =	slt.u32 s9, $0xF7A;
	s5 =	simm.s32 @!p2 $0x0  }
0x1d: {  	s5 =	simm.s32 @p1 $0x1;
	p0 =	seq.s32 s7, s2  }
0x1e: {  	s7 =	smul.u32 @!p0 $0xF7A, s2;
	p2 =	seq.s32 @!p0 s5, $0x0  }
0x1f: {  	s9 =	smul.u32 $0xF7A, s1;
	s8 =	simm.s32 @!p0 $0x1BF5;
	p2 =	por !p2, p0  }
0x20: {  	[sflag:s8] =	ssyncset.s32 @!p0 $0xFFFFF086;
	s6 =	sadd.s32 @!p0 s3, s7;
	s7 =	simm.s32 @!p0 $0x108  }
0x21: {  	s3 =	sadd.s32 s3, s9;
	s6 =	sadd.s32 @!p0 $0x88, s6;
	s7 =	simm.s32 @p2 $0x1082  }
0x22: {  	[simem:s7], [sflag:s8] =	dma.local @!p0 [hbm:s6], $0xF7A  }
0x23: {  	s9 =	sor.u32 $0xD0000000, s2;
	s6 =	simm.s32 $0x108;
	_ =	swait.ge @!p0 [sflag:s8], $0x0  }
0x24: {  	s3 =	sadd.s32 $0x88, s3;
	s6 =	simm.s32 @!p1 $0x1082;
	[sflag:s4] =	ssyncset.s32 $0xFFFFF086  }
0x25: {  	[simem:s6], [sflag:s4] =	dma.local [hbm:s3], $0xF7A  }
0x26: {  	[smem:$0x3F91] =	sst s1;
	(tag) =	ssettag s2;
	_ =	strace s9  }
0x27: {  	s1 =	sld [smem:$0x3FA1]  }
0x28: {  	s2 =	sld [smem:$0x3FA2]  }
0x29: {  	s4 =	sld [smem:$0x3FA4]  }
0x2a: {  	p0 =	seq.s32 s5, $0x0;
	s5 =	sld [smem:$0x3FA5]  }
0x2b: {  	s6 =	sld [smem:$0x3FA6]  }
0x2c: {  	s7 =	sld [smem:$0x3FA7]  }
0x2d: {  	s3 =	simm.s32 $0x108;
	s8 =	sld [smem:$0x3FA8]  }
0x2e: {  	s3 =	simm.s32 @!p0 $0x1082;
	s9 =	sld [smem:$0x3FA9]  }
0x2f: {  	lr =	sadd.s32 s0, s3;
	s0 =	sld [smem:$0x3FA0]  }
0x30: {  	s3 =	sld [smem:$0x3FA3]  }
0x31: {  	[smem:$0x3FAC] =	sst s10  }
0x32: {  	s10 =	sld [smem:$0x3FAA];
	_ =	sdelay $0x3  }
0x33: {  	p0 =	seq.s32 s10, $0x1;
	s10 =	sld [smem:$0x3FAC];
	_ =	sdelay $0x3  }
0x34: {  	[smem:$0x3FAC] =	sst s10  }
0x35: {  	s10 =	sld [smem:$0x3FAB];
	_ =	sdelay $0x3  }
0x36: {  	p1 =	seq.s32 s10, $0x1;
	s10 =	sld [smem:$0x3FAC];
	_ =	sdelay $0x3  }
0x37: {  	[smem:$0x3FAC] =	sst s10  }
0x38: {  	s10 =	sld [smem:$0x3FAD]  }
0x39: {  	_ = 	snop;
	(pc) =	sbr.ind lr, $3  }
0x3a: {  	_ = 	snop  }
0x3b: {  	_ = 	snop  }
0x3c: {  	p2 =	seq.s32 s10, $0x1;
	s10 =	sld [smem:$0x3FAC]  }
0x3d: {  	_ =	shalt  }
0x3e: {  	_ =	shalt  }
0x3f: {  	_ =	shalt  }
0x40: {  	_ =	shalt  }
0x41: {  	_ =	shalt  }
0x42: {  	_ =	shalt  }
0x43: {  	_ =	shalt  }
0x44: {  	_ =	shalt  }
0x45: {  	_ =	shalt  }
0x46: {  	_ =	shalt  }
0x47: {  	_ =	shalt  }
0x48: {  	_ =	shalt  }
0x49: {  	_ =	shalt  }
0x4a: {  	_ =	shalt  }
0x4b: {  	_ =	shalt  }
0x4c: {  	_ =	shalt  }
0x4d: {  	_ =	shalt  }
0x4e: {  	_ =	shalt  }
0x4f: {  	_ =	shalt  }
0x50: {  	_ =	shalt  }
0x51: {  	_ =	shalt  }
0x52: {  	_ =	shalt  }
0x53: {  	_ =	shalt  }
0x54: {  	_ =	shalt  }
0x55: {  	_ =	shalt  }
0x56: {  	_ =	shalt  }
0x57: {  	_ =	shalt  }
0x58: {  	_ =	shalt  }
0x59: {  	_ =	shalt  }
0x5a: {  	_ =	shalt  }
0x5b: {  	_ =	shalt  }
0x5c: {  	_ =	shalt  }
0x5d: {  	_ =	shalt  }
0x5e: {  	_ =	shalt  }
0x5f: {  	_ =	shalt  }
0x60: {  	_ =	shalt  }
0x61: {  	_ =	shalt  }
0x62: {  	_ =	shalt  }
0x63: {  	_ =	shalt  }
0x64: {  	_ =	shalt  }
0x65: {  	_ =	shalt  }
0x66: {  	_ =	shalt  }
0x67: {  	_ =	shalt  }
0x68: {  	_ =	shalt  }
0x69: {  	_ =	shalt  }
0x6a: {  	_ =	shalt  }
0x6b: {  	_ =	shalt  }
0x6c: {  	_ =	shalt  }
0x6d: {  	_ =	shalt  }
0x6e: {  	_ =	shalt  }
0x6f: {  	_ =	shalt  }
0x70: {  	_ =	shalt  }
0x71: {  	_ =	shalt  }
0x72: {  	_ =	shalt  }
0x73: {  	_ =	shalt  }
0x74: {  	_ =	shalt  }
0x75: {  	_ =	shalt  }
0x76: {  	_ =	shalt  }
0x77: {  	_ =	shalt  }
0x78: {  	_ =	shalt  }
0x79: {  	_ =	shalt  }
0x7a: {  	_ =	shalt  }
0x7b: {  	_ =	shalt  }
0x7c: {  	_ =	shalt  }
0x7d: {  	_ =	shalt  }
0x7e: {  	_ =	shalt  }
0x7f: {  	_ =	shalt  }
0x80: {  	_ =	shalt  }
0x81: {  	_ =	shalt  }
0x82: {  	_ =	shalt  }
0x83: {  	_ =	shalt  }
0x84: {  	_ =	shalt  }
0x85: {  	_ =	shalt  }
0x86: {  	_ =	shalt  }
0x87: {  	_ =	shalt  }
.Lfunc_end0:
.L_simem_size_0:
called_computation.1_lowered:
.L_overlay_start_0:
0x88: {  	s2 =	sld [smem:$0x3FD9]  }
0x89: {  	s3 =	sld [smem:$0x3FFE];
	_ =	sdelay $0x1  }
0x8a: {  	s1 =	srdreg.scid  }
0x8b: {  	s0 =	sand.u32 $0x1, s1  }
0x8c: {  	s17 =	sshll.u32 s0, $0xA;
	s2 =	sadd.s32 s3, s2  }
0x8d: {  	s2 =	sadd.s32 s2, s17  }
0x8e: {  	[smem:$0x3FB8] =	sst s2  }
0x8f: {  	_ = 	snop  }
0x90: {  	s2 =	sld [smem:$0x3FD0];
	(tm) =	ssettm $0x1  }
0x91: {  	s18 =	sld [smem:$0x3FFB];
	_ =	sdelay $0x3  }
0x92: {  	_ =	strace s18  }
0x93: {  	s3 =	sld [smem:$0x3FFC];
	_ =	sdelay $0x3  }
0x94: {  	_ =	strace s3  }
0x95: {  	s3 =	sld [smem:$0x3FFD];
	_ =	sdelay $0x3  }
0x96: {  	_ =	strace s3  }
0x97: {  	_ =	strace $0x8FFFFFFF  }
0x98: {  	s19 =	sld [smem:$0x3FDB];
	_ =	sdelay $0x1  }
0x99: {  	s4 =	simm.s32 $_scs_section_size  }
0x9a: {  	s5 =	simm.s32 $_size__tile_overlayer_lowered;
	s6 =	simm.s32 $_tile_overlayer_lowered  }
0x9b: {  	s22 =	simm.s32 $0x1BFF;
	s21 =	sshll.u32 s6, $0x1;
	s3 =	sadd.s32 s4, s19  }
0x9c: {  	s7 =	simm.s32 $0x0;
	s20 =	sshll.u32 s5, $0x1;
	s5 =	sadd.s32 s21, s3  }
0x9d: {  	[timem:s7], [sflag:s22] =	dma.local [hbm:s5], s20  }
0x9e: {  	_ =	swait.ge [sflag:s22], s20  }
0x9f: {  	s4 =	ssub.s32 $0x0, s20;
	[sflag:s22] =	ssyncset.done $0x0  }
0xa0: {  	[sflag:s22] =	ssyncadd.s32 s4;
	_ =	sdelay $0x1  }
0xa1: {  	s23 =	simm.s32 $0x1B8B  }
0xa2: {  	_ =	swait.ge [sflag:s23], $0x1  }
0xa3: {  	[sflag:s23] =	ssyncset.done $0x0  }
0xa4: {  	s25 =	simm.s32 $0x1B8E;
	s24 =	sld [smem:$0x3FFE];
	[sflag:s23] =	ssyncadd.s32 $0xFFFFFFFF  }
0xa5: {  	s26 =	simm.s32 $execute0_lowered;
	[smem:$0x3FD2] =	sst s25  }
0xa6: {  	s5 =	sshll.u32 s26, $0x1;
	_ =	strace $0x80000049;
	[dreg:$0x1] =	wrdreg $0xFFFFFFFF  }
0xa7: {  	s28 =	simm.s32 $_size_execute0_lowered;
	s3 =	sadd.s32 s3, s5;
	[dreg:$0x0] =	wrdreg $0x0  }
0xa8: {  	s5 =	sshll.u32 s28, $0x1;
	[dreg:$0x2] =	wrdreg s3  }
0xa9: {  	[dreg:$0x3] =	wrdreg s5  }
0xaa: {  	[dreg:$0x4] =	wrdreg $0xC0  }
0xab: {  	_ =	task [dreg:s7], $0x5FFFF  }
0xac: {  	[dreg:$0x1] =	wrdreg $0xFFFFFFFF  }
0xad: {  	[dreg:$0x0] =	wrdreg $0x60  }
0xae: {  	[dreg:$0x2] =	wrdreg s24  }
0xaf: {  	[dreg:$0x3] =	wrdreg s2  }
0xb0: {  	[dreg:$0x4] =	wrdreg $0x90800  }
0xb1: {  	[dreg:$0x5] =	wrdreg $0x1D0800  }
0xb2: {  	[dreg:$0x6] =	wrdreg $0x9  }
0xb3: {  	_ =	task.clear_ibuf [dreg:s7], $0x7FFFF;
	_ =	strace $0x90000049  }
0xb4: {  	s29 =	simm.s32 $0x9;
	_ =	strace $0x8000004B  }
0xb5: {  	_ =	swait.ge [sflag:s29], $0x1  }
0xb6: {  	[sflag:s29] =	ssyncadd.s32 $0xFFFFFFFF  }
0xb7: {  	_ =	strace $0x9000004B  }
0xb8: {  	_ =	sfence  }
0xb9: {  	s30 =	sld [smem:$0x0];
	_ =	sdelay $0x2  }
0xba: {  	s31 =	sshll.u32 s1, $0xD;
	s1 =	sshrl.u32 s1, $0x2  }
0xbb: {  	s3 =	sand.u32 $0x4000, s31;
	s1 =	sadd.s32 s1, s30  }
0xbc: {  	s0 =	sor.u32 s3, s0;
	s1 =	sshll.u32 s1, $0x11  }
0xbd: {  	s0 =	sor.u32 s1, s0  }
0xbe: {  	s0 =	sadd.s32 $0x8F2B, s0  }
0xbf: {  	[sflag:s0] =	ssyncadd.remote.s32 $0x1  }
0xc0: {  	_ =	sfence.sel $0xFFFF  }
0xc1: {  	[dreg:$0x0] =	wrdreg $0xFFFFFFFF;
	(pc) =	sbr.abs _section_cstart, $3  }
0xc2: {  	[dreg:$0x1] =	wrdreg $0xFFFFFFFF  }
0xc3: {  	_ =	task.clear_ibuf [dreg:s7], $0x2FFFF;
	_ =	strace $0x9FFFFFFF  }
0xc4: {  	(tm) =	ssettm $0x7FFFFFFF  }
0xc5: {  	_ =	shalt  }
tec
execute0_lowered:
.L_overlay_start_1:
0x0: {  	(tag) =	ssettag $0x1  }
0x1: {  	s4 =	srdreg.scid  }
0x2: {  	s0 =	rddreg [dreg:$0x0];
	s5 =	sand.u32 $0x1, s4  }
0x3: {  	s1 =	rddreg [dreg:$0x1];
	s6 =	smul.u32 $0x27100, s5  }
0x4: {  	s2 =	rddreg [dreg:$0x2];
	s4 =	simm.s32 $0x0;
	s7 =	smul.u32 $0x28000, s5  }
0x5: {  	s9 =	ssub.s32 $0x2, s5;
	s10 =	sshll.u32 s5, $0x4;
	s5 =	stileid.u32  }
0x6: {  	[smem:$0x7FF] =	sst s4;
	s17 =	smul.u32 $0x5, s5  }
0x7: {  	s3 =	rddreg [dreg:$0x3];
	_ =	strace $0x8000004A;
	s12 =	smul.u32 $0x50000, s5  }
0x8: {  	s11 =	sshrl.u32 s9, $0x1;
	s10 =	sadd.s32 s10, s0;
	s13 =	smul.u32 $0x2800, s5  }
0x9: {  	s8 =	sadd.s32 s6, s0;
	s6 =	sadd.s32 $0x1E00, s0;
	s7 =	sadd.s32 s7, s0  }
0xa: {  	s9 =	ssub.s32 s9, s11;
	s10 =	sadd.s32 $0x55C00, s10;
	s7 =	sadd.s32 $0x56600, s7  }
0xb: {  	s14 =	sadd.s32 $0x1, s17;
	s15 =	sadd.s32 $0x2, s17;
	s16 =	sadd.s32 $0x3, s17  }
0xc: {  	s11 =	sadd.s32 $0x4, s17;
	s17 =	smul.u32 $0xA0, s5;
	s18 =	sshll.u32 s14, $0xB  }
0xd: {  	s19 =	sshll.u32 s14, $0x5;
	s20 =	sshll.u32 s15, $0xB;
	s21 =	sshll.u32 s15, $0x5  }
0xe: {  	s22 =	sshll.u32 s16, $0xB;
	s23 =	sshll.u32 s16, $0x5;
	s13 =	sadd.s32 s13, s7  }
0xf: {  	s24 =	sshll.u32 s11, $0xB;
	[dreg:$0x5] =	wrdreg s13;
	s18 =	sadd.s32 s18, s7  }
0x10: {  	s26 =	sshll.u32 s11, $0x5;
	s20 =	sadd.s32 s20, s7;
	[dreg:$0x6] =	wrdreg s18  }
0x11: {  	s25 =	sadd.s32 s22, s7;
	s7 =	sadd.s32 s24, s7;
	[dreg:$0x7] =	wrdreg s20  }
0x12: {  	s22 =	sadd.s32 s21, s10;
	s23 =	sadd.s32 s23, s10;
	[dreg:$0x8] =	wrdreg s25  }
0x13: {  	s24 =	sadd.s32 $0x55000, s0;
	s0 =	sadd.s32 $0x55600, s0;
	[dreg:$0x9] =	wrdreg s7  }
0x14: {  	s21 =	smax.u32 s9, $0x1;
	s13 =	sshll.u32 s15, $0xE;
	[dreg:$0xc] =	wrdreg s22  }
0x15: {  	s18 =	sadd.s32 s17, s10;
	s20 =	sadd.s32 s19, s10;
	[dreg:$0xd] =	wrdreg s23  }
0x16: {  	s7 =	sadd.s32 s26, s10;
	[dreg:$0xf] =	wrdreg s24;
	s25 =	sshrl.u32 s12, $0x2  }
0x17: {  	s26 =	smul.u32 $0xA00, s5;
	[dreg:$0x10] =	wrdreg s0;
	s19 =	sadd.s32 $0x6E00, s8  }
0x18: {  	s10 =	sshll.u32 s14, $0xE;
	s12 =	sshll.u32 s14, $0x7;
	s14 =	sshll.u32 s15, $0x7  }
0x19: {  	s15 =	sshll.u32 s16, $0xE;
	s16 =	sshll.u32 s16, $0x7;
	[dreg:$0xa] =	wrdreg s18  }
0x1a: {  	s17 =	sshll.u32 s11, $0xE;
	s0 =	simm.s32 $0x5080;
	[dreg:$0xb] =	wrdreg s20  }
0x1b: {  	s8 =	simm.s32 $0x5000;
	[dreg:$0xe] =	wrdreg s7;
	s20 =	sadd.s32 s25, s2  }
0x1c: {  	s23 =	sadd.s32 s10, s2;
	s24 =	sadd.s32 s12, s3;
	s25 =	sadd.s32 s13, s2  }
.Ltmp0:
0x1d: {  	s28 =	sadd.s32 s15, s2;
	s29 =	sadd.s32 s16, s3;
	(pc) =	sbr.rel .LBB2_1-.Ltmp0, $4  }
0x1e: {  	s30 =	sadd.s32 s17, s2;
	s18 =	sshll.u32 s11, $0x7;
	s7 =	simm.s32 $0x1  }
0x1f: {  	s10 =	simm.s32 $0x4F00;
	s11 =	simm.s32 $0x2;
	s12 =	simm.s32 $0x4F80  }
0x20: {  	s13 =	simm.s32 $0x80;
	s9 =	sshrl.u32 s26, $0x2;
	s26 =	sadd.s32 s14, s3  }
0x21: {  	v0 =	vimm.f32 $0.0e+00;
	s31 =	sadd.s32 s18, s3;
	s22 =	sadd.s32 s9, s3;
	s9 =	simm.s32 $0x2780  }
.LBB2_9:
0x22: {  	s14 =	sshll.u32 s5, $0x6;
	[bflag:$0x0] =	sbarrier.arrive $0xFFFF  }
0x23: {  	s15 =	sshrl.u32 s20, $0x3;
	s14 =	sor.u32 $0x1C01, s14;
	s16 =	rddreg [dreg:$0x5]  }
0x24: {  	[hbm:s16], [sflag:s14] =	dma.local [spmem:s15], $0x800  }
0x25: {  	_ =	swait.ge [sflag:s7], $0x800  }
0x26: {  	[sflag:s7] =	ssyncset.done $0x0  }
0x27: {  	s17 =	sshrl.u32 s22, $0x3;
	s18 =	rddreg [dreg:$0xa];
	[sflag:s7] =	ssyncadd.s32 $0xFFFFF800  }
0x28: {  	[hbm:s18], [sflag:s14] =	dma.local [spmem:s17], $0x10  }
0x29: {  	_ =	swait.ge [sflag:s7], $0x10  }
0x2a: {  	[sflag:s7] =	ssyncset.done $0x0  }
0x2b: {  	s17 =	sshrl.u32 s23, $0x3;
	s18 =	rddreg [dreg:$0x6];
	[sflag:s7] =	ssyncadd.s32 $0xFFFFFFF0  }
0x2c: {  	[hbm:s18], [sflag:s14] =	dma.local [spmem:s17], $0x800  }
0x2d: {  	_ =	swait.ge [sflag:s7], $0x800  }
0x2e: {  	[sflag:s7] =	ssyncset.done $0x0  }
0x2f: {  	s17 =	sshrl.u32 s24, $0x3;
	s18 =	rddreg [dreg:$0xb];
	[sflag:s7] =	ssyncadd.s32 $0xFFFFF800  }
0x30: {  	[hbm:s18], [sflag:s14] =	dma.local [spmem:s17], $0x10  }
0x31: {  	_ =	swait.ge [sflag:s7], $0x10  }
0x32: {  	[sflag:s7] =	ssyncset.done $0x0  }
0x33: {  	s17 =	sshrl.u32 s25, $0x3;
	s18 =	rddreg [dreg:$0x7];
	[sflag:s7] =	ssyncadd.s32 $0xFFFFFFF0  }
0x34: {  	[hbm:s18], [sflag:s14] =	dma.local [spmem:s17], $0x800  }
0x35: {  	_ =	swait.ge [sflag:s7], $0x800  }
0x36: {  	[sflag:s7] =	ssyncset.done $0x0  }
0x37: {  	s17 =	sshrl.u32 s26, $0x3;
	s18 =	rddreg [dreg:$0xc];
	[sflag:s7] =	ssyncadd.s32 $0xFFFFF800  }
0x38: {  	[hbm:s18], [sflag:s14] =	dma.local [spmem:s17], $0x10  }
0x39: {  	_ =	swait.ge [sflag:s7], $0x10  }
0x3a: {  	[sflag:s7] =	ssyncset.done $0x0  }
0x3b: {  	s17 =	sshrl.u32 s28, $0x3;
	s18 =	rddreg [dreg:$0x8];
	[sflag:s7] =	ssyncadd.s32 $0xFFFFFFF0  }
0x3c: {  	[hbm:s18], [sflag:s14] =	dma.local [spmem:s17], $0x800  }
0x3d: {  	_ =	swait.ge [sflag:s7], $0x800  }
0x3e: {  	[sflag:s7] =	ssyncset.done $0x0  }
0x3f: {  	s17 =	sshrl.u32 s29, $0x3;
	s18 =	rddreg [dreg:$0xd];
	[sflag:s7] =	ssyncadd.s32 $0xFFFFF800  }
0x40: {  	[hbm:s18], [sflag:s14] =	dma.local [spmem:s17], $0x10  }
0x41: {  	_ =	swait.ge [sflag:s7], $0x10  }
0x42: {  	[sflag:s7] =	ssyncset.done $0x0  }
0x43: {  	s17 =	sshrl.u32 s30, $0x3;
	s18 =	rddreg [dreg:$0x9];
	[sflag:s7] =	ssyncadd.s32 $0xFFFFFFF0  }
0x44: {  	[hbm:s18], [sflag:s14] =	dma.local [spmem:s17], $0x800  }
0x45: {  	s4 =	sadd.s32 $0x1, s4;
	_ =	swait.ge [sflag:s7], $0x800  }
0x46: {  	p0 =	sne.s32 s4, s21;
	s17 =	sshrl.u32 s31, $0x3;
	[sflag:s7] =	ssyncset.done $0x0  }
.Ltmp1:
0x47: {  	s18 =	rddreg [dreg:$0xe];
	[sflag:s7] =	ssyncadd.s32 $0xFFFFF800;
	(pc) =	sbr.rel @!p0 .LBB2_10-.Ltmp1, $4  }
0x48: {  	[hbm:s18], [sflag:s14] =	dma.local [spmem:s17], $0x10  }
0x49: {  	_ =	swait.ge [sflag:s7], $0x10  }
0x4a: {  	[sflag:s7] =	ssyncset.done $0x0  }
0x4b: {  	[sflag:s7] =	ssyncadd.s32 $0xFFFFFFF0  }
.LBB2_1:
0x4c: {  	s14 =	simm.s32 $0x0;
	s15 =	simm.s32 $0x200  }
.LBB2_2:
0x4d: {  	p0 =	sne.s32 s15, $0xFE00;
	[tilespmem:s14+$0x50F0] =	vst v0  }
0x4e: {  	[tilespmem:s14+$0x5080] =	vst v0  }
0x4f: {  	[tilespmem:s14+$0x5090] =	vst v0  }
.Ltmp2:
0x50: {  	[tilespmem:s14+$0x50A0] =	vst v0;
	(pc) =	sbr.rel @p0 .LBB2_2-.Ltmp2, $4  }
0x51: {  	[tilespmem:s14+$0x50B0] =	vst v0  }
0x52: {  	[tilespmem:s14+$0x50C0] =	vst v0  }
0x53: {  	[tilespmem:s14+$0x50D0] =	vst v0  }
0x54: {  	[tilespmem:s14+$0x50E0] =	vst v0;
	s14 =	sshra.s32 s15, $0x2;
	s15 =	sadd.s32 $0x200, s15  }
0x55: {  	[tilespmem:s14+$0x50F0] =	vst v0  }
0x56: {  	[tilespmem:s14+$0x5080] =	vst v0  }
0x57: {  	[tilespmem:s14+$0x5090] =	vst v0  }
0x58: {  	[tilespmem:s14+$0x50A0] =	vst v0  }
0x59: {  	[tilespmem:s14+$0x50B0] =	vst v0  }
0x5a: {  	[tilespmem:s14+$0x50C0] =	vst v0  }
0x5b: {  	[tilespmem:s14+$0x50D0] =	vst v0  }
0x5c: {  	[tilespmem:s14+$0x50E0] =	vst v0  }
0x5d: {  	[tilespmem:$0x5000] =	vst v0  }
0x5e: {  	[tilespmem:$0x5010] =	vst v0  }
0x5f: {  	[tilespmem:$0x5020] =	vst v0  }
0x60: {  	[tilespmem:$0x5030] =	vst v0  }
0x61: {  	[tilespmem:$0x5040] =	vst v0  }
0x62: {  	[tilespmem:$0x5050] =	vst v0  }
0x63: {  	[tilespmem:$0x5060] =	vst v0  }
0x64: {  	[tilespmem:$0x5070] =	vst v0  }
0x65: {  	[spmem:s20] =	stream.linear.scatter [tilespmem:s0], [sflag:$0x1], $0x4000, $0x38;
	[tilespmem:$0x1D300] =	vst v63  }
0x66: {  	_ =	swait.ge [sflag:s7], $0x4000  }
0x67: {  	[sflag:s7] =	ssyncset.done $0x0  }
0x68: {  	[sflag:s7] =	ssyncadd.s32 $0xFFFFC000  }
0x69: {  	[spmem:s22] =	stream.linear.scatter [tilespmem:s8], [sflag:$0x1], $0x80, $0x38;
	[tilespmem:$0x1D300] =	vst v63  }
0x6a: {  	_ =	swait.ge [sflag:s7], $0x80  }
0x6b: {  	[sflag:s7] =	ssyncset.done $0x0  }
0x6c: {  	[sflag:s7] =	ssyncadd.s32 $0xFFFFFF80  }
0x6d: {  	[spmem:s23] =	stream.linear.scatter [tilespmem:s0], [sflag:$0x1], $0x4000, $0x38;
	[tilespmem:$0x1D300] =	vst v63  }
0x6e: {  	_ =	swait.ge [sflag:s7], $0x4000  }
0x6f: {  	[sflag:s7] =	ssyncset.done $0x0  }
0x70: {  	[sflag:s7] =	ssyncadd.s32 $0xFFFFC000  }
0x71: {  	[spmem:s24] =	stream.linear.scatter [tilespmem:s8], [sflag:$0x1], $0x80, $0x38;
	[tilespmem:$0x1D300] =	vst v63  }
0x72: {  	_ =	swait.ge [sflag:s7], $0x80  }
0x73: {  	[sflag:s7] =	ssyncset.done $0x0  }
0x74: {  	[sflag:s7] =	ssyncadd.s32 $0xFFFFFF80  }
0x75: {  	[spmem:s25] =	stream.linear.scatter [tilespmem:s0], [sflag:$0x1], $0x4000, $0x38;
	[tilespmem:$0x1D300] =	vst v63  }
0x76: {  	_ =	swait.ge [sflag:s7], $0x4000  }
0x77: {  	[sflag:s7] =	ssyncset.done $0x0  }
0x78: {  	[sflag:s7] =	ssyncadd.s32 $0xFFFFC000  }
0x79: {  	[spmem:s26] =	stream.linear.scatter [tilespmem:s8], [sflag:$0x1], $0x80, $0x38;
	[tilespmem:$0x1D300] =	vst v63  }
0x7a: {  	_ =	swait.ge [sflag:s7], $0x80  }
0x7b: {  	[sflag:s7] =	ssyncset.done $0x0  }
0x7c: {  	[sflag:s7] =	ssyncadd.s32 $0xFFFFFF80  }
0x7d: {  	[spmem:s28] =	stream.linear.scatter [tilespmem:s0], [sflag:$0x1], $0x4000, $0x38;
	[tilespmem:$0x1D300] =	vst v63  }
0x7e: {  	_ =	swait.ge [sflag:s7], $0x4000  }
0x7f: {  	[sflag:s7] =	ssyncset.done $0x0  }
0x80: {  	[sflag:s7] =	ssyncadd.s32 $0xFFFFC000  }
0x81: {  	[spmem:s29] =	stream.linear.scatter [tilespmem:s8], [sflag:$0x1], $0x80, $0x38;
	[tilespmem:$0x1D300] =	vst v63  }
0x82: {  	_ =	swait.ge [sflag:s7], $0x80  }
0x83: {  	[sflag:s7] =	ssyncset.done $0x0  }
0x84: {  	[sflag:s7] =	ssyncadd.s32 $0xFFFFFF80  }
0x85: {  	[spmem:s30] =	stream.linear.scatter [tilespmem:s0], [sflag:$0x1], $0x4000, $0x38;
	[tilespmem:$0x1D300] =	vst v63  }
0x86: {  	_ =	swait.ge [sflag:s7], $0x4000  }
0x87: {  	[sflag:s7] =	ssyncset.done $0x0  }
0x88: {  	[sflag:s7] =	ssyncadd.s32 $0xFFFFC000  }
0x89: {  	[spmem:s31] =	stream.linear.scatter [tilespmem:s8], [sflag:$0x1], $0x80, $0x38;
	[tilespmem:$0x1D300] =	vst v63  }
0x8a: {  	_ =	swait.ge [sflag:s7], $0x80  }
0x8b: {  	[sflag:s7] =	ssyncset.done $0x0  }
0x8c: {  	s14 =	simm.s32 $0x0;
	s15 =	rddreg [dreg:$0xf];
	[sflag:s7] =	ssyncadd.s32 $0xFFFFFF80  }
0x8d: {  	[tilespmem:s14], [sflag:$0x1] =	stream.linear.gather [hbm4b:s15+s14], $0x2780, $0x38;
	[tilespmem:$0x1D300] =	vst v63  }
0x8e: {  	_ =	swait.ge [sflag:s7], $0x2780  }
0x8f: {  	[sflag:s7] =	ssyncset.done $0x0  }
0x90: {  	s18 =	rddreg [dreg:$0x10];
	[sflag:s7] =	ssyncadd.s32 $0xFFFFD880  }
0x91: {  	[tilespmem:s9], [sflag:$0x1] =	stream.linear.gather [hbm4b:s18+s14], $0x2780, $0x38;
	[tilespmem:$0x1D300] =	vst v63  }
.Ltmp3:
0x92: {  	_ =	swait.ge [sflag:s7], $0x2780;
	(pc) =	sbr.rel .LBB2_4-.Ltmp3, $3  }
0x93: {  	[sflag:s7] =	ssyncset.done $0x0  }
0x94: {  	[sflag:s7] =	ssyncadd.s32 $0xFFFFD880  }
0x95: {  	[bflag:$0x0] =	sbarrier.arrive $0xFFFF;
	_ =	sdelay $0x1  }
.LBB2_8:
0x96: {  	s14 =	sadd.s32 $0x1, s14  }
0x97: {  	p0 =	sne.s32 s14, $0x4F  }
.Ltmp4:
0x98: {  	_ = 	snop;
	(pc) =	sbr.rel @!p0 .LBB2_9-.Ltmp4, $1  }
0x99: {  	_ =	sdelay $0x3  }
.LBB2_4:
0x9a: {  	s15 =	sshll.u32 s14, $0x4  }
0x9b: {  	s15 =	sor.u32 s5, s15  }
0x9c: {  	p0 =	sgt.u32 s15, $0x4E1  }
.Ltmp5:
0x9d: {  	_ = 	snop;
	(pc) =	sbr.rel @p0 .LBB2_8-.Ltmp5, $1  }
0x9e: {  	_ =	sdelay $0x3  }
0x9f: {  	s16 =	sshll.u32 s15, $0x4  }
0xa0: {  	s18 =	simm.s32 $0x0;
	s17 =	sadd.s32 s6, s16  }
0xa1: {  	[tilespmem:s10], [sflag:$0x2] =	stream.linear.gather [hbm4b:s17+s18], $0x80, $0x38;
	[tilespmem:$0x1D300] =	vst v63  }
0xa2: {  	_ =	swait.ge [sflag:s11], $0x80  }
0xa3: {  	[sflag:s11] =	ssyncset.done $0x0  }
0xa4: {  	s16 =	sadd.s32 s1, s16;
	[sflag:s11] =	ssyncadd.s32 $0xFFFFFF80  }
0xa5: {  	[tilespmem:s12], [sflag:$0x2] =	stream.linear.gather [hbm4b:s16+s18], $0x80, $0x38;
	[tilespmem:$0x1D300] =	vst v63  }
0xa6: {  	_ =	swait.ge [sflag:s11], $0x80  }
0xa7: {  	[sflag:s11] =	ssyncset.done $0x0  }
0xa8: {  	[sflag:s11] =	ssyncadd.s32 $0xFFFFFF80  }
0xa9: {  	v1 =	vld [tilespmem:$0x4F00]  }
0xaa: {  	v2 =	vld [tilespmem:$0x4F80];
	_ =	sdelay $0x6  }
0xab: {  	v1 =	vld.idx.msk [tilespmem:v1+s18+$0x0], $0xffff  }
0xac: {  	v2 =	vld.idx.msk [tilespmem:v2+s9+$0x0], $0xffff;
	_ =	sdelay $0x4  }
0xad: {  	v1 =	vadd.f32 v2, v1;
	_ =	sdelay $0x1  }
0xae: {  	v2 =	vmul.f32 $2.000000030e-01, v1;
	_ =	sdelay $0x1  }
0xaf: {  	v1 =	vmax.f32 v1, v2  }
0xb0: {  	v1 =	vmul.f32 $1.442695020e+00, v1;
	_ =	sdelay $0x1  }
0xb1: {  	(erf) = vpow2.f32 v1;
	_ =	sdelay $0x2  }
0xb2: {  	v1 =	vld [tilespmem:$0x4F10]  }
0xb3: {  	v2 =	vld [tilespmem:$0x4F90];
	_ =	sdelay $0x4  }
0xb4: {  	v3 =	vpop (erf)  }
0xb5: {  	[tilespmem:$0x5000] =	vst v3  }
0xb6: {  	v1 =	vld.idx.msk [tilespmem:v1+s18+$0x0], $0xffff  }
0xb7: {  	v2 =	vld.idx.msk [tilespmem:v2+s9+$0x0], $0xffff;
	_ =	sdelay $0x4  }
0xb8: {  	v1 =	vadd.f32 v2, v1;
	_ =	sdelay $0x1  }
0xb9: {  	v2 =	vmul.f32 $2.000000030e-01, v1;
	_ =	sdelay $0x1  }
0xba: {  	v1 =	vmax.f32 v1, v2  }
0xbb: {  	v1 =	vmul.f32 $1.442695020e+00, v1;
	_ =	sdelay $0x1  }
0xbc: {  	(erf) = vpow2.f32 v1;
	_ =	sdelay $0x2  }
0xbd: {  	v1 =	vld [tilespmem:$0x4F20]  }
0xbe: {  	v2 =	vld [tilespmem:$0x4FA0];
	_ =	sdelay $0x4  }
0xbf: {  	v3 =	vpop (erf)  }
0xc0: {  	[tilespmem:$0x5010] =	vst v3  }
0xc1: {  	v1 =	vld.idx.msk [tilespmem:v1+s18+$0x0], $0xffff  }
0xc2: {  	v2 =	vld.idx.msk [tilespmem:v2+s9+$0x0], $0xffff;
	_ =	sdelay $0x4  }
0xc3: {  	v1 =	vadd.f32 v2, v1;
	_ =	sdelay $0x1  }
0xc4: {  	v2 =	vmul.f32 $2.000000030e-01, v1;
	_ =	sdelay $0x1  }
0xc5: {  	v1 =	vmax.f32 v1, v2  }
0xc6: {  	v1 =	vmul.f32 $1.442695020e+00, v1;
	_ =	sdelay $0x1  }
0xc7: {  	(erf) = vpow2.f32 v1;
	_ =	sdelay $0x2  }
0xc8: {  	v1 =	vld [tilespmem:$0x4F30]  }
0xc9: {  	v2 =	vld [tilespmem:$0x4FB0];
	_ =	sdelay $0x4  }
0xca: {  	v3 =	vpop (erf)  }
0xcb: {  	[tilespmem:$0x5020] =	vst v3  }
0xcc: {  	v1 =	vld.idx.msk [tilespmem:v1+s18+$0x0], $0xffff  }
0xcd: {  	v2 =	vld.idx.msk [tilespmem:v2+s9+$0x0], $0xffff;
	_ =	sdelay $0x4  }
0xce: {  	v1 =	vadd.f32 v2, v1;
	_ =	sdelay $0x1  }
0xcf: {  	v2 =	vmul.f32 $2.000000030e-01, v1;
	_ =	sdelay $0x1  }
0xd0: {  	v1 =	vmax.f32 v1, v2  }
0xd1: {  	v1 =	vmul.f32 $1.442695020e+00, v1;
	_ =	sdelay $0x1  }
0xd2: {  	(erf) = vpow2.f32 v1;
	_ =	sdelay $0x2  }
0xd3: {  	v1 =	vld [tilespmem:$0x4F40]  }
0xd4: {  	v2 =	vld [tilespmem:$0x4FC0];
	_ =	sdelay $0x4  }
0xd5: {  	v3 =	vpop (erf)  }
0xd6: {  	[tilespmem:$0x5030] =	vst v3  }
0xd7: {  	v1 =	vld.idx.msk [tilespmem:v1+s18+$0x0], $0xffff  }
0xd8: {  	v2 =	vld.idx.msk [tilespmem:v2+s9+$0x0], $0xffff;
	_ =	sdelay $0x4  }
0xd9: {  	v1 =	vadd.f32 v2, v1;
	_ =	sdelay $0x1  }
0xda: {  	v2 =	vmul.f32 $2.000000030e-01, v1;
	_ =	sdelay $0x1  }
0xdb: {  	v1 =	vmax.f32 v1, v2  }
0xdc: {  	v1 =	vmul.f32 $1.442695020e+00, v1;
	_ =	sdelay $0x1  }
0xdd: {  	(erf) = vpow2.f32 v1;
	_ =	sdelay $0x2  }
0xde: {  	v1 =	vld [tilespmem:$0x4F50]  }
0xdf: {  	v2 =	vld [tilespmem:$0x4FD0];
	_ =	sdelay $0x4  }
0xe0: {  	v3 =	vpop (erf)  }
0xe1: {  	[tilespmem:$0x5040] =	vst v3  }
0xe2: {  	v1 =	vld.idx.msk [tilespmem:v1+s18+$0x0], $0xffff  }
0xe3: {  	v2 =	vld.idx.msk [tilespmem:v2+s9+$0x0], $0xffff;
	_ =	sdelay $0x4  }
0xe4: {  	v1 =	vadd.f32 v2, v1;
	_ =	sdelay $0x1  }
0xe5: {  	v2 =	vmul.f32 $2.000000030e-01, v1;
	_ =	sdelay $0x1  }
0xe6: {  	v1 =	vmax.f32 v1, v2  }
0xe7: {  	v1 =	vmul.f32 $1.442695020e+00, v1;
	_ =	sdelay $0x1  }
0xe8: {  	(erf) = vpow2.f32 v1;
	_ =	sdelay $0x2  }
0xe9: {  	v1 =	vld [tilespmem:$0x4F60]  }
0xea: {  	v2 =	vld [tilespmem:$0x4FE0];
	_ =	sdelay $0x4  }
0xeb: {  	v3 =	vpop (erf)  }
0xec: {  	[tilespmem:$0x5050] =	vst v3  }
0xed: {  	v1 =	vld.idx.msk [tilespmem:v1+s18+$0x0], $0xffff  }
0xee: {  	v2 =	vld.idx.msk [tilespmem:v2+s9+$0x0], $0xffff;
	_ =	sdelay $0x4  }
0xef: {  	v1 =	vadd.f32 v2, v1;
	_ =	sdelay $0x1  }
0xf0: {  	v2 =	vmul.f32 $2.000000030e-01, v1;
	_ =	sdelay $0x1  }
0xf1: {  	v1 =	vmax.f32 v1, v2  }
0xf2: {  	v1 =	vmul.f32 $1.442695020e+00, v1;
	_ =	sdelay $0x1  }
0xf3: {  	(erf) = vpow2.f32 v1;
	_ =	sdelay $0x2  }
0xf4: {  	v1 =	vld [tilespmem:$0x4F70]  }
0xf5: {  	v2 =	vld [tilespmem:$0x4FF0];
	_ =	sdelay $0x4  }
0xf6: {  	v3 =	vpop (erf)  }
0xf7: {  	[tilespmem:$0x5060] =	vst v3  }
0xf8: {  	v1 =	vld.idx.msk [tilespmem:v1+s18+$0x0], $0xffff  }
0xf9: {  	v2 =	vld.idx.msk [tilespmem:v2+s9+$0x0], $0xffff;
	_ =	sdelay $0x4  }
0xfa: {  	v1 =	vadd.f32 v2, v1;
	_ =	sdelay $0x1  }
0xfb: {  	v2 =	vmul.f32 $2.000000030e-01, v1;
	_ =	sdelay $0x1  }
0xfc: {  	v1 =	vmax.f32 v1, v2  }
0xfd: {  	v1 =	vmul.f32 $1.442695020e+00, v1;
	_ =	sdelay $0x1  }
0xfe: {  	(erf) = vpow2.f32 v1;
	_ =	sdelay $0x8  }
0xff: {  	v1 =	vpop (erf)  }
0x100: {  	[tilespmem:$0x5070] =	vst v1  }
0x101: {  	[tilespmem:s0], [sflag:$0x2] =	stream.indirect.gather [hbm4b:s19+s13], $0x80, s10, s13, $0xb8;
	[tilespmem:$0x1D300] =	vst v63  }
0x102: {  	_ =	swait.ge [sflag:s11], $0x4000  }
0x103: {  	v1 =	vmov s18;
	[sflag:s11] =	ssyncset.done $0x0  }
0x104: {  	s15 =	simm.s32 $0x50C0;
	[sflag:s11] =	ssyncadd.s32 $0xFFFFC000  }
0x105: {  	v5 =	vld [tilespmem:s15+$0x30]  }
0x106: {  	v8 =	vld [tilespmem:s15+$0x10]  }
0x107: {  	v6 =	vld [tilespmem:s15+$0xFFFFFFC0]  }
0x108: {  	v2 =	vld.idx.msk [tilespmem:v1+s8+$0x0], $0xffff  }
0x109: {  	v10 =	vld [tilespmem:s15+$0xFFFFFFE0]  }
0x10a: {  	v1 =	vld [tilespmem:s15+$0xFFFFFFF0]  }
0x10b: {  	v3 =	vld [tilespmem:s15+$0x20]  }
0x10c: {  	v4 =	vld [tilespmem:s15+$0xFFFFFFD0]  }
0x10d: {  	v9 =	vmul.f32 v5, v2;
	v5 =	vld [tilespmem:s15+$0x0]  }
0x10e: {  	v7 =	vmul.f32 v6, v2  }
0x10f: {  	s17 =	simm.s32 $0x50C0;
	s16 =	simm.s32 $0x1;
	v6 =	vmul.f32 v10, v2;
	v8 =	vmul.f32 v8, v2  }
.LBB2_6:
0x110: {  	p0 =	sne.s32 s16, $0x7F  }
0x111: {  	v4 =	vmul.f32 v4, v2;
	v3 =	vmul.f32 v3, v2;
	[tilespmem:s15+$0x30] =	vst v9;
	s17 =	sadd.s32 $0x80, s17;
	s18 =	smov.u32 s16;
	s16 =	sadd.s32 $0x1, s16  }
0x112: {  	[tilespmem:s15+$0xFFFFFFC0] =	vst v7;
	v7 =	vmul.f32 v1, v2;
	v2 =	vmul.f32 v5, v2  }
0x113: {  	[tilespmem:s15+$0x10] =	vst v8  }
0x114: {  	v5 =	vmov s18;
	[tilespmem:s15+$0xFFFFFFE0] =	vst v6  }
0x115: {  	v1 =	vld [tilespmem:s17+$0xFFFFFFF0];
	[tilespmem:s15+$0xFFFFFFF0] =	vst v7  }
0x116: {  	v6 =	vld [tilespmem:s17+$0x30];
	[tilespmem:s15+$0x0] =	vst v2  }
0x117: {  	v8 =	vld [tilespmem:s17+$0x10];
	[tilespmem:s15+$0x20] =	vst v3  }
0x118: {  	v7 =	vld [tilespmem:s17+$0xFFFFFFC0];
	[tilespmem:s15+$0xFFFFFFD0] =	vst v4;
	s15 =	smov.u32 s17  }
0x119: {  	v2 =	vld.idx.msk [tilespmem:v5+s8+$0x0], $0xffff  }
0x11a: {  	v10 =	vld [tilespmem:s17+$0xFFFFFFE0]  }
0x11b: {  	v3 =	vld [tilespmem:s17+$0x20]  }
.Ltmp6:
0x11c: {  	v4 =	vld [tilespmem:s17+$0xFFFFFFD0];
	(pc) =	sbr.rel @p0 .LBB2_6-.Ltmp6, $3  }
0x11d: {  	v5 =	vld [tilespmem:s17+$0x0];
	_ =	sdelay $0x1  }
0x11e: {  	v7 =	vmul.f32 v7, v2;
	v9 =	vmul.f32 v6, v2  }
0x11f: {  	v8 =	vmul.f32 v8, v2;
	v6 =	vmul.f32 v10, v2  }
0x120: {  	[tilespmem:s15+$0x30] =	vst v9  }
0x121: {  	[tilespmem:s15+$0xFFFFFFC0] =	vst v7  }
0x122: {  	v1 =	vmul.f32 v1, v2;
	[tilespmem:s15+$0x10] =	vst v8  }
0x123: {  	v3 =	vmul.f32 v3, v2;
	[tilespmem:s15+$0xFFFFFFE0] =	vst v6  }
0x124: {  	v5 =	vmul.f32 v5, v2;
	[tilespmem:s15+$0xFFFFFFF0] =	vst v1  }
0x125: {  	v1 =	vmul.f32 v4, v2;
	[tilespmem:s15+$0x20] =	vst v3  }
0x126: {  	[tilespmem:s15+$0x0] =	vst v5  }
0x127: {  	[tilespmem:s15+$0xFFFFFFD0] =	vst v1  }
0x128: {  	[spmem:s2] =	stream.indirect.scatter.add.f32 [tilespmem:s0], [sflag:$0x2], $0x80, s12, s13, $0xb8;
	[tilespmem:$0x1D300] =	vst v63  }
0x129: {  	_ =	swait.ge [sflag:s11], $0x4000  }
0x12a: {  	[sflag:s11] =	ssyncset.done $0x0  }
.Ltmp7:
0x12b: {  	[sflag:s11] =	ssyncadd.s32 $0xFFFFC000;
	(pc) =	sbr.rel .LBB2_8-.Ltmp7, $4  }
0x12c: {  	[spmem:s3] =	stream.indirect.scatter.add.f32 [tilespmem:s8], [sflag:$0x1], $0x1, s12, s13, $0xb8;
	[tilespmem:$0x1D300] =	vst v63  }
0x12d: {  	_ =	swait.ge [sflag:s7], $0x80  }
0x12e: {  	[sflag:s7] =	ssyncset.done $0x0  }
0x12f: {  	[sflag:s7] =	ssyncadd.s32 $0xFFFFFF80  }
.LBB2_10:
0x130: {  	_ =	sfence.sel $0x180000  }
0x131: {  	[bflag:$0x0] =	sbarrier.arrive $0xFFFF  }
0x132: {  	_ =	strace $0x9000004A  }
0x133: {  	[bflag:$0x2] =	sbarrier.arrive $0xFFFF  }
0x134: {  	p0 =	sne.s32 s5, $0x0;
	s0 =	rddreg [dreg:$0x4]  }
0x135: {  	s0 =	sadd.s32 @!p0 $0x100000, s0  }
0x136: {  	[sflag:s0] =	ssyncadd.tile.s32 @!p0 $0x1;
	_ =	shalt  }
.Lfunc_end2:
_tile_overlayer_lowered:
.L_overlay_start_2:
0x137: {  	(tag) =	ssettag $0x2  }
0x138: {  	s0 =	rddreg [dreg:$0x0];
	s2 =	stileid.u32  }
0x139: {  	s1 =	rddreg [dreg:$0x1];
	p0 =	sne.s32 s2, $0x0  }
0x13a: {  	s3 =	rddreg [dreg:$0x2];
	[bflag:$0x3] =	sbarrier.arrive $0xFFFF;
	s2 =	simm.s32 @!p0 $0x1C01  }
0x13b: {  	[timem:s3], [sflag:s2] =	dma.local @!p0 [hbm:s0], s1  }
0x13c: {  	s0 =	simm.s32 @!p0 $0x1  }
0x13d: {  	_ =	swait.ge @!p0 [sflag:s0], s1  }
0x13e: {  	s1 =	ssub.s32 @!p0 $0x0, s1;
	[sflag:s0] =	ssyncset.done @!p0 $0x0  }
0x13f: {  	[sflag:s0] =	ssyncadd.s32 @!p0 s1  }
0x140: {  	[bflag:$0x3] =	sbarrier.arrive $0xFFFF  }
0x141: {  	_ =	shalt  }

// kernel: kernel.15.cloned.1.call-start
scs
__scs_entry_jumppad:
0x0: {  	(pc) =	sbr.rel $0x88, $3  }
0x1: {  	(tag) =	ssettag $0x0;
	lr =	simm.s32 $0x1  }
0x2: {  	[smem:$0x3F91] =	sst lr;
	_ =	strace $0xD0000000  }
0x3: {  	_ = 	snop  }
0x4: {  	_ = 	snop  }
0x5: {  	_ = 	snop  }
0x6: {  	_ = 	snop  }
0x7: {  	_ = 	snop  }
__scs_overlays_trampoline_lowered:
0x8: {  	[smem:$0x3FA0] =	sst s0  }
0x9: {  	[smem:$0x3FA1] =	sst s1  }
0xa: {  	[smem:$0x3FA2] =	sst s2  }
0xb: {  	[smem:$0x3FA3] =	sst s3  }
0xc: {  	[smem:$0x3FA4] =	sst s4  }
0xd: {  	[smem:$0x3FA5] =	sst s5  }
0xe: {  	[smem:$0x3FA6] =	sst s6  }
0xf: {  	[smem:$0x3FA7] =	sst s7  }
0x10: {  	[smem:$0x3FA8] =	sst s8  }
0x11: {  	[smem:$0x3FA9] =	sst s9;
	s0 =	simm.s32 @!p0 $0x0  }
0x12: {  	s1 =	sld [smem:$0x3F8F];
	s0 =	simm.s32 @p0 $0x1  }
0x13: {  	[smem:$0x3FAA] =	sst s0;
	s0 =	simm.s32 @!p1 $0x0  }
0x14: {  	s2 =	sld [smem:$0x3F8E];
	s0 =	simm.s32 @p1 $0x1  }
0x15: {  	[smem:$0x3FAB] =	sst s0;
	s0 =	simm.s32 @!p2 $0x0  }
0x16: {  	s3 =	sld [smem:$0x3FDB];
	s0 =	simm.s32 @p2 $0x1  }
0x17: {  	s4 =	simm.s32 $0x1BF5;
	[smem:$0x3FAD] =	sst s0  }
0x18: {  	s0 =	sld [smem:$0x3F90];
	_ =	swait.ge [sflag:s4], $0x0  }
0x19: {  	s7 =	sld [smem:$0x3F91]  }
0x1a: {  	s8 =	sadd.s32 $0xFFFFE003, lr  }
0x1b: {  	s9 =	sadd.s32 $0xFFFFFEF7, lr;
	s5 =	simm.s32 $0xFFFFFFFF;
	p2 =	slt.u32 s8, $0xFFFFF086  }
0x1c: {  	p1 =	slt.u32 s9, $0xF7A;
	s5 =	simm.s32 @!p2 $0x0  }
0x1d: {  	s5 =	simm.s32 @p1 $0x1;
	p0 =	seq.s32 s7, s2  }
0x1e: {  	s7 =	smul.u32 @!p0 $0xF7A, s2;
	p2 =	seq.s32 @!p0 s5, $0x0  }
0x1f: {  	s9 =	smul.u32 $0xF7A, s1;
	s8 =	simm.s32 @!p0 $0x1BF5;
	p2 =	por !p2, p0  }
0x20: {  	[sflag:s8] =	ssyncset.s32 @!p0 $0xFFFFF086;
	s6 =	sadd.s32 @!p0 s3, s7;
	s7 =	simm.s32 @!p0 $0x108  }
0x21: {  	s3 =	sadd.s32 s3, s9;
	s6 =	sadd.s32 @!p0 $0x88, s6;
	s7 =	simm.s32 @p2 $0x1082  }
0x22: {  	[simem:s7], [sflag:s8] =	dma.local @!p0 [hbm:s6], $0xF7A  }
0x23: {  	s9 =	sor.u32 $0xD0000000, s2;
	s6 =	simm.s32 $0x108;
	_ =	swait.ge @!p0 [sflag:s8], $0x0  }
0x24: {  	s3 =	sadd.s32 $0x88, s3;
	s6 =	simm.s32 @!p1 $0x1082;
	[sflag:s4] =	ssyncset.s32 $0xFFFFF086  }
0x25: {  	[simem:s6], [sflag:s4] =	dma.local [hbm:s3], $0xF7A  }
0x26: {  	[smem:$0x3F91] =	sst s1;
	(tag) =	ssettag s2;
	_ =	strace s9  }
0x27: {  	s1 =	sld [smem:$0x3FA1]  }
0x28: {  	s2 =	sld [smem:$0x3FA2]  }
0x29: {  	s4 =	sld [smem:$0x3FA4]  }
0x2a: {  	p0 =	seq.s32 s5, $0x0;
	s5 =	sld [smem:$0x3FA5]  }
0x2b: {  	s6 =	sld [smem:$0x3FA6]  }
0x2c: {  	s7 =	sld [smem:$0x3FA7]  }
0x2d: {  	s3 =	simm.s32 $0x108;
	s8 =	sld [smem:$0x3FA8]  }
0x2e: {  	s3 =	simm.s32 @!p0 $0x1082;
	s9 =	sld [smem:$0x3FA9]  }
0x2f: {  	lr =	sadd.s32 s0, s3;
	s0 =	sld [smem:$0x3FA0]  }
0x30: {  	s3 =	sld [smem:$0x3FA3]  }
0x31: {  	[smem:$0x3FAC] =	sst s10  }
0x32: {  	s10 =	sld [smem:$0x3FAA];
	_ =	sdelay $0x3  }
0x33: {  	p0 =	seq.s32 s10, $0x1;
	s10 =	sld [smem:$0x3FAC];
	_ =	sdelay $0x3  }
0x34: {  	[smem:$0x3FAC] =	sst s10  }
0x35: {  	s10 =	sld [smem:$0x3FAB];
	_ =	sdelay $0x3  }
0x36: {  	p1 =	seq.s32 s10, $0x1;
	s10 =	sld [smem:$0x3FAC];
	_ =	sdelay $0x3  }
0x37: {  	[smem:$0x3FAC] =	sst s10  }
0x38: {  	s10 =	sld [smem:$0x3FAD]  }
0x39: {  	_ = 	snop;
	(pc) =	sbr.ind lr, $3  }
0x3a: {  	_ = 	snop  }
0x3b: {  	_ = 	snop  }
0x3c: {  	p2 =	seq.s32 s10, $0x1;
	s10 =	sld [smem:$0x3FAC]  }
0x3d: {  	_ =	shalt  }
0x3e: {  	_ =	shalt  }
0x3f: {  	_ =	shalt  }
0x40: {  	_ =	shalt  }
0x41: {  	_ =	shalt  }
0x42: {  	_ =	shalt  }
0x43: {  	_ =	shalt  }
0x44: {  	_ =	shalt  }
0x45: {  	_ =	shalt  }
0x46: {  	_ =	shalt  }
0x47: {  	_ =	shalt  }
0x48: {  	_ =	shalt  }
0x49: {  	_ =	shalt  }
0x4a: {  	_ =	shalt  }
0x4b: {  	_ =	shalt  }
0x4c: {  	_ =	shalt  }
0x4d: {  	_ =	shalt  }
0x4e: {  	_ =	shalt  }
0x4f: {  	_ =	shalt  }
0x50: {  	_ =	shalt  }
0x51: {  	_ =	shalt  }
0x52: {  	_ =	shalt  }
0x53: {  	_ =	shalt  }
0x54: {  	_ =	shalt  }
0x55: {  	_ =	shalt  }
0x56: {  	_ =	shalt  }
0x57: {  	_ =	shalt  }
0x58: {  	_ =	shalt  }
0x59: {  	_ =	shalt  }
0x5a: {  	_ =	shalt  }
0x5b: {  	_ =	shalt  }
0x5c: {  	_ =	shalt  }
0x5d: {  	_ =	shalt  }
0x5e: {  	_ =	shalt  }
0x5f: {  	_ =	shalt  }
0x60: {  	_ =	shalt  }
0x61: {  	_ =	shalt  }
0x62: {  	_ =	shalt  }
0x63: {  	_ =	shalt  }
0x64: {  	_ =	shalt  }
0x65: {  	_ =	shalt  }
0x66: {  	_ =	shalt  }
0x67: {  	_ =	shalt  }
0x68: {  	_ =	shalt  }
0x69: {  	_ =	shalt  }
0x6a: {  	_ =	shalt  }
0x6b: {  	_ =	shalt  }
0x6c: {  	_ =	shalt  }
0x6d: {  	_ =	shalt  }
0x6e: {  	_ =	shalt  }
0x6f: {  	_ =	shalt  }
0x70: {  	_ =	shalt  }
0x71: {  	_ =	shalt  }
0x72: {  	_ =	shalt  }
0x73: {  	_ =	shalt  }
0x74: {  	_ =	shalt  }
0x75: {  	_ =	shalt  }
0x76: {  	_ =	shalt  }
0x77: {  	_ =	shalt  }
0x78: {  	_ =	shalt  }
0x79: {  	_ =	shalt  }
0x7a: {  	_ =	shalt  }
0x7b: {  	_ =	shalt  }
0x7c: {  	_ =	shalt  }
0x7d: {  	_ =	shalt  }
0x7e: {  	_ =	shalt  }
0x7f: {  	_ =	shalt  }
0x80: {  	_ =	shalt  }
0x81: {  	_ =	shalt  }
0x82: {  	_ =	shalt  }
0x83: {  	_ =	shalt  }
0x84: {  	_ =	shalt  }
0x85: {  	_ =	shalt  }
0x86: {  	_ =	shalt  }
0x87: {  	_ =	shalt  }
.Lfunc_end0:
.L_simem_size_0:
called_computation.2_lowered:
.L_overlay_start_0:
0x88: {  	s2 =	sld [smem:$0x3FD9]  }
0x89: {  	s3 =	sld [smem:$0x3FFE];
	_ =	sdelay $0x1  }
0x8a: {  	s1 =	srdreg.scid  }
0x8b: {  	s0 =	sand.u32 $0x1, s1  }
0x8c: {  	s17 =	sshll.u32 s0, $0xA;
	s2 =	sadd.s32 s3, s2  }
0x8d: {  	s2 =	sadd.s32 s2, s17  }
0x8e: {  	[smem:$0x3FB8] =	sst s2  }
0x8f: {  	_ = 	snop  }
0x90: {  	s2 =	sld [smem:$0x3FD0];
	(tm) =	ssettm $0x1  }
0x91: {  	s18 =	sld [smem:$0x3FFB];
	_ =	sdelay $0x3  }
0x92: {  	_ =	strace s18  }
0x93: {  	s3 =	sld [smem:$0x3FFC];
	_ =	sdelay $0x3  }
0x94: {  	_ =	strace s3  }
0x95: {  	s3 =	sld [smem:$0x3FFD];
	_ =	sdelay $0x3  }
0x96: {  	_ =	strace s3  }
0x97: {  	_ =	strace $0x8FFFFFFF  }
0x98: {  	s19 =	sld [smem:$0x3FDB];
	_ =	sdelay $0x1  }
0x99: {  	s4 =	simm.s32 $_scs_section_size  }
0x9a: {  	s5 =	simm.s32 $_size__tile_overlayer_lowered;
	s6 =	simm.s32 $_tile_overlayer_lowered  }
0x9b: {  	s22 =	simm.s32 $0x1BFF;
	s21 =	sshll.u32 s6, $0x1;
	s3 =	sadd.s32 s4, s19  }
0x9c: {  	s7 =	simm.s32 $0x0;
	s20 =	sshll.u32 s5, $0x1;
	s5 =	sadd.s32 s21, s3  }
0x9d: {  	[timem:s7], [sflag:s22] =	dma.local [hbm:s5], s20  }
0x9e: {  	_ =	swait.ge [sflag:s22], s20  }
0x9f: {  	s4 =	ssub.s32 $0x0, s20;
	[sflag:s22] =	ssyncset.done $0x0  }
0xa0: {  	[sflag:s22] =	ssyncadd.s32 s4;
	_ =	sdelay $0x1  }
0xa1: {  	s23 =	simm.s32 $0x1B8B  }
0xa2: {  	_ =	swait.ge [sflag:s23], $0x1  }
0xa3: {  	[sflag:s23] =	ssyncset.done $0x0  }
0xa4: {  	s25 =	simm.s32 $0x1B8E;
	s24 =	sld [smem:$0x3FFE];
	[sflag:s23] =	ssyncadd.s32 $0xFFFFFFFF  }
0xa5: {  	s26 =	simm.s32 $execute0_lowered;
	[smem:$0x3FD2] =	sst s25  }
0xa6: {  	s5 =	sshll.u32 s26, $0x1;
	_ =	strace $0x8000004C;
	[dreg:$0x1] =	wrdreg $0xFFFFFFFF  }
0xa7: {  	s28 =	simm.s32 $_size_execute0_lowered;
	s3 =	sadd.s32 s3, s5;
	[dreg:$0x0] =	wrdreg $0x0  }
0xa8: {  	s5 =	sshll.u32 s28, $0x1;
	[dreg:$0x2] =	wrdreg s3  }
0xa9: {  	[dreg:$0x3] =	wrdreg s5  }
0xaa: {  	[dreg:$0x4] =	wrdreg $0xC0  }
0xab: {  	_ =	task [dreg:s7], $0x5FFFF  }
0xac: {  	[dreg:$0x1] =	wrdreg $0xFFFFFFFF  }
0xad: {  	[dreg:$0x0] =	wrdreg $0x60  }
0xae: {  	[dreg:$0x2] =	wrdreg s24  }
0xaf: {  	[dreg:$0x3] =	wrdreg s2  }
0xb0: {  	[dreg:$0x4] =	wrdreg $0x90800  }
0xb1: {  	[dreg:$0x5] =	wrdreg $0x1D0800  }
0xb2: {  	[dreg:$0x6] =	wrdreg $0x9  }
0xb3: {  	_ =	task.clear_ibuf [dreg:s7], $0x7FFFF;
	_ =	strace $0x9000004C  }
0xb4: {  	s29 =	simm.s32 $0x9;
	_ =	strace $0x8000004E  }
0xb5: {  	_ =	swait.ge [sflag:s29], $0x1  }
0xb6: {  	[sflag:s29] =	ssyncadd.s32 $0xFFFFFFFF  }
0xb7: {  	_ =	strace $0x9000004E  }
0xb8: {  	_ =	sfence  }
0xb9: {  	s30 =	sld [smem:$0x0];
	_ =	sdelay $0x2  }
0xba: {  	s31 =	sshll.u32 s1, $0xD;
	s1 =	sshrl.u32 s1, $0x2  }
0xbb: {  	s3 =	sand.u32 $0x4000, s31;
	s1 =	sadd.s32 s1, s30  }
0xbc: {  	s0 =	sor.u32 s3, s0;
	s1 =	sshll.u32 s1, $0x11  }
0xbd: {  	s0 =	sor.u32 s1, s0  }
0xbe: {  	s0 =	sadd.s32 $0x8F2B, s0  }
0xbf: {  	[sflag:s0] =	ssyncadd.remote.s32 $0x1  }
0xc0: {  	_ =	sfence.sel $0xFFFF  }
0xc1: {  	[dreg:$0x0] =	wrdreg $0xFFFFFFFF;
	(pc) =	sbr.abs _section_cstart, $3  }
0xc2: {  	[dreg:$0x1] =	wrdreg $0xFFFFFFFF  }
0xc3: {  	_ =	task.clear_ibuf [dreg:s7], $0x2FFFF;
	_ =	strace $0x9FFFFFFF  }
0xc4: {  	(tm) =	ssettm $0x7FFFFFFF  }
0xc5: {  	_ =	shalt  }
tec
execute0_lowered:
.L_overlay_start_1:
0x0: {  	(tag) =	ssettag $0x1  }
0x1: {  	s4 =	srdreg.scid  }
0x2: {  	s0 =	rddreg [dreg:$0x0];
	s5 =	sand.u32 $0x1, s4  }
0x3: {  	s1 =	rddreg [dreg:$0x1];
	s6 =	smul.u32 $0x27100, s5  }
0x4: {  	s2 =	rddreg [dreg:$0x2];
	s4 =	simm.s32 $0x0;
	s7 =	smul.u32 $0x28000, s5  }
0x5: {  	s9 =	ssub.s32 $0x2, s5;
	s10 =	sshll.u32 s5, $0x4;
	s5 =	stileid.u32  }
0x6: {  	[smem:$0x7FF] =	sst s4;
	s17 =	smul.u32 $0x5, s5  }
0x7: {  	s3 =	rddreg [dreg:$0x3];
	_ =	strace $0x8000004D;
	s12 =	smul.u32 $0x50000, s5  }
0x8: {  	s11 =	sshrl.u32 s9, $0x1;
	s10 =	sadd.s32 s10, s0;
	s13 =	smul.u32 $0x2800, s5  }
0x9: {  	s8 =	sadd.s32 s6, s0;
	s6 =	sadd.s32 $0x1E00, s0;
	s7 =	sadd.s32 s7, s0  }
0xa: {  	s9 =	ssub.s32 s9, s11;
	s10 =	sadd.s32 $0x55C00, s10;
	s7 =	sadd.s32 $0x56600, s7  }
0xb: {  	s14 =	sadd.s32 $0x1, s17;
	s15 =	sadd.s32 $0x2, s17;
	s16 =	sadd.s32 $0x3, s17  }
0xc: {  	s11 =	sadd.s32 $0x4, s17;
	s17 =	smul.u32 $0xA0, s5;
	s18 =	sshll.u32 s14, $0xB  }
0xd: {  	s19 =	sshll.u32 s14, $0x5;
	s20 =	sshll.u32 s15, $0xB;
	s21 =	sshll.u32 s15, $0x5  }
0xe: {  	s22 =	sshll.u32 s16, $0xB;
	s23 =	sshll.u32 s16, $0x5;
	s13 =	sadd.s32 s13, s7  }
0xf: {  	s24 =	sshll.u32 s11, $0xB;
	[dreg:$0x5] =	wrdreg s13;
	s18 =	sadd.s32 s18, s7  }
0x10: {  	s26 =	sshll.u32 s11, $0x5;
	s20 =	sadd.s32 s20, s7;
	[dreg:$0x6] =	wrdreg s18  }
0x11: {  	s25 =	sadd.s32 s22, s7;
	s7 =	sadd.s32 s24, s7;
	[dreg:$0x7] =	wrdreg s20  }
0x12: {  	s22 =	sadd.s32 s21, s10;
	s23 =	sadd.s32 s23, s10;
	[dreg:$0x8] =	wrdreg s25  }
0x13: {  	s24 =	sadd.s32 $0x55000, s0;
	s0 =	sadd.s32 $0x55600, s0;
	[dreg:$0x9] =	wrdreg s7  }
0x14: {  	s21 =	smax.u32 s9, $0x1;
	s13 =	sshll.u32 s15, $0xE;
	[dreg:$0xc] =	wrdreg s22  }
0x15: {  	s18 =	sadd.s32 s17, s10;
	s20 =	sadd.s32 s19, s10;
	[dreg:$0xd] =	wrdreg s23  }
0x16: {  	s7 =	sadd.s32 s26, s10;
	[dreg:$0xf] =	wrdreg s24;
	s25 =	sshrl.u32 s12, $0x2  }
0x17: {  	s26 =	smul.u32 $0xA00, s5;
	[dreg:$0x10] =	wrdreg s0;
	s19 =	sadd.s32 $0x6E00, s8  }
0x18: {  	s10 =	sshll.u32 s14, $0xE;
	s12 =	sshll.u32 s14, $0x7;
	s14 =	sshll.u32 s15, $0x7  }
0x19: {  	s15 =	sshll.u32 s16, $0xE;
	s16 =	sshll.u32 s16, $0x7;
	[dreg:$0xa] =	wrdreg s18  }
0x1a: {  	s17 =	sshll.u32 s11, $0xE;
	s0 =	simm.s32 $0x5080;
	[dreg:$0xb] =	wrdreg s20  }
0x1b: {  	s8 =	simm.s32 $0x5000;
	[dreg:$0xe] =	wrdreg s7;
	s20 =	sadd.s32 s25, s2  }
0x1c: {  	s23 =	sadd.s32 s10, s2;
	s24 =	sadd.s32 s12, s3;
	s25 =	sadd.s32 s13, s2  }
.Ltmp0:
0x1d: {  	s28 =	sadd.s32 s15, s2;
	s29 =	sadd.s32 s16, s3;
	(pc) =	sbr.rel .LBB2_1-.Ltmp0, $4  }
0x1e: {  	s30 =	sadd.s32 s17, s2;
	s18 =	sshll.u32 s11, $0x7;
	s7 =	simm.s32 $0x1  }
0x1f: {  	s10 =	simm.s32 $0x4F00;
	s11 =	simm.s32 $0x2;
	s12 =	simm.s32 $0x4F80  }
0x20: {  	s13 =	simm.s32 $0x80;
	s9 =	sshrl.u32 s26, $0x2;
	s26 =	sadd.s32 s14, s3  }
0x21: {  	v0 =	vimm.f32 $0.0e+00;
	s31 =	sadd.s32 s18, s3;
	s22 =	sadd.s32 s9, s3;
	s9 =	simm.s32 $0x2780  }
.LBB2_9:
0x22: {  	s14 =	sshll.u32 s5, $0x6;
	[bflag:$0x0] =	sbarrier.arrive $0xFFFF  }
0x23: {  	s15 =	sshrl.u32 s20, $0x3;
	s14 =	sor.u32 $0x1C01, s14;
	s16 =	rddreg [dreg:$0x5]  }
0x24: {  	[hbm:s16], [sflag:s14] =	dma.local [spmem:s15], $0x800  }
0x25: {  	_ =	swait.ge [sflag:s7], $0x800  }
0x26: {  	[sflag:s7] =	ssyncset.done $0x0  }
0x27: {  	s17 =	sshrl.u32 s22, $0x3;
	s18 =	rddreg [dreg:$0xa];
	[sflag:s7] =	ssyncadd.s32 $0xFFFFF800  }
0x28: {  	[hbm:s18], [sflag:s14] =	dma.local [spmem:s17], $0x10  }
0x29: {  	_ =	swait.ge [sflag:s7], $0x10  }
0x2a: {  	[sflag:s7] =	ssyncset.done $0x0  }
0x2b: {  	s17 =	sshrl.u32 s23, $0x3;
	s18 =	rddreg [dreg:$0x6];
	[sflag:s7] =	ssyncadd.s32 $0xFFFFFFF0  }
0x2c: {  	[hbm:s18], [sflag:s14] =	dma.local [spmem:s17], $0x800  }
0x2d: {  	_ =	swait.ge [sflag:s7], $0x800  }
0x2e: {  	[sflag:s7] =	ssyncset.done $0x0  }
0x2f: {  	s17 =	sshrl.u32 s24, $0x3;
	s18 =	rddreg [dreg:$0xb];
	[sflag:s7] =	ssyncadd.s32 $0xFFFFF800  }
0x30: {  	[hbm:s18], [sflag:s14] =	dma.local [spmem:s17], $0x10  }
0x31: {  	_ =	swait.ge [sflag:s7], $0x10  }
0x32: {  	[sflag:s7] =	ssyncset.done $0x0  }
0x33: {  	s17 =	sshrl.u32 s25, $0x3;
	s18 =	rddreg [dreg:$0x7];
	[sflag:s7] =	ssyncadd.s32 $0xFFFFFFF0  }
0x34: {  	[hbm:s18], [sflag:s14] =	dma.local [spmem:s17], $0x800  }
0x35: {  	_ =	swait.ge [sflag:s7], $0x800  }
0x36: {  	[sflag:s7] =	ssyncset.done $0x0  }
0x37: {  	s17 =	sshrl.u32 s26, $0x3;
	s18 =	rddreg [dreg:$0xc];
	[sflag:s7] =	ssyncadd.s32 $0xFFFFF800  }
0x38: {  	[hbm:s18], [sflag:s14] =	dma.local [spmem:s17], $0x10  }
0x39: {  	_ =	swait.ge [sflag:s7], $0x10  }
0x3a: {  	[sflag:s7] =	ssyncset.done $0x0  }
0x3b: {  	s17 =	sshrl.u32 s28, $0x3;
	s18 =	rddreg [dreg:$0x8];
	[sflag:s7] =	ssyncadd.s32 $0xFFFFFFF0  }
0x3c: {  	[hbm:s18], [sflag:s14] =	dma.local [spmem:s17], $0x800  }
0x3d: {  	_ =	swait.ge [sflag:s7], $0x800  }
0x3e: {  	[sflag:s7] =	ssyncset.done $0x0  }
0x3f: {  	s17 =	sshrl.u32 s29, $0x3;
	s18 =	rddreg [dreg:$0xd];
	[sflag:s7] =	ssyncadd.s32 $0xFFFFF800  }
0x40: {  	[hbm:s18], [sflag:s14] =	dma.local [spmem:s17], $0x10  }
0x41: {  	_ =	swait.ge [sflag:s7], $0x10  }
0x42: {  	[sflag:s7] =	ssyncset.done $0x0  }
0x43: {  	s17 =	sshrl.u32 s30, $0x3;
	s18 =	rddreg [dreg:$0x9];
	[sflag:s7] =	ssyncadd.s32 $0xFFFFFFF0  }
0x44: {  	[hbm:s18], [sflag:s14] =	dma.local [spmem:s17], $0x800  }
0x45: {  	s4 =	sadd.s32 $0x1, s4;
	_ =	swait.ge [sflag:s7], $0x800  }
0x46: {  	p0 =	sne.s32 s4, s21;
	s17 =	sshrl.u32 s31, $0x3;
	[sflag:s7] =	ssyncset.done $0x0  }
.Ltmp1:
0x47: {  	s18 =	rddreg [dreg:$0xe];
	[sflag:s7] =	ssyncadd.s32 $0xFFFFF800;
	(pc) =	sbr.rel @!p0 .LBB2_10-.Ltmp1, $4  }
0x48: {  	[hbm:s18], [sflag:s14] =	dma.local [spmem:s17], $0x10  }
0x49: {  	_ =	swait.ge [sflag:s7], $0x10  }
0x4a: {  	[sflag:s7] =	ssyncset.done $0x0  }
0x4b: {  	[sflag:s7] =	ssyncadd.s32 $0xFFFFFFF0  }
.LBB2_1:
0x4c: {  	s14 =	simm.s32 $0x0;
	s15 =	simm.s32 $0x200  }
.LBB2_2:
0x4d: {  	p0 =	sne.s32 s15, $0xFE00;
	[tilespmem:s14+$0x50F0] =	vst v0  }
0x4e: {  	[tilespmem:s14+$0x5080] =	vst v0  }
0x4f: {  	[tilespmem:s14+$0x5090] =	vst v0  }
.Ltmp2:
0x50: {  	[tilespmem:s14+$0x50A0] =	vst v0;
	(pc) =	sbr.rel @p0 .LBB2_2-.Ltmp2, $4  }
0x51: {  	[tilespmem:s14+$0x50B0] =	vst v0  }
0x52: {  	[tilespmem:s14+$0x50C0] =	vst v0  }
0x53: {  	[tilespmem:s14+$0x50D0] =	vst v0  }
0x54: {  	[tilespmem:s14+$0x50E0] =	vst v0;
	s14 =	sshra.s32 s15, $0x2;
	s15 =	sadd.s32 $0x200, s15  }
0x55: {  	[tilespmem:s14+$0x50F0] =	vst v0  }
0x56: {  	[tilespmem:s14+$0x5080] =	vst v0  }
0x57: {  	[tilespmem:s14+$0x5090] =	vst v0  }
0x58: {  	[tilespmem:s14+$0x50A0] =	vst v0  }
0x59: {  	[tilespmem:s14+$0x50B0] =	vst v0  }
0x5a: {  	[tilespmem:s14+$0x50C0] =	vst v0  }
0x5b: {  	[tilespmem:s14+$0x50D0] =	vst v0  }
0x5c: {  	[tilespmem:s14+$0x50E0] =	vst v0  }
0x5d: {  	[tilespmem:$0x5000] =	vst v0  }
0x5e: {  	[tilespmem:$0x5010] =	vst v0  }
0x5f: {  	[tilespmem:$0x5020] =	vst v0  }
0x60: {  	[tilespmem:$0x5030] =	vst v0  }
0x61: {  	[tilespmem:$0x5040] =	vst v0  }
0x62: {  	[tilespmem:$0x5050] =	vst v0  }
0x63: {  	[tilespmem:$0x5060] =	vst v0  }
0x64: {  	[tilespmem:$0x5070] =	vst v0  }
0x65: {  	[spmem:s20] =	stream.linear.scatter [tilespmem:s0], [sflag:$0x1], $0x4000, $0x38;
	[tilespmem:$0x1D300] =	vst v63  }
0x66: {  	_ =	swait.ge [sflag:s7], $0x4000  }
0x67: {  	[sflag:s7] =	ssyncset.done $0x0  }
0x68: {  	[sflag:s7] =	ssyncadd.s32 $0xFFFFC000  }
0x69: {  	[spmem:s22] =	stream.linear.scatter [tilespmem:s8], [sflag:$0x1], $0x80, $0x38;
	[tilespmem:$0x1D300] =	vst v63  }
0x6a: {  	_ =	swait.ge [sflag:s7], $0x80  }
0x6b: {  	[sflag:s7] =	ssyncset.done $0x0  }
0x6c: {  	[sflag:s7] =	ssyncadd.s32 $0xFFFFFF80  }
0x6d: {  	[spmem:s23] =	stream.linear.scatter [tilespmem:s0], [sflag:$0x1], $0x4000, $0x38;
	[tilespmem:$0x1D300] =	vst v63  }
0x6e: {  	_ =	swait.ge [sflag:s7], $0x4000  }
0x6f: {  	[sflag:s7] =	ssyncset.done $0x0  }
0x70: {  	[sflag:s7] =	ssyncadd.s32 $0xFFFFC000  }
0x71: {  	[spmem:s24] =	stream.linear.scatter [tilespmem:s8], [sflag:$0x1], $0x80, $0x38;
	[tilespmem:$0x1D300] =	vst v63  }
0x72: {  	_ =	swait.ge [sflag:s7], $0x80  }
0x73: {  	[sflag:s7] =	ssyncset.done $0x0  }
0x74: {  	[sflag:s7] =	ssyncadd.s32 $0xFFFFFF80  }
0x75: {  	[spmem:s25] =	stream.linear.scatter [tilespmem:s0], [sflag:$0x1], $0x4000, $0x38;
	[tilespmem:$0x1D300] =	vst v63  }
0x76: {  	_ =	swait.ge [sflag:s7], $0x4000  }
0x77: {  	[sflag:s7] =	ssyncset.done $0x0  }
0x78: {  	[sflag:s7] =	ssyncadd.s32 $0xFFFFC000  }
0x79: {  	[spmem:s26] =	stream.linear.scatter [tilespmem:s8], [sflag:$0x1], $0x80, $0x38;
	[tilespmem:$0x1D300] =	vst v63  }
0x7a: {  	_ =	swait.ge [sflag:s7], $0x80  }
0x7b: {  	[sflag:s7] =	ssyncset.done $0x0  }
0x7c: {  	[sflag:s7] =	ssyncadd.s32 $0xFFFFFF80  }
0x7d: {  	[spmem:s28] =	stream.linear.scatter [tilespmem:s0], [sflag:$0x1], $0x4000, $0x38;
	[tilespmem:$0x1D300] =	vst v63  }
0x7e: {  	_ =	swait.ge [sflag:s7], $0x4000  }
0x7f: {  	[sflag:s7] =	ssyncset.done $0x0  }
0x80: {  	[sflag:s7] =	ssyncadd.s32 $0xFFFFC000  }
0x81: {  	[spmem:s29] =	stream.linear.scatter [tilespmem:s8], [sflag:$0x1], $0x80, $0x38;
	[tilespmem:$0x1D300] =	vst v63  }
0x82: {  	_ =	swait.ge [sflag:s7], $0x80  }
0x83: {  	[sflag:s7] =	ssyncset.done $0x0  }
0x84: {  	[sflag:s7] =	ssyncadd.s32 $0xFFFFFF80  }
0x85: {  	[spmem:s30] =	stream.linear.scatter [tilespmem:s0], [sflag:$0x1], $0x4000, $0x38;
	[tilespmem:$0x1D300] =	vst v63  }
0x86: {  	_ =	swait.ge [sflag:s7], $0x4000  }
0x87: {  	[sflag:s7] =	ssyncset.done $0x0  }
0x88: {  	[sflag:s7] =	ssyncadd.s32 $0xFFFFC000  }
0x89: {  	[spmem:s31] =	stream.linear.scatter [tilespmem:s8], [sflag:$0x1], $0x80, $0x38;
	[tilespmem:$0x1D300] =	vst v63  }
0x8a: {  	_ =	swait.ge [sflag:s7], $0x80  }
0x8b: {  	[sflag:s7] =	ssyncset.done $0x0  }
0x8c: {  	s14 =	simm.s32 $0x0;
	s15 =	rddreg [dreg:$0xf];
	[sflag:s7] =	ssyncadd.s32 $0xFFFFFF80  }
0x8d: {  	[tilespmem:s14], [sflag:$0x1] =	stream.linear.gather [hbm4b:s15+s14], $0x2780, $0x38;
	[tilespmem:$0x1D300] =	vst v63  }
0x8e: {  	_ =	swait.ge [sflag:s7], $0x2780  }
0x8f: {  	[sflag:s7] =	ssyncset.done $0x0  }
0x90: {  	s18 =	rddreg [dreg:$0x10];
	[sflag:s7] =	ssyncadd.s32 $0xFFFFD880  }
0x91: {  	[tilespmem:s9], [sflag:$0x1] =	stream.linear.gather [hbm4b:s18+s14], $0x2780, $0x38;
	[tilespmem:$0x1D300] =	vst v63  }
.Ltmp3:
0x92: {  	_ =	swait.ge [sflag:s7], $0x2780;
	(pc) =	sbr.rel .LBB2_4-.Ltmp3, $3  }
0x93: {  	[sflag:s7] =	ssyncset.done $0x0  }
0x94: {  	[sflag:s7] =	ssyncadd.s32 $0xFFFFD880  }
0x95: {  	[bflag:$0x0] =	sbarrier.arrive $0xFFFF;
	_ =	sdelay $0x1  }
.LBB2_8:
0x96: {  	s14 =	sadd.s32 $0x1, s14  }
0x97: {  	p0 =	sne.s32 s14, $0x4F  }
.Ltmp4:
0x98: {  	_ = 	snop;
	(pc) =	sbr.rel @!p0 .LBB2_9-.Ltmp4, $1  }
0x99: {  	_ =	sdelay $0x3  }
.LBB2_4:
0x9a: {  	s15 =	sshll.u32 s14, $0x4  }
0x9b: {  	s15 =	sor.u32 s5, s15  }
0x9c: {  	p0 =	sgt.u32 s15, $0x4E1  }
.Ltmp5:
0x9d: {  	_ = 	snop;
	(pc) =	sbr.rel @p0 .LBB2_8-.Ltmp5, $1  }
0x9e: {  	_ =	sdelay $0x3  }
0x9f: {  	s16 =	sshll.u32 s15, $0x4  }
0xa0: {  	s18 =	simm.s32 $0x0;
	s17 =	sadd.s32 s6, s16  }
0xa1: {  	[tilespmem:s10], [sflag:$0x2] =	stream.linear.gather [hbm4b:s17+s18], $0x80, $0x38;
	[tilespmem:$0x1D300] =	vst v63  }
0xa2: {  	_ =	swait.ge [sflag:s11], $0x80  }
0xa3: {  	[sflag:s11] =	ssyncset.done $0x0  }
0xa4: {  	s16 =	sadd.s32 s1, s16;
	[sflag:s11] =	ssyncadd.s32 $0xFFFFFF80  }
0xa5: {  	[tilespmem:s12], [sflag:$0x2] =	stream.linear.gather [hbm4b:s16+s18], $0x80, $0x38;
	[tilespmem:$0x1D300] =	vst v63  }
0xa6: {  	_ =	swait.ge [sflag:s11], $0x80  }
0xa7: {  	[sflag:s11] =	ssyncset.done $0x0  }
0xa8: {  	[sflag:s11] =	ssyncadd.s32 $0xFFFFFF80  }
0xa9: {  	v1 =	vld [tilespmem:$0x4F00]  }
0xaa: {  	v2 =	vld [tilespmem:$0x4F80];
	_ =	sdelay $0x6  }
0xab: {  	v1 =	vld.idx.msk [tilespmem:v1+s18+$0x0], $0xffff  }
0xac: {  	v2 =	vld.idx.msk [tilespmem:v2+s9+$0x0], $0xffff;
	_ =	sdelay $0x4  }
0xad: {  	v1 =	vadd.f32 v2, v1;
	_ =	sdelay $0x1  }
0xae: {  	v2 =	vmul.f32 $2.000000030e-01, v1;
	_ =	sdelay $0x1  }
0xaf: {  	v1 =	vmax.f32 v1, v2  }
0xb0: {  	v1 =	vmul.f32 $1.442695020e+00, v1;
	_ =	sdelay $0x1  }
0xb1: {  	(erf) = vpow2.f32 v1;
	_ =	sdelay $0x2  }
0xb2: {  	v1 =	vld [tilespmem:$0x4F10]  }
0xb3: {  	v2 =	vld [tilespmem:$0x4F90];
	_ =	sdelay $0x4  }
0xb4: {  	v3 =	vpop (erf)  }
0xb5: {  	[tilespmem:$0x5000] =	vst v3  }
0xb6: {  	v1 =	vld.idx.msk [tilespmem:v1+s18+$0x0], $0xffff  }
0xb7: {  	v2 =	vld.idx.msk [tilespmem:v2+s9+$0x0], $0xffff;
	_ =	sdelay $0x4  }
0xb8: {  	v1 =	vadd.f32 v2, v1;
	_ =	sdelay $0x1  }
0xb9: {  	v2 =	vmul.f32 $2.000000030e-01, v1;
	_ =	sdelay $0x1  }
0xba: {  	v1 =	vmax.f32 v1, v2  }
0xbb: {  	v1 =	vmul.f32 $1.442695020e+00, v1;
	_ =	sdelay $0x1  }
0xbc: {  	(erf) = vpow2.f32 v1;
	_ =	sdelay $0x2  }
0xbd: {  	v1 =	vld [tilespmem:$0x4F20]  }
0xbe: {  	v2 =	vld [tilespmem:$0x4FA0];
	_ =	sdelay $0x4  }
0xbf: {  	v3 =	vpop (erf)  }
0xc0: {  	[tilespmem:$0x5010] =	vst v3  }
0xc1: {  	v1 =	vld.idx.msk [tilespmem:v1+s18+$0x0], $0xffff  }
0xc2: {  	v2 =	vld.idx.msk [tilespmem:v2+s9+$0x0], $0xffff;
	_ =	sdelay $0x4  }
0xc3: {  	v1 =	vadd.f32 v2, v1;
	_ =	sdelay $0x1  }
0xc4: {  	v2 =	vmul.f32 $2.000000030e-01, v1;
	_ =	sdelay $0x1  }
0xc5: {  	v1 =	vmax.f32 v1, v2  }
0xc6: {  	v1 =	vmul.f32 $1.442695020e+00, v1;
	_ =	sdelay $0x1  }
0xc7: {  	(erf) = vpow2.f32 v1;
	_ =	sdelay $0x2  }
0xc8: {  	v1 =	vld [tilespmem:$0x4F30]  }
0xc9: {  	v2 =	vld [tilespmem:$0x4FB0];
	_ =	sdelay $0x4  }
0xca: {  	v3 =	vpop (erf)  }
0xcb: {  	[tilespmem:$0x5020] =	vst v3  }
0xcc: {  	v1 =	vld.idx.msk [tilespmem:v1+s18+$0x0], $0xffff  }
0xcd: {  	v2 =	vld.idx.msk [tilespmem:v2+s9+$0x0], $0xffff;
	_ =	sdelay $0x4  }
0xce: {  	v1 =	vadd.f32 v2, v1;
	_ =	sdelay $0x1  }
0xcf: {  	v2 =	vmul.f32 $2.000000030e-01, v1;
	_ =	sdelay $0x1  }
0xd0: {  	v1 =	vmax.f32 v1, v2  }
0xd1: {  	v1 =	vmul.f32 $1.442695020e+00, v1;
	_ =	sdelay $0x1  }
0xd2: {  	(erf) = vpow2.f32 v1;
	_ =	sdelay $0x2  }
0xd3: {  	v1 =	vld [tilespmem:$0x4F40]  }
0xd4: {  	v2 =	vld [tilespmem:$0x4FC0];
	_ =	sdelay $0x4  }
0xd5: {  	v3 =	vpop (erf)  }
0xd6: {  	[tilespmem:$0x5030] =	vst v3  }
0xd7: {  	v1 =	vld.idx.msk [tilespmem:v1+s18+$0x0], $0xffff  }
0xd8: {  	v2 =	vld.idx.msk [tilespmem:v2+s9+$0x0], $0xffff;
	_ =	sdelay $0x4  }
0xd9: {  	v1 =	vadd.f32 v2, v1;
	_ =	sdelay $0x1  }
0xda: {  	v2 =	vmul.f32 $2.000000030e-01, v1;
	_ =	sdelay $0x1  }
0xdb: {  	v1 =	vmax.f32 v1, v2  }
0xdc: {  	v1 =	vmul.f32 $1.442695020e+00, v1;
	_ =	sdelay $0x1  }
0xdd: {  	(erf) = vpow2.f32 v1;
	_ =	sdelay $0x2  }
0xde: {  	v1 =	vld [tilespmem:$0x4F50]  }
0xdf: {  	v2 =	vld [tilespmem:$0x4FD0];
	_ =	sdelay $0x4  }
0xe0: {  	v3 =	vpop (erf)  }
0xe1: {  	[tilespmem:$0x5040] =	vst v3  }
0xe2: {  	v1 =	vld.idx.msk [tilespmem:v1+s18+$0x0], $0xffff  }
0xe3: {  	v2 =	vld.idx.msk [tilespmem:v2+s9+$0x0], $0xffff;
	_ =	sdelay $0x4  }
0xe4: {  	v1 =	vadd.f32 v2, v1;
	_ =	sdelay $0x1  }
0xe5: {  	v2 =	vmul.f32 $2.000000030e-01, v1;
	_ =	sdelay $0x1  }
0xe6: {  	v1 =	vmax.f32 v1, v2  }
0xe7: {  	v1 =	vmul.f32 $1.442695020e+00, v1;
	_ =	sdelay $0x1  }
0xe8: {  	(erf) = vpow2.f32 v1;
	_ =	sdelay $0x2  }
0xe9: {  	v1 =	vld [tilespmem:$0x4F60]  }
0xea: {  	v2 =	vld [tilespmem:$0x4FE0];
	_ =	sdelay $0x4  }
0xeb: {  	v3 =	vpop (erf)  }
0xec: {  	[tilespmem:$0x5050] =	vst v3  }
0xed: {  	v1 =	vld.idx.msk [tilespmem:v1+s18+$0x0], $0xffff  }
0xee: {  	v2 =	vld.idx.msk [tilespmem:v2+s9+$0x0], $0xffff;
	_ =	sdelay $0x4  }
0xef: {  	v1 =	vadd.f32 v2, v1;
	_ =	sdelay $0x1  }
0xf0: {  	v2 =	vmul.f32 $2.000000030e-01, v1;
	_ =	sdelay $0x1  }
0xf1: {  	v1 =	vmax.f32 v1, v2  }
0xf2: {  	v1 =	vmul.f32 $1.442695020e+00, v1;
	_ =	sdelay $0x1  }
0xf3: {  	(erf) = vpow2.f32 v1;
	_ =	sdelay $0x2  }
0xf4: {  	v1 =	vld [tilespmem:$0x4F70]  }
0xf5: {  	v2 =	vld [tilespmem:$0x4FF0];
	_ =	sdelay $0x4  }
0xf6: {  	v3 =	vpop (erf)  }
0xf7: {  	[tilespmem:$0x5060] =	vst v3  }
0xf8: {  	v1 =	vld.idx.msk [tilespmem:v1+s18+$0x0], $0xffff  }
0xf9: {  	v2 =	vld.idx.msk [tilespmem:v2+s9+$0x0], $0xffff;
	_ =	sdelay $0x4  }
0xfa: {  	v1 =	vadd.f32 v2, v1;
	_ =	sdelay $0x1  }
0xfb: {  	v2 =	vmul.f32 $2.000000030e-01, v1;
	_ =	sdelay $0x1  }
0xfc: {  	v1 =	vmax.f32 v1, v2  }
0xfd: {  	v1 =	vmul.f32 $1.442695020e+00, v1;
	_ =	sdelay $0x1  }
0xfe: {  	(erf) = vpow2.f32 v1;
	_ =	sdelay $0x8  }
0xff: {  	v1 =	vpop (erf)  }
0x100: {  	[tilespmem:$0x5070] =	vst v1  }
0x101: {  	[tilespmem:s0], [sflag:$0x2] =	stream.indirect.gather [hbm4b:s19+s13], $0x80, s10, s13, $0xb8;
	[tilespmem:$0x1D300] =	vst v63  }
0x102: {  	_ =	swait.ge [sflag:s11], $0x4000  }
0x103: {  	v1 =	vmov s18;
	[sflag:s11] =	ssyncset.done $0x0  }
0x104: {  	s15 =	simm.s32 $0x50C0;
	[sflag:s11] =	ssyncadd.s32 $0xFFFFC000  }
0x105: {  	v5 =	vld [tilespmem:s15+$0x30]  }
0x106: {  	v8 =	vld [tilespmem:s15+$0x10]  }
0x107: {  	v6 =	vld [tilespmem:s15+$0xFFFFFFC0]  }
0x108: {  	v2 =	vld.idx.msk [tilespmem:v1+s8+$0x0], $0xffff  }
0x109: {  	v10 =	vld [tilespmem:s15+$0xFFFFFFE0]  }
0x10a: {  	v1 =	vld [tilespmem:s15+$0xFFFFFFF0]  }
0x10b: {  	v3 =	vld [tilespmem:s15+$0x20]  }
0x10c: {  	v4 =	vld [tilespmem:s15+$0xFFFFFFD0]  }
0x10d: {  	v9 =	vmul.f32 v5, v2;
	v5 =	vld [tilespmem:s15+$0x0]  }
0x10e: {  	v7 =	vmul.f32 v6, v2  }
0x10f: {  	s17 =	simm.s32 $0x50C0;
	s16 =	simm.s32 $0x1;
	v6 =	vmul.f32 v10, v2;
	v8 =	vmul.f32 v8, v2  }
.LBB2_6:
0x110: {  	p0 =	sne.s32 s16, $0x7F  }
0x111: {  	v4 =	vmul.f32 v4, v2;
	v3 =	vmul.f32 v3, v2;
	[tilespmem:s15+$0x30] =	vst v9;
	s17 =	sadd.s32 $0x80, s17;
	s18 =	smov.u32 s16;
	s16 =	sadd.s32 $0x1, s16  }
0x112: {  	[tilespmem:s15+$0xFFFFFFC0] =	vst v7;
	v7 =	vmul.f32 v1, v2;
	v2 =	vmul.f32 v5, v2  }
0x113: {  	[tilespmem:s15+$0x10] =	vst v8  }
0x114: {  	v5 =	vmov s18;
	[tilespmem:s15+$0xFFFFFFE0] =	vst v6  }
0x115: {  	v1 =	vld [tilespmem:s17+$0xFFFFFFF0];
	[tilespmem:s15+$0xFFFFFFF0] =	vst v7  }
0x116: {  	v6 =	vld [tilespmem:s17+$0x30];
	[tilespmem:s15+$0x0] =	vst v2  }
0x117: {  	v8 =	vld [tilespmem:s17+$0x10];
	[tilespmem:s15+$0x20] =	vst v3  }
0x118: {  	v7 =	vld [tilespmem:s17+$0xFFFFFFC0];
	[tilespmem:s15+$0xFFFFFFD0] =	vst v4;
	s15 =	smov.u32 s17  }
0x119: {  	v2 =	vld.idx.msk [tilespmem:v5+s8+$0x0], $0xffff  }
0x11a: {  	v10 =	vld [tilespmem:s17+$0xFFFFFFE0]  }
0x11b: {  	v3 =	vld [tilespmem:s17+$0x20]  }
.Ltmp6:
0x11c: {  	v4 =	vld [tilespmem:s17+$0xFFFFFFD0];
	(pc) =	sbr.rel @p0 .LBB2_6-.Ltmp6, $3  }
0x11d: {  	v5 =	vld [tilespmem:s17+$0x0];
	_ =	sdelay $0x1  }
0x11e: {  	v7 =	vmul.f32 v7, v2;
	v9 =	vmul.f32 v6, v2  }
0x11f: {  	v8 =	vmul.f32 v8, v2;
	v6 =	vmul.f32 v10, v2  }
0x120: {  	[tilespmem:s15+$0x30] =	vst v9  }
0x121: {  	[tilespmem:s15+$0xFFFFFFC0] =	vst v7  }
0x122: {  	v1 =	vmul.f32 v1, v2;
	[tilespmem:s15+$0x10] =	vst v8  }
0x123: {  	v3 =	vmul.f32 v3, v2;
	[tilespmem:s15+$0xFFFFFFE0] =	vst v6  }
0x124: {  	v5 =	vmul.f32 v5, v2;
	[tilespmem:s15+$0xFFFFFFF0] =	vst v1  }
0x125: {  	v1 =	vmul.f32 v4, v2;
	[tilespmem:s15+$0x20] =	vst v3  }
0x126: {  	[tilespmem:s15+$0x0] =	vst v5  }
0x127: {  	[tilespmem:s15+$0xFFFFFFD0] =	vst v1  }
0x128: {  	[spmem:s2] =	stream.indirect.scatter.add.f32 [tilespmem:s0], [sflag:$0x2], $0x80, s12, s13, $0xb8;
	[tilespmem:$0x1D300] =	vst v63  }
0x129: {  	_ =	swait.ge [sflag:s11], $0x4000  }
0x12a: {  	[sflag:s11] =	ssyncset.done $0x0  }
.Ltmp7:
0x12b: {  	[sflag:s11] =	ssyncadd.s32 $0xFFFFC000;
	(pc) =	sbr.rel .LBB2_8-.Ltmp7, $4  }
0x12c: {  	[spmem:s3] =	stream.indirect.scatter.add.f32 [tilespmem:s8], [sflag:$0x1], $0x1, s12, s13, $0xb8;
	[tilespmem:$0x1D300] =	vst v63  }
0x12d: {  	_ =	swait.ge [sflag:s7], $0x80  }
0x12e: {  	[sflag:s7] =	ssyncset.done $0x0  }
0x12f: {  	[sflag:s7] =	ssyncadd.s32 $0xFFFFFF80  }
.LBB2_10:
0x130: {  	_ =	sfence.sel $0x180000  }
0x131: {  	[bflag:$0x0] =	sbarrier.arrive $0xFFFF  }
0x132: {  	_ =	strace $0x9000004D  }
0x133: {  	[bflag:$0x2] =	sbarrier.arrive $0xFFFF  }
0x134: {  	p0 =	sne.s32 s5, $0x0;
	s0 =	rddreg [dreg:$0x4]  }
0x135: {  	s0 =	sadd.s32 @!p0 $0x100000, s0  }
0x136: {  	[sflag:s0] =	ssyncadd.tile.s32 @!p0 $0x1;
	_ =	shalt  }
.Lfunc_end2:
_tile_overlayer_lowered:
.L_overlay_start_2:
0x137: {  	(tag) =	ssettag $0x2  }
0x138: {  	s0 =	rddreg [dreg:$0x0];
	s2 =	stileid.u32  }
0x139: {  	s1 =	rddreg [dreg:$0x1];
	p0 =	sne.s32 s2, $0x0  }
0x13a: {  	s3 =	rddreg [dreg:$0x2];
	[bflag:$0x3] =	sbarrier.arrive $0xFFFF;
	s2 =	simm.s32 @!p0 $0x1C01  }
0x13b: {  	[timem:s3], [sflag:s2] =	dma.local @!p0 [hbm:s0], s1  }
0x13c: {  	s0 =	simm.s32 @!p0 $0x1  }
0x13d: {  	_ =	swait.ge @!p0 [sflag:s0], s1  }
0x13e: {  	s1 =	ssub.s32 @!p0 $0x0, s1;
	[sflag:s0] =	ssyncset.done @!p0 $0x0  }
0x13f: {  	[sflag:s0] =	ssyncadd.s32 @!p0 s1  }
0x140: {  	[bflag:$0x3] =	sbarrier.arrive $0xFFFF  }
0x141: {  	_ =	shalt  }

// kernel: kernel.9.cloned.1.call-start
scs
__scs_entry_jumppad:
0x0: {  	(pc) =	sbr.rel $0x88, $3  }
0x1: {  	(tag) =	ssettag $0x0;
	lr =	simm.s32 $0x1  }
0x2: {  	[smem:$0x3F91] =	sst lr;
	_ =	strace $0xD0000000  }
0x3: {  	_ = 	snop  }
0x4: {  	_ = 	snop  }
0x5: {  	_ = 	snop  }
0x6: {  	_ = 	snop  }
0x7: {  	_ = 	snop  }
__scs_overlays_trampoline_lowered:
0x8: {  	[smem:$0x3FA0] =	sst s0  }
0x9: {  	[smem:$0x3FA1] =	sst s1  }
0xa: {  	[smem:$0x3FA2] =	sst s2  }
0xb: {  	[smem:$0x3FA3] =	sst s3  }
0xc: {  	[smem:$0x3FA4] =	sst s4  }
0xd: {  	[smem:$0x3FA5] =	sst s5  }
0xe: {  	[smem:$0x3FA6] =	sst s6  }
0xf: {  	[smem:$0x3FA7] =	sst s7  }
0x10: {  	[smem:$0x3FA8] =	sst s8  }
0x11: {  	[smem:$0x3FA9] =	sst s9;
	s0 =	simm.s32 @!p0 $0x0  }
0x12: {  	s1 =	sld [smem:$0x3F8F];
	s0 =	simm.s32 @p0 $0x1  }
0x13: {  	[smem:$0x3FAA] =	sst s0;
	s0 =	simm.s32 @!p1 $0x0  }
0x14: {  	s2 =	sld [smem:$0x3F8E];
	s0 =	simm.s32 @p1 $0x1  }
0x15: {  	[smem:$0x3FAB] =	sst s0;
	s0 =	simm.s32 @!p2 $0x0  }
0x16: {  	s3 =	sld [smem:$0x3FDB];
	s0 =	simm.s32 @p2 $0x1  }
0x17: {  	s4 =	simm.s32 $0x1BF5;
	[smem:$0x3FAD] =	sst s0  }
0x18: {  	s0 =	sld [smem:$0x3F90];
	_ =	swait.ge [sflag:s4], $0x0  }
0x19: {  	s7 =	sld [smem:$0x3F91]  }
0x1a: {  	s8 =	sadd.s32 $0xFFFFE003, lr  }
0x1b: {  	s9 =	sadd.s32 $0xFFFFFEF7, lr;
	s5 =	simm.s32 $0xFFFFFFFF;
	p2 =	slt.u32 s8, $0xFFFFF086  }
0x1c: {  	p1 =	slt.u32 s9, $0xF7A;
	s5 =	simm.s32 @!p2 $0x0  }
0x1d: {  	s5 =	simm.s32 @p1 $0x1;
	p0 =	seq.s32 s7, s2  }
0x1e: {  	s7 =	smul.u32 @!p0 $0xF7A, s2;
	p2 =	seq.s32 @!p0 s5, $0x0  }
0x1f: {  	s9 =	smul.u32 $0xF7A, s1;
	s8 =	simm.s32 @!p0 $0x1BF5;
	p2 =	por !p2, p0  }
0x20: {  	[sflag:s8] =	ssyncset.s32 @!p0 $0xFFFFF086;
	s6 =	sadd.s32 @!p0 s3, s7;
	s7 =	simm.s32 @!p0 $0x108  }
0x21: {  	s3 =	sadd.s32 s3, s9;
	s6 =	sadd.s32 @!p0 $0x88, s6;
	s7 =	simm.s32 @p2 $0x1082  }
0x22: {  	[simem:s7], [sflag:s8] =	dma.local @!p0 [hbm:s6], $0xF7A  }
0x23: {  	s9 =	sor.u32 $0xD0000000, s2;
	s6 =	simm.s32 $0x108;
	_ =	swait.ge @!p0 [sflag:s8], $0x0  }
0x24: {  	s3 =	sadd.s32 $0x88, s3;
	s6 =	simm.s32 @!p1 $0x1082;
	[sflag:s4] =	ssyncset.s32 $0xFFFFF086  }
0x25: {  	[simem:s6], [sflag:s4] =	dma.local [hbm:s3], $0xF7A  }
0x26: {  	[smem:$0x3F91] =	sst s1;
	(tag) =	ssettag s2;
	_ =	strace s9  }
0x27: {  	s1 =	sld [smem:$0x3FA1]  }
0x28: {  	s2 =	sld [smem:$0x3FA2]  }
0x29: {  	s4 =	sld [smem:$0x3FA4]  }
0x2a: {  	p0 =	seq.s32 s5, $0x0;
	s5 =	sld [smem:$0x3FA5]  }
0x2b: {  	s6 =	sld [smem:$0x3FA6]  }
0x2c: {  	s7 =	sld [smem:$0x3FA7]  }
0x2d: {  	s3 =	simm.s32 $0x108;
	s8 =	sld [smem:$0x3FA8]  }
0x2e: {  	s3 =	simm.s32 @!p0 $0x1082;
	s9 =	sld [smem:$0x3FA9]  }
0x2f: {  	lr =	sadd.s32 s0, s3;
	s0 =	sld [smem:$0x3FA0]  }
0x30: {  	s3 =	sld [smem:$0x3FA3]  }
0x31: {  	[smem:$0x3FAC] =	sst s10  }
0x32: {  	s10 =	sld [smem:$0x3FAA];
	_ =	sdelay $0x3  }
0x33: {  	p0 =	seq.s32 s10, $0x1;
	s10 =	sld [smem:$0x3FAC];
	_ =	sdelay $0x3  }
0x34: {  	[smem:$0x3FAC] =	sst s10  }
0x35: {  	s10 =	sld [smem:$0x3FAB];
	_ =	sdelay $0x3  }
0x36: {  	p1 =	seq.s32 s10, $0x1;
	s10 =	sld [smem:$0x3FAC];
	_ =	sdelay $0x3  }
0x37: {  	[smem:$0x3FAC] =	sst s10  }
0x38: {  	s10 =	sld [smem:$0x3FAD]  }
0x39: {  	_ = 	snop;
	(pc) =	sbr.ind lr, $3  }
0x3a: {  	_ = 	snop  }
0x3b: {  	_ = 	snop  }
0x3c: {  	p2 =	seq.s32 s10, $0x1;
	s10 =	sld [smem:$0x3FAC]  }
0x3d: {  	_ =	shalt  }
0x3e: {  	_ =	shalt  }
0x3f: {  	_ =	shalt  }
0x40: {  	_ =	shalt  }
0x41: {  	_ =	shalt  }
0x42: {  	_ =	shalt  }
0x43: {  	_ =	shalt  }
0x44: {  	_ =	shalt  }
0x45: {  	_ =	shalt  }
0x46: {  	_ =	shalt  }
0x47: {  	_ =	shalt  }
0x48: {  	_ =	shalt  }
0x49: {  	_ =	shalt  }
0x4a: {  	_ =	shalt  }
0x4b: {  	_ =	shalt  }
0x4c: {  	_ =	shalt  }
0x4d: {  	_ =	shalt  }
0x4e: {  	_ =	shalt  }
0x4f: {  	_ =	shalt  }
0x50: {  	_ =	shalt  }
0x51: {  	_ =	shalt  }
0x52: {  	_ =	shalt  }
0x53: {  	_ =	shalt  }
0x54: {  	_ =	shalt  }
0x55: {  	_ =	shalt  }
0x56: {  	_ =	shalt  }
0x57: {  	_ =	shalt  }
0x58: {  	_ =	shalt  }
0x59: {  	_ =	shalt  }
0x5a: {  	_ =	shalt  }
0x5b: {  	_ =	shalt  }
0x5c: {  	_ =	shalt  }
0x5d: {  	_ =	shalt  }
0x5e: {  	_ =	shalt  }
0x5f: {  	_ =	shalt  }
0x60: {  	_ =	shalt  }
0x61: {  	_ =	shalt  }
0x62: {  	_ =	shalt  }
0x63: {  	_ =	shalt  }
0x64: {  	_ =	shalt  }
0x65: {  	_ =	shalt  }
0x66: {  	_ =	shalt  }
0x67: {  	_ =	shalt  }
0x68: {  	_ =	shalt  }
0x69: {  	_ =	shalt  }
0x6a: {  	_ =	shalt  }
0x6b: {  	_ =	shalt  }
0x6c: {  	_ =	shalt  }
0x6d: {  	_ =	shalt  }
0x6e: {  	_ =	shalt  }
0x6f: {  	_ =	shalt  }
0x70: {  	_ =	shalt  }
0x71: {  	_ =	shalt  }
0x72: {  	_ =	shalt  }
0x73: {  	_ =	shalt  }
0x74: {  	_ =	shalt  }
0x75: {  	_ =	shalt  }
0x76: {  	_ =	shalt  }
0x77: {  	_ =	shalt  }
0x78: {  	_ =	shalt  }
0x79: {  	_ =	shalt  }
0x7a: {  	_ =	shalt  }
0x7b: {  	_ =	shalt  }
0x7c: {  	_ =	shalt  }
0x7d: {  	_ =	shalt  }
0x7e: {  	_ =	shalt  }
0x7f: {  	_ =	shalt  }
0x80: {  	_ =	shalt  }
0x81: {  	_ =	shalt  }
0x82: {  	_ =	shalt  }
0x83: {  	_ =	shalt  }
0x84: {  	_ =	shalt  }
0x85: {  	_ =	shalt  }
0x86: {  	_ =	shalt  }
0x87: {  	_ =	shalt  }
.Lfunc_end0:
.L_simem_size_0:
called_computation_lowered:
.L_overlay_start_0:
0x88: {  	s2 =	sld [smem:$0x3FD9]  }
0x89: {  	s3 =	sld [smem:$0x3FFE];
	_ =	sdelay $0x1  }
0x8a: {  	s1 =	srdreg.scid  }
0x8b: {  	s0 =	sand.u32 $0x1, s1  }
0x8c: {  	s17 =	sshll.u32 s0, $0xA;
	s2 =	sadd.s32 s3, s2  }
0x8d: {  	s2 =	sadd.s32 s2, s17  }
0x8e: {  	[smem:$0x3FB8] =	sst s2  }
0x8f: {  	_ = 	snop  }
0x90: {  	s2 =	sld [smem:$0x3FD0];
	(tm) =	ssettm $0x1  }
0x91: {  	s18 =	sld [smem:$0x3FFB];
	_ =	sdelay $0x3  }
0x92: {  	_ =	strace s18  }
0x93: {  	s3 =	sld [smem:$0x3FFC];
	_ =	sdelay $0x3  }
0x94: {  	_ =	strace s3  }
0x95: {  	s3 =	sld [smem:$0x3FFD];
	_ =	sdelay $0x3  }
0x96: {  	_ =	strace s3  }
0x97: {  	_ =	strace $0x8FFFFFFF  }
0x98: {  	s19 =	sld [smem:$0x3FDB];
	_ =	sdelay $0x1  }
0x99: {  	s4 =	simm.s32 $_scs_section_size  }
0x9a: {  	s5 =	simm.s32 $_size__tile_overlayer_lowered;
	s6 =	simm.s32 $_tile_overlayer_lowered  }
0x9b: {  	s22 =	simm.s32 $0x1BFF;
	s21 =	sshll.u32 s6, $0x1;
	s3 =	sadd.s32 s4, s19  }
0x9c: {  	s7 =	simm.s32 $0x0;
	s20 =	sshll.u32 s5, $0x1;
	s5 =	sadd.s32 s21, s3  }
0x9d: {  	[timem:s7], [sflag:s22] =	dma.local [hbm:s5], s20  }
0x9e: {  	_ =	swait.ge [sflag:s22], s20  }
0x9f: {  	s4 =	ssub.s32 $0x0, s20;
	[sflag:s22] =	ssyncset.done $0x0  }
0xa0: {  	[sflag:s22] =	ssyncadd.s32 s4;
	_ =	sdelay $0x1  }
0xa1: {  	s23 =	simm.s32 $0x1B8B  }
0xa2: {  	_ =	swait.ge [sflag:s23], $0x1  }
0xa3: {  	[sflag:s23] =	ssyncset.done $0x0  }
0xa4: {  	s25 =	simm.s32 $0x1B8E;
	s24 =	sld [smem:$0x3FFE];
	[sflag:s23] =	ssyncadd.s32 $0xFFFFFFFF  }
0xa5: {  	s26 =	simm.s32 $execute0_lowered;
	[smem:$0x3FD2] =	sst s25  }
0xa6: {  	s5 =	sshll.u32 s26, $0x1;
	_ =	strace $0x80000046;
	[dreg:$0x1] =	wrdreg $0xFFFFFFFF  }
0xa7: {  	s28 =	simm.s32 $_size_execute0_lowered;
	s3 =	sadd.s32 s3, s5;
	[dreg:$0x0] =	wrdreg $0x0  }
0xa8: {  	s5 =	sshll.u32 s28, $0x1;
	[dreg:$0x2] =	wrdreg s3  }
0xa9: {  	[dreg:$0x3] =	wrdreg s5  }
0xaa: {  	[dreg:$0x4] =	wrdreg $0xC0  }
0xab: {  	_ =	task [dreg:s7], $0x5FFFF  }
0xac: {  	[dreg:$0x1] =	wrdreg $0xFFFFFFFF  }
0xad: {  	[dreg:$0x0] =	wrdreg $0x60  }
0xae: {  	[dreg:$0x2] =	wrdreg s24  }
0xaf: {  	[dreg:$0x3] =	wrdreg s2  }
0xb0: {  	[dreg:$0x4] =	wrdreg $0x90800  }
0xb1: {  	[dreg:$0x5] =	wrdreg $0x1D0800  }
0xb2: {  	[dreg:$0x6] =	wrdreg $0x9  }
0xb3: {  	_ =	task.clear_ibuf [dreg:s7], $0x7FFFF;
	_ =	strace $0x90000046  }
0xb4: {  	s29 =	simm.s32 $0x9;
	_ =	strace $0x80000048  }
0xb5: {  	_ =	swait.ge [sflag:s29], $0x1  }
0xb6: {  	[sflag:s29] =	ssyncadd.s32 $0xFFFFFFFF  }
0xb7: {  	_ =	strace $0x90000048  }
0xb8: {  	_ =	sfence  }
0xb9: {  	s30 =	sld [smem:$0x0];
	_ =	sdelay $0x2  }
0xba: {  	s31 =	sshll.u32 s1, $0xD;
	s1 =	sshrl.u32 s1, $0x2  }
0xbb: {  	s3 =	sand.u32 $0x4000, s31;
	s1 =	sadd.s32 s1, s30  }
0xbc: {  	s0 =	sor.u32 s3, s0;
	s1 =	sshll.u32 s1, $0x11  }
0xbd: {  	s0 =	sor.u32 s1, s0  }
0xbe: {  	s0 =	sadd.s32 $0x8F2B, s0  }
0xbf: {  	[sflag:s0] =	ssyncadd.remote.s32 $0x1  }
0xc0: {  	_ =	sfence.sel $0xFFFF  }
0xc1: {  	[dreg:$0x0] =	wrdreg $0xFFFFFFFF;
	(pc) =	sbr.abs _section_cstart, $3  }
0xc2: {  	[dreg:$0x1] =	wrdreg $0xFFFFFFFF  }
0xc3: {  	_ =	task.clear_ibuf [dreg:s7], $0x2FFFF;
	_ =	strace $0x9FFFFFFF  }
0xc4: {  	(tm) =	ssettm $0x7FFFFFFF  }
0xc5: {  	_ =	shalt  }
tec
execute0_lowered:
.L_overlay_start_1:
0x0: {  	(tag) =	ssettag $0x1  }
0x1: {  	s4 =	srdreg.scid  }
0x2: {  	s0 =	rddreg [dreg:$0x0];
	s5 =	sand.u32 $0x1, s4  }
0x3: {  	s1 =	rddreg [dreg:$0x1];
	s6 =	smul.u32 $0x27100, s5  }
0x4: {  	s2 =	rddreg [dreg:$0x2];
	s4 =	simm.s32 $0x0;
	s7 =	smul.u32 $0x28000, s5  }
0x5: {  	s9 =	ssub.s32 $0x2, s5;
	s10 =	sshll.u32 s5, $0x4;
	s5 =	stileid.u32  }
0x6: {  	[smem:$0x7FF] =	sst s4;
	s17 =	smul.u32 $0x5, s5  }
0x7: {  	s3 =	rddreg [dreg:$0x3];
	_ =	strace $0x80000047;
	s12 =	smul.u32 $0x50000, s5  }
0x8: {  	s11 =	sshrl.u32 s9, $0x1;
	s10 =	sadd.s32 s10, s0;
	s13 =	smul.u32 $0x2800, s5  }
0x9: {  	s8 =	sadd.s32 s6, s0;
	s6 =	sadd.s32 $0x1E00, s0;
	s7 =	sadd.s32 s7, s0  }
0xa: {  	s9 =	ssub.s32 s9, s11;
	s10 =	sadd.s32 $0x55C00, s10;
	s7 =	sadd.s32 $0x56600, s7  }
0xb: {  	s14 =	sadd.s32 $0x1, s17;
	s15 =	sadd.s32 $0x2, s17;
	s16 =	sadd.s32 $0x3, s17  }
0xc: {  	s11 =	sadd.s32 $0x4, s17;
	s17 =	smul.u32 $0xA0, s5;
	s18 =	sshll.u32 s14, $0xB  }
0xd: {  	s19 =	sshll.u32 s14, $0x5;
	s20 =	sshll.u32 s15, $0xB;
	s21 =	sshll.u32 s15, $0x5  }
0xe: {  	s22 =	sshll.u32 s16, $0xB;
	s23 =	sshll.u32 s16, $0x5;
	s13 =	sadd.s32 s13, s7  }
0xf: {  	s24 =	sshll.u32 s11, $0xB;
	[dreg:$0x5] =	wrdreg s13;
	s18 =	sadd.s32 s18, s7  }
0x10: {  	s26 =	sshll.u32 s11, $0x5;
	s20 =	sadd.s32 s20, s7;
	[dreg:$0x6] =	wrdreg s18  }
0x11: {  	s25 =	sadd.s32 s22, s7;
	s7 =	sadd.s32 s24, s7;
	[dreg:$0x7] =	wrdreg s20  }
0x12: {  	s22 =	sadd.s32 s21, s10;
	s23 =	sadd.s32 s23, s10;
	[dreg:$0x8] =	wrdreg s25  }
0x13: {  	s24 =	sadd.s32 $0x55000, s0;
	s0 =	sadd.s32 $0x55600, s0;
	[dreg:$0x9] =	wrdreg s7  }
0x14: {  	s21 =	smax.u32 s9, $0x1;
	s13 =	sshll.u32 s15, $0xE;
	[dreg:$0xc] =	wrdreg s22  }
0x15: {  	s18 =	sadd.s32 s17, s10;
	s20 =	sadd.s32 s19, s10;
	[dreg:$0xd] =	wrdreg s23  }
0x16: {  	s7 =	sadd.s32 s26, s10;
	[dreg:$0xf] =	wrdreg s24;
	s25 =	sshrl.u32 s12, $0x2  }
0x17: {  	s26 =	smul.u32 $0xA00, s5;
	[dreg:$0x10] =	wrdreg s0;
	s19 =	sadd.s32 $0x6E00, s8  }
0x18: {  	s10 =	sshll.u32 s14, $0xE;
	s12 =	sshll.u32 s14, $0x7;
	s14 =	sshll.u32 s15, $0x7  }
0x19: {  	s15 =	sshll.u32 s16, $0xE;
	s16 =	sshll.u32 s16, $0x7;
	[dreg:$0xa] =	wrdreg s18  }
0x1a: {  	s17 =	sshll.u32 s11, $0xE;
	s0 =	simm.s32 $0x5080;
	[dreg:$0xb] =	wrdreg s20  }
0x1b: {  	s8 =	simm.s32 $0x5000;
	[dreg:$0xe] =	wrdreg s7;
	s20 =	sadd.s32 s25, s2  }
0x1c: {  	s23 =	sadd.s32 s10, s2;
	s24 =	sadd.s32 s12, s3;
	s25 =	sadd.s32 s13, s2  }
.Ltmp0:
0x1d: {  	s28 =	sadd.s32 s15, s2;
	s29 =	sadd.s32 s16, s3;
	(pc) =	sbr.rel .LBB2_1-.Ltmp0, $4  }
0x1e: {  	s30 =	sadd.s32 s17, s2;
	s18 =	sshll.u32 s11, $0x7;
	s7 =	simm.s32 $0x1  }
0x1f: {  	s10 =	simm.s32 $0x4F00;
	s11 =	simm.s32 $0x2;
	s12 =	simm.s32 $0x4F80  }
0x20: {  	s13 =	simm.s32 $0x80;
	s9 =	sshrl.u32 s26, $0x2;
	s26 =	sadd.s32 s14, s3  }
0x21: {  	v0 =	vimm.f32 $0.0e+00;
	s31 =	sadd.s32 s18, s3;
	s22 =	sadd.s32 s9, s3;
	s9 =	simm.s32 $0x2780  }
.LBB2_9:
0x22: {  	s14 =	sshll.u32 s5, $0x6;
	[bflag:$0x0] =	sbarrier.arrive $0xFFFF  }
0x23: {  	s15 =	sshrl.u32 s20, $0x3;
	s14 =	sor.u32 $0x1C01, s14;
	s16 =	rddreg [dreg:$0x5]  }
0x24: {  	[hbm:s16], [sflag:s14] =	dma.local [spmem:s15], $0x800  }
0x25: {  	_ =	swait.ge [sflag:s7], $0x800  }
0x26: {  	[sflag:s7] =	ssyncset.done $0x0  }
0x27: {  	s17 =	sshrl.u32 s22, $0x3;
	s18 =	rddreg [dreg:$0xa];
	[sflag:s7] =	ssyncadd.s32 $0xFFFFF800  }
0x28: {  	[hbm:s18], [sflag:s14] =	dma.local [spmem:s17], $0x10  }
0x29: {  	_ =	swait.ge [sflag:s7], $0x10  }
0x2a: {  	[sflag:s7] =	ssyncset.done $0x0  }
0x2b: {  	s17 =	sshrl.u32 s23, $0x3;
	s18 =	rddreg [dreg:$0x6];
	[sflag:s7] =	ssyncadd.s32 $0xFFFFFFF0  }
0x2c: {  	[hbm:s18], [sflag:s14] =	dma.local [spmem:s17], $0x800  }
0x2d: {  	_ =	swait.ge [sflag:s7], $0x800  }
0x2e: {  	[sflag:s7] =	ssyncset.done $0x0  }
0x2f: {  	s17 =	sshrl.u32 s24, $0x3;
	s18 =	rddreg [dreg:$0xb];
	[sflag:s7] =	ssyncadd.s32 $0xFFFFF800  }
0x30: {  	[hbm:s18], [sflag:s14] =	dma.local [spmem:s17], $0x10  }
0x31: {  	_ =	swait.ge [sflag:s7], $0x10  }
0x32: {  	[sflag:s7] =	ssyncset.done $0x0  }
0x33: {  	s17 =	sshrl.u32 s25, $0x3;
	s18 =	rddreg [dreg:$0x7];
	[sflag:s7] =	ssyncadd.s32 $0xFFFFFFF0  }
0x34: {  	[hbm:s18], [sflag:s14] =	dma.local [spmem:s17], $0x800  }
0x35: {  	_ =	swait.ge [sflag:s7], $0x800  }
0x36: {  	[sflag:s7] =	ssyncset.done $0x0  }
0x37: {  	s17 =	sshrl.u32 s26, $0x3;
	s18 =	rddreg [dreg:$0xc];
	[sflag:s7] =	ssyncadd.s32 $0xFFFFF800  }
0x38: {  	[hbm:s18], [sflag:s14] =	dma.local [spmem:s17], $0x10  }
0x39: {  	_ =	swait.ge [sflag:s7], $0x10  }
0x3a: {  	[sflag:s7] =	ssyncset.done $0x0  }
0x3b: {  	s17 =	sshrl.u32 s28, $0x3;
	s18 =	rddreg [dreg:$0x8];
	[sflag:s7] =	ssyncadd.s32 $0xFFFFFFF0  }
0x3c: {  	[hbm:s18], [sflag:s14] =	dma.local [spmem:s17], $0x800  }
0x3d: {  	_ =	swait.ge [sflag:s7], $0x800  }
0x3e: {  	[sflag:s7] =	ssyncset.done $0x0  }
0x3f: {  	s17 =	sshrl.u32 s29, $0x3;
	s18 =	rddreg [dreg:$0xd];
	[sflag:s7] =	ssyncadd.s32 $0xFFFFF800  }
0x40: {  	[hbm:s18], [sflag:s14] =	dma.local [spmem:s17], $0x10  }
0x41: {  	_ =	swait.ge [sflag:s7], $0x10  }
0x42: {  	[sflag:s7] =	ssyncset.done $0x0  }
0x43: {  	s17 =	sshrl.u32 s30, $0x3;
	s18 =	rddreg [dreg:$0x9];
	[sflag:s7] =	ssyncadd.s32 $0xFFFFFFF0  }
0x44: {  	[hbm:s18], [sflag:s14] =	dma.local [spmem:s17], $0x800  }
0x45: {  	s4 =	sadd.s32 $0x1, s4;
	_ =	swait.ge [sflag:s7], $0x800  }
0x46: {  	p0 =	sne.s32 s4, s21;
	s17 =	sshrl.u32 s31, $0x3;
	[sflag:s7] =	ssyncset.done $0x0  }
.Ltmp1:
0x47: {  	s18 =	rddreg [dreg:$0xe];
	[sflag:s7] =	ssyncadd.s32 $0xFFFFF800;
	(pc) =	sbr.rel @!p0 .LBB2_10-.Ltmp1, $4  }
0x48: {  	[hbm:s18], [sflag:s14] =	dma.local [spmem:s17], $0x10  }
0x49: {  	_ =	swait.ge [sflag:s7], $0x10  }
0x4a: {  	[sflag:s7] =	ssyncset.done $0x0  }
0x4b: {  	[sflag:s7] =	ssyncadd.s32 $0xFFFFFFF0  }
.LBB2_1:
0x4c: {  	s14 =	simm.s32 $0x0;
	s15 =	simm.s32 $0x200  }
.LBB2_2:
0x4d: {  	p0 =	sne.s32 s15, $0xFE00;
	[tilespmem:s14+$0x50F0] =	vst v0  }
0x4e: {  	[tilespmem:s14+$0x5080] =	vst v0  }
0x4f: {  	[tilespmem:s14+$0x5090] =	vst v0  }
.Ltmp2:
0x50: {  	[tilespmem:s14+$0x50A0] =	vst v0;
	(pc) =	sbr.rel @p0 .LBB2_2-.Ltmp2, $4  }
0x51: {  	[tilespmem:s14+$0x50B0] =	vst v0  }
0x52: {  	[tilespmem:s14+$0x50C0] =	vst v0  }
0x53: {  	[tilespmem:s14+$0x50D0] =	vst v0  }
0x54: {  	[tilespmem:s14+$0x50E0] =	vst v0;
	s14 =	sshra.s32 s15, $0x2;
	s15 =	sadd.s32 $0x200, s15  }
0x55: {  	[tilespmem:s14+$0x50F0] =	vst v0  }
0x56: {  	[tilespmem:s14+$0x5080] =	vst v0  }
0x57: {  	[tilespmem:s14+$0x5090] =	vst v0  }
0x58: {  	[tilespmem:s14+$0x50A0] =	vst v0  }
0x59: {  	[tilespmem:s14+$0x50B0] =	vst v0  }
0x5a: {  	[tilespmem:s14+$0x50C0] =	vst v0  }
0x5b: {  	[tilespmem:s14+$0x50D0] =	vst v0  }
0x5c: {  	[tilespmem:s14+$0x50E0] =	vst v0  }
0x5d: {  	[tilespmem:$0x5000] =	vst v0  }
0x5e: {  	[tilespmem:$0x5010] =	vst v0  }
0x5f: {  	[tilespmem:$0x5020] =	vst v0  }
0x60: {  	[tilespmem:$0x5030] =	vst v0  }
0x61: {  	[tilespmem:$0x5040] =	vst v0  }
0x62: {  	[tilespmem:$0x5050] =	vst v0  }
0x63: {  	[tilespmem:$0x5060] =	vst v0  }
0x64: {  	[tilespmem:$0x5070] =	vst v0  }
0x65: {  	[spmem:s20] =	stream.linear.scatter [tilespmem:s0], [sflag:$0x1], $0x4000, $0x38;
	[tilespmem:$0x1D300] =	vst v63  }
0x66: {  	_ =	swait.ge [sflag:s7], $0x4000  }
0x67: {  	[sflag:s7] =	ssyncset.done $0x0  }
0x68: {  	[sflag:s7] =	ssyncadd.s32 $0xFFFFC000  }
0x69: {  	[spmem:s22] =	stream.linear.scatter [tilespmem:s8], [sflag:$0x1], $0x80, $0x38;
	[tilespmem:$0x1D300] =	vst v63  }
0x6a: {  	_ =	swait.ge [sflag:s7], $0x80  }
0x6b: {  	[sflag:s7] =	ssyncset.done $0x0  }
0x6c: {  	[sflag:s7] =	ssyncadd.s32 $0xFFFFFF80  }
0x6d: {  	[spmem:s23] =	stream.linear.scatter [tilespmem:s0], [sflag:$0x1], $0x4000, $0x38;
	[tilespmem:$0x1D300] =	vst v63  }
0x6e: {  	_ =	swait.ge [sflag:s7], $0x4000  }
0x6f: {  	[sflag:s7] =	ssyncset.done $0x0  }
0x70: {  	[sflag:s7] =	ssyncadd.s32 $0xFFFFC000  }
0x71: {  	[spmem:s24] =	stream.linear.scatter [tilespmem:s8], [sflag:$0x1], $0x80, $0x38;
	[tilespmem:$0x1D300] =	vst v63  }
0x72: {  	_ =	swait.ge [sflag:s7], $0x80  }
0x73: {  	[sflag:s7] =	ssyncset.done $0x0  }
0x74: {  	[sflag:s7] =	ssyncadd.s32 $0xFFFFFF80  }
0x75: {  	[spmem:s25] =	stream.linear.scatter [tilespmem:s0], [sflag:$0x1], $0x4000, $0x38;
	[tilespmem:$0x1D300] =	vst v63  }
0x76: {  	_ =	swait.ge [sflag:s7], $0x4000  }
0x77: {  	[sflag:s7] =	ssyncset.done $0x0  }
0x78: {  	[sflag:s7] =	ssyncadd.s32 $0xFFFFC000  }
0x79: {  	[spmem:s26] =	stream.linear.scatter [tilespmem:s8], [sflag:$0x1], $0x80, $0x38;
	[tilespmem:$0x1D300] =	vst v63  }
0x7a: {  	_ =	swait.ge [sflag:s7], $0x80  }
0x7b: {  	[sflag:s7] =	ssyncset.done $0x0  }
0x7c: {  	[sflag:s7] =	ssyncadd.s32 $0xFFFFFF80  }
0x7d: {  	[spmem:s28] =	stream.linear.scatter [tilespmem:s0], [sflag:$0x1], $0x4000, $0x38;
	[tilespmem:$0x1D300] =	vst v63  }
0x7e: {  	_ =	swait.ge [sflag:s7], $0x4000  }
0x7f: {  	[sflag:s7] =	ssyncset.done $0x0  }
0x80: {  	[sflag:s7] =	ssyncadd.s32 $0xFFFFC000  }
0x81: {  	[spmem:s29] =	stream.linear.scatter [tilespmem:s8], [sflag:$0x1], $0x80, $0x38;
	[tilespmem:$0x1D300] =	vst v63  }
0x82: {  	_ =	swait.ge [sflag:s7], $0x80  }
0x83: {  	[sflag:s7] =	ssyncset.done $0x0  }
0x84: {  	[sflag:s7] =	ssyncadd.s32 $0xFFFFFF80  }
0x85: {  	[spmem:s30] =	stream.linear.scatter [tilespmem:s0], [sflag:$0x1], $0x4000, $0x38;
	[tilespmem:$0x1D300] =	vst v63  }
0x86: {  	_ =	swait.ge [sflag:s7], $0x4000  }
0x87: {  	[sflag:s7] =	ssyncset.done $0x0  }
0x88: {  	[sflag:s7] =	ssyncadd.s32 $0xFFFFC000  }
0x89: {  	[spmem:s31] =	stream.linear.scatter [tilespmem:s8], [sflag:$0x1], $0x80, $0x38;
	[tilespmem:$0x1D300] =	vst v63  }
0x8a: {  	_ =	swait.ge [sflag:s7], $0x80  }
0x8b: {  	[sflag:s7] =	ssyncset.done $0x0  }
0x8c: {  	s14 =	simm.s32 $0x0;
	s15 =	rddreg [dreg:$0xf];
	[sflag:s7] =	ssyncadd.s32 $0xFFFFFF80  }
0x8d: {  	[tilespmem:s14], [sflag:$0x1] =	stream.linear.gather [hbm4b:s15+s14], $0x2780, $0x38;
	[tilespmem:$0x1D300] =	vst v63  }
0x8e: {  	_ =	swait.ge [sflag:s7], $0x2780  }
0x8f: {  	[sflag:s7] =	ssyncset.done $0x0  }
0x90: {  	s18 =	rddreg [dreg:$0x10];
	[sflag:s7] =	ssyncadd.s32 $0xFFFFD880  }
0x91: {  	[tilespmem:s9], [sflag:$0x1] =	stream.linear.gather [hbm4b:s18+s14], $0x2780, $0x38;
	[tilespmem:$0x1D300] =	vst v63  }
.Ltmp3:
0x92: {  	_ =	swait.ge [sflag:s7], $0x2780;
	(pc) =	sbr.rel .LBB2_4-.Ltmp3, $3  }
0x93: {  	[sflag:s7] =	ssyncset.done $0x0  }
0x94: {  	[sflag:s7] =	ssyncadd.s32 $0xFFFFD880  }
0x95: {  	[bflag:$0x0] =	sbarrier.arrive $0xFFFF;
	_ =	sdelay $0x1  }
.LBB2_8:
0x96: {  	s14 =	sadd.s32 $0x1, s14  }
0x97: {  	p0 =	sne.s32 s14, $0x4F  }
.Ltmp4:
0x98: {  	_ = 	snop;
	(pc) =	sbr.rel @!p0 .LBB2_9-.Ltmp4, $1  }
0x99: {  	_ =	sdelay $0x3  }
.LBB2_4:
0x9a: {  	s15 =	sshll.u32 s14, $0x4  }
0x9b: {  	s15 =	sor.u32 s5, s15  }
0x9c: {  	p0 =	sgt.u32 s15, $0x4E1  }
.Ltmp5:
0x9d: {  	_ = 	snop;
	(pc) =	sbr.rel @p0 .LBB2_8-.Ltmp5, $1  }
0x9e: {  	_ =	sdelay $0x3  }
0x9f: {  	s16 =	sshll.u32 s15, $0x4  }
0xa0: {  	s18 =	simm.s32 $0x0;
	s17 =	sadd.s32 s6, s16  }
0xa1: {  	[tilespmem:s10], [sflag:$0x2] =	stream.linear.gather [hbm4b:s17+s18], $0x80, $0x38;
	[tilespmem:$0x1D300] =	vst v63  }
0xa2: {  	_ =	swait.ge [sflag:s11], $0x80  }
0xa3: {  	[sflag:s11] =	ssyncset.done $0x0  }
0xa4: {  	s16 =	sadd.s32 s1, s16;
	[sflag:s11] =	ssyncadd.s32 $0xFFFFFF80  }
0xa5: {  	[tilespmem:s12], [sflag:$0x2] =	stream.linear.gather [hbm4b:s16+s18], $0x80, $0x38;
	[tilespmem:$0x1D300] =	vst v63  }
0xa6: {  	_ =	swait.ge [sflag:s11], $0x80  }
0xa7: {  	[sflag:s11] =	ssyncset.done $0x0  }
0xa8: {  	[sflag:s11] =	ssyncadd.s32 $0xFFFFFF80  }
0xa9: {  	v1 =	vld [tilespmem:$0x4F00]  }
0xaa: {  	v2 =	vld [tilespmem:$0x4F80];
	_ =	sdelay $0x6  }
0xab: {  	v1 =	vld.idx.msk [tilespmem:v1+s18+$0x0], $0xffff  }
0xac: {  	v2 =	vld.idx.msk [tilespmem:v2+s9+$0x0], $0xffff;
	_ =	sdelay $0x4  }
0xad: {  	v1 =	vadd.f32 v2, v1;
	_ =	sdelay $0x1  }
0xae: {  	v2 =	vmul.f32 $2.000000030e-01, v1;
	_ =	sdelay $0x1  }
0xaf: {  	v1 =	vmax.f32 v1, v2  }
0xb0: {  	v1 =	vmul.f32 $1.442695020e+00, v1;
	_ =	sdelay $0x1  }
0xb1: {  	(erf) = vpow2.f32 v1;
	_ =	sdelay $0x2  }
0xb2: {  	v1 =	vld [tilespmem:$0x4F10]  }
0xb3: {  	v2 =	vld [tilespmem:$0x4F90];
	_ =	sdelay $0x4  }
0xb4: {  	v3 =	vpop (erf)  }
0xb5: {  	[tilespmem:$0x5000] =	vst v3  }
0xb6: {  	v1 =	vld.idx.msk [tilespmem:v1+s18+$0x0], $0xffff  }
0xb7: {  	v2 =	vld.idx.msk [tilespmem:v2+s9+$0x0], $0xffff;
	_ =	sdelay $0x4  }
0xb8: {  	v1 =	vadd.f32 v2, v1;
	_ =	sdelay $0x1  }
0xb9: {  	v2 =	vmul.f32 $2.000000030e-01, v1;
	_ =	sdelay $0x1  }
0xba: {  	v1 =	vmax.f32 v1, v2  }
0xbb: {  	v1 =	vmul.f32 $1.442695020e+00, v1;
	_ =	sdelay $0x1  }
0xbc: {  	(erf) = vpow2.f32 v1;
	_ =	sdelay $0x2  }
0xbd: {  	v1 =	vld [tilespmem:$0x4F20]  }
0xbe: {  	v2 =	vld [tilespmem:$0x4FA0];
	_ =	sdelay $0x4  }
0xbf: {  	v3 =	vpop (erf)  }
0xc0: {  	[tilespmem:$0x5010] =	vst v3  }
0xc1: {  	v1 =	vld.idx.msk [tilespmem:v1+s18+$0x0], $0xffff  }
0xc2: {  	v2 =	vld.idx.msk [tilespmem:v2+s9+$0x0], $0xffff;
	_ =	sdelay $0x4  }
0xc3: {  	v1 =	vadd.f32 v2, v1;
	_ =	sdelay $0x1  }
0xc4: {  	v2 =	vmul.f32 $2.000000030e-01, v1;
	_ =	sdelay $0x1  }
0xc5: {  	v1 =	vmax.f32 v1, v2  }
0xc6: {  	v1 =	vmul.f32 $1.442695020e+00, v1;
	_ =	sdelay $0x1  }
0xc7: {  	(erf) = vpow2.f32 v1;
	_ =	sdelay $0x2  }
0xc8: {  	v1 =	vld [tilespmem:$0x4F30]  }
0xc9: {  	v2 =	vld [tilespmem:$0x4FB0];
	_ =	sdelay $0x4  }
0xca: {  	v3 =	vpop (erf)  }
0xcb: {  	[tilespmem:$0x5020] =	vst v3  }
0xcc: {  	v1 =	vld.idx.msk [tilespmem:v1+s18+$0x0], $0xffff  }
0xcd: {  	v2 =	vld.idx.msk [tilespmem:v2+s9+$0x0], $0xffff;
	_ =	sdelay $0x4  }
0xce: {  	v1 =	vadd.f32 v2, v1;
	_ =	sdelay $0x1  }
0xcf: {  	v2 =	vmul.f32 $2.000000030e-01, v1;
	_ =	sdelay $0x1  }
0xd0: {  	v1 =	vmax.f32 v1, v2  }
0xd1: {  	v1 =	vmul.f32 $1.442695020e+00, v1;
	_ =	sdelay $0x1  }
0xd2: {  	(erf) = vpow2.f32 v1;
	_ =	sdelay $0x2  }
0xd3: {  	v1 =	vld [tilespmem:$0x4F40]  }
0xd4: {  	v2 =	vld [tilespmem:$0x4FC0];
	_ =	sdelay $0x4  }
0xd5: {  	v3 =	vpop (erf)  }
0xd6: {  	[tilespmem:$0x5030] =	vst v3  }
0xd7: {  	v1 =	vld.idx.msk [tilespmem:v1+s18+$0x0], $0xffff  }
0xd8: {  	v2 =	vld.idx.msk [tilespmem:v2+s9+$0x0], $0xffff;
	_ =	sdelay $0x4  }
0xd9: {  	v1 =	vadd.f32 v2, v1;
	_ =	sdelay $0x1  }
0xda: {  	v2 =	vmul.f32 $2.000000030e-01, v1;
	_ =	sdelay $0x1  }
0xdb: {  	v1 =	vmax.f32 v1, v2  }
0xdc: {  	v1 =	vmul.f32 $1.442695020e+00, v1;
	_ =	sdelay $0x1  }
0xdd: {  	(erf) = vpow2.f32 v1;
	_ =	sdelay $0x2  }
0xde: {  	v1 =	vld [tilespmem:$0x4F50]  }
0xdf: {  	v2 =	vld [tilespmem:$0x4FD0];
	_ =	sdelay $0x4  }
0xe0: {  	v3 =	vpop (erf)  }
0xe1: {  	[tilespmem:$0x5040] =	vst v3  }
0xe2: {  	v1 =	vld.idx.msk [tilespmem:v1+s18+$0x0], $0xffff  }
0xe3: {  	v2 =	vld.idx.msk [tilespmem:v2+s9+$0x0], $0xffff;
	_ =	sdelay $0x4  }
0xe4: {  	v1 =	vadd.f32 v2, v1;
	_ =	sdelay $0x1  }
0xe5: {  	v2 =	vmul.f32 $2.000000030e-01, v1;
	_ =	sdelay $0x1  }
0xe6: {  	v1 =	vmax.f32 v1, v2  }
0xe7: {  	v1 =	vmul.f32 $1.442695020e+00, v1;
	_ =	sdelay $0x1  }
0xe8: {  	(erf) = vpow2.f32 v1;
	_ =	sdelay $0x2  }
0xe9: {  	v1 =	vld [tilespmem:$0x4F60]  }
0xea: {  	v2 =	vld [tilespmem:$0x4FE0];
	_ =	sdelay $0x4  }
0xeb: {  	v3 =	vpop (erf)  }
0xec: {  	[tilespmem:$0x5050] =	vst v3  }
0xed: {  	v1 =	vld.idx.msk [tilespmem:v1+s18+$0x0], $0xffff  }
0xee: {  	v2 =	vld.idx.msk [tilespmem:v2+s9+$0x0], $0xffff;
	_ =	sdelay $0x4  }
0xef: {  	v1 =	vadd.f32 v2, v1;
	_ =	sdelay $0x1  }
0xf0: {  	v2 =	vmul.f32 $2.000000030e-01, v1;
	_ =	sdelay $0x1  }
0xf1: {  	v1 =	vmax.f32 v1, v2  }
0xf2: {  	v1 =	vmul.f32 $1.442695020e+00, v1;
	_ =	sdelay $0x1  }
0xf3: {  	(erf) = vpow2.f32 v1;
	_ =	sdelay $0x2  }
0xf4: {  	v1 =	vld [tilespmem:$0x4F70]  }
0xf5: {  	v2 =	vld [tilespmem:$0x4FF0];
	_ =	sdelay $0x4  }
0xf6: {  	v3 =	vpop (erf)  }
0xf7: {  	[tilespmem:$0x5060] =	vst v3  }
0xf8: {  	v1 =	vld.idx.msk [tilespmem:v1+s18+$0x0], $0xffff  }
0xf9: {  	v2 =	vld.idx.msk [tilespmem:v2+s9+$0x0], $0xffff;
	_ =	sdelay $0x4  }
0xfa: {  	v1 =	vadd.f32 v2, v1;
	_ =	sdelay $0x1  }
0xfb: {  	v2 =	vmul.f32 $2.000000030e-01, v1;
	_ =	sdelay $0x1  }
0xfc: {  	v1 =	vmax.f32 v1, v2  }
0xfd: {  	v1 =	vmul.f32 $1.442695020e+00, v1;
	_ =	sdelay $0x1  }
0xfe: {  	(erf) = vpow2.f32 v1;
	_ =	sdelay $0x8  }
0xff: {  	v1 =	vpop (erf)  }
0x100: {  	[tilespmem:$0x5070] =	vst v1  }
0x101: {  	[tilespmem:s0], [sflag:$0x2] =	stream.indirect.gather [hbm4b:s19+s13], $0x80, s10, s13, $0xb8;
	[tilespmem:$0x1D300] =	vst v63  }
0x102: {  	_ =	swait.ge [sflag:s11], $0x4000  }
0x103: {  	v1 =	vmov s18;
	[sflag:s11] =	ssyncset.done $0x0  }
0x104: {  	s15 =	simm.s32 $0x50C0;
	[sflag:s11] =	ssyncadd.s32 $0xFFFFC000  }
0x105: {  	v5 =	vld [tilespmem:s15+$0x30]  }
0x106: {  	v8 =	vld [tilespmem:s15+$0x10]  }
0x107: {  	v6 =	vld [tilespmem:s15+$0xFFFFFFC0]  }
0x108: {  	v2 =	vld.idx.msk [tilespmem:v1+s8+$0x0], $0xffff  }
0x109: {  	v10 =	vld [tilespmem:s15+$0xFFFFFFE0]  }
0x10a: {  	v1 =	vld [tilespmem:s15+$0xFFFFFFF0]  }
0x10b: {  	v3 =	vld [tilespmem:s15+$0x20]  }
0x10c: {  	v4 =	vld [tilespmem:s15+$0xFFFFFFD0]  }
0x10d: {  	v9 =	vmul.f32 v5, v2;
	v5 =	vld [tilespmem:s15+$0x0]  }
0x10e: {  	v7 =	vmul.f32 v6, v2  }
0x10f: {  	s17 =	simm.s32 $0x50C0;
	s16 =	simm.s32 $0x1;
	v6 =	vmul.f32 v10, v2;
	v8 =	vmul.f32 v8, v2  }
.LBB2_6:
0x110: {  	p0 =	sne.s32 s16, $0x7F  }
0x111: {  	v4 =	vmul.f32 v4, v2;
	v3 =	vmul.f32 v3, v2;
	[tilespmem:s15+$0x30] =	vst v9;
	s17 =	sadd.s32 $0x80, s17;
	s18 =	smov.u32 s16;
	s16 =	sadd.s32 $0x1, s16  }
0x112: {  	[tilespmem:s15+$0xFFFFFFC0] =	vst v7;
	v7 =	vmul.f32 v1, v2;
	v2 =	vmul.f32 v5, v2  }
0x113: {  	[tilespmem:s15+$0x10] =	vst v8  }
0x114: {  	v5 =	vmov s18;
	[tilespmem:s15+$0xFFFFFFE0] =	vst v6  }
0x115: {  	v1 =	vld [tilespmem:s17+$0xFFFFFFF0];
	[tilespmem:s15+$0xFFFFFFF0] =	vst v7  }
0x116: {  	v6 =	vld [tilespmem:s17+$0x30];
	[tilespmem:s15+$0x0] =	vst v2  }
0x117: {  	v8 =	vld [tilespmem:s17+$0x10];
	[tilespmem:s15+$0x20] =	vst v3  }
0x118: {  	v7 =	vld [tilespmem:s17+$0xFFFFFFC0];
	[tilespmem:s15+$0xFFFFFFD0] =	vst v4;
	s15 =	smov.u32 s17  }
0x119: {  	v2 =	vld.idx.msk [tilespmem:v5+s8+$0x0], $0xffff  }
0x11a: {  	v10 =	vld [tilespmem:s17+$0xFFFFFFE0]  }
0x11b: {  	v3 =	vld [tilespmem:s17+$0x20]  }
.Ltmp6:
0x11c: {  	v4 =	vld [tilespmem:s17+$0xFFFFFFD0];
	(pc) =	sbr.rel @p0 .LBB2_6-.Ltmp6, $3  }
0x11d: {  	v5 =	vld [tilespmem:s17+$0x0];
	_ =	sdelay $0x1  }
0x11e: {  	v7 =	vmul.f32 v7, v2;
	v9 =	vmul.f32 v6, v2  }
0x11f: {  	v8 =	vmul.f32 v8, v2;
	v6 =	vmul.f32 v10, v2  }
0x120: {  	[tilespmem:s15+$0x30] =	vst v9  }
0x121: {  	[tilespmem:s15+$0xFFFFFFC0] =	vst v7  }
0x122: {  	v1 =	vmul.f32 v1, v2;
	[tilespmem:s15+$0x10] =	vst v8  }
0x123: {  	v3 =	vmul.f32 v3, v2;
	[tilespmem:s15+$0xFFFFFFE0] =	vst v6  }
0x124: {  	v5 =	vmul.f32 v5, v2;
	[tilespmem:s15+$0xFFFFFFF0] =	vst v1  }
0x125: {  	v1 =	vmul.f32 v4, v2;
	[tilespmem:s15+$0x20] =	vst v3  }
0x126: {  	[tilespmem:s15+$0x0] =	vst v5  }
0x127: {  	[tilespmem:s15+$0xFFFFFFD0] =	vst v1  }
0x128: {  	[spmem:s2] =	stream.indirect.scatter.add.f32 [tilespmem:s0], [sflag:$0x2], $0x80, s12, s13, $0xb8;
	[tilespmem:$0x1D300] =	vst v63  }
0x129: {  	_ =	swait.ge [sflag:s11], $0x4000  }
0x12a: {  	[sflag:s11] =	ssyncset.done $0x0  }
.Ltmp7:
0x12b: {  	[sflag:s11] =	ssyncadd.s32 $0xFFFFC000;
	(pc) =	sbr.rel .LBB2_8-.Ltmp7, $4  }
0x12c: {  	[spmem:s3] =	stream.indirect.scatter.add.f32 [tilespmem:s8], [sflag:$0x1], $0x1, s12, s13, $0xb8;
	[tilespmem:$0x1D300] =	vst v63  }
0x12d: {  	_ =	swait.ge [sflag:s7], $0x80  }
0x12e: {  	[sflag:s7] =	ssyncset.done $0x0  }
0x12f: {  	[sflag:s7] =	ssyncadd.s32 $0xFFFFFF80  }
.LBB2_10:
0x130: {  	_ =	sfence.sel $0x180000  }
0x131: {  	[bflag:$0x0] =	sbarrier.arrive $0xFFFF  }
0x132: {  	_ =	strace $0x90000047  }
0x133: {  	[bflag:$0x2] =	sbarrier.arrive $0xFFFF  }
0x134: {  	p0 =	sne.s32 s5, $0x0;
	s0 =	rddreg [dreg:$0x4]  }
0x135: {  	s0 =	sadd.s32 @!p0 $0x100000, s0  }
0x136: {  	[sflag:s0] =	ssyncadd.tile.s32 @!p0 $0x1;
	_ =	shalt  }
.Lfunc_end2:
_tile_overlayer_lowered:
.L_overlay_start_2:
0x137: {  	(tag) =	ssettag $0x2  }
0x138: {  	s0 =	rddreg [dreg:$0x0];
	s2 =	stileid.u32  }
0x139: {  	s1 =	rddreg [dreg:$0x1];
	p0 =	sne.s32 s2, $0x0  }
0x13a: {  	s3 =	rddreg [dreg:$0x2];
	[bflag:$0x3] =	sbarrier.arrive $0xFFFF;
	s2 =	simm.s32 @!p0 $0x1C01  }
0x13b: {  	[timem:s3], [sflag:s2] =	dma.local @!p0 [hbm:s0], s1  }
0x13c: {  	s0 =	simm.s32 @!p0 $0x1  }
0x13d: {  	_ =	swait.ge @!p0 [sflag:s0], s1  }
0x13e: {  	s1 =	ssub.s32 @!p0 $0x0, s1;
	[sflag:s0] =	ssyncset.done @!p0 $0x0  }
0x13f: {  	[sflag:s0] =	ssyncadd.s32 @!p0 s1  }
0x140: {  	[bflag:$0x3] =	sbarrier.arrive $0xFFFF  }
0x141: {  	_ =	shalt  }

</sc_bundles>
